<compile_context>
chip_gen: v7x
topology: tpu7x:2x2x1
jax: 0.10.2.dev20260603
libtpu: 0.0.44.dev20260713+nightly
codegen_flags: <defaults>
</compile_context>

<pallas_src>
import functools

import jax
import jax.numpy as jnp
from jax import lax
from jax.experimental import pallas as pl
from jax.experimental.pallas import tpu as pltpu
from jax.experimental.pallas import tpu_sc as plsc

_N = 1048576
_CELLS = 128
_NC, _NS, _L = 2, 16, 16
_NW = _NC * _NS
_PPW = _N // _NW
_C = 4096
_NCHUNK = _PPW // _C
_GP = _C // _L

_mesh = plsc.VectorSubcoreMesh(core_axis_name="c", subcore_axis_name="s")


def _bank_types():
    return [
        pltpu.VMEM((_C,), jnp.float32),
        pltpu.VMEM((_C,), jnp.int32),
        pltpu.VMEM((_C,), jnp.int32),
        pltpu.VMEM((_C,), jnp.int32),
        pltpu.VMEM((_C,), jnp.int32),
        pltpu.VMEM((_C,), jnp.int32),
        pltpu.VMEM((_C,), jnp.float32),
        pltpu.VMEM((_C,), jnp.float32),
        pltpu.VMEM((_C,), jnp.float32),
        pltpu.VMEM((_C,), jnp.float32),
        pltpu.SemaphoreType.DMA,
    ]


@functools.partial(
    pl.kernel,
    out_type=(
        jax.ShapeDtypeStruct((4 * _N,), jnp.float32),
        jax.ShapeDtypeStruct((_N,), jnp.float32),
    ),
    mesh=_mesh,
    compiler_params=pltpu.CompilerParams(
        needs_layout_passes=False, use_tc_tiling_on_sc=False),
    scratch_types=[
        pltpu.VMEM((4 * _C,), jnp.float32),
        pltpu.VMEM((4 * _C,), jnp.float32),
        pltpu.VMEM((_C,), jnp.float32),
    ] + _bank_types() + _bank_types(),
)
def _voxel_sc(xp_hbm, grid_hbm, rgb_hbm, den_hbm,
              xyz_v, rgb_v, den_v, *banks):
    wid = lax.axis_index("s") * _NC + lax.axis_index("c")
    bank_a = banks[:11]
    bank_b = banks[11:]

    def to_cell(v):
        i = (v * jnp.float32(_CELLS) + jnp.float32(_CELLS // 2)).astype(jnp.int32)
        return jnp.clip(i, 0, _CELLS - 1)

    zeros16 = jnp.zeros((_L,), jnp.int32)

    def zinit(i, _):
        bank_a[2][pl.ds(i * _L, _L)] = zeros16
        bank_b[2][pl.ds(i * _L, _L)] = zeros16
        return 0

    lax.fori_loop(0, _GP, zinit, 0)

    def pass1_fire(bank, ci):
        cond_v, pos_v = bank[0], bank[1]
        idx_refs = bank[2:6]
        sem = bank[10]
        base = wid * _PPW + ci * _C
        pltpu.sync_copy(xp_hbm.at[pl.ds(4 * base, 4 * _C)], xyz_v)

        def pass1(g, off):
            for t in range(2):
                s = (g * 2 + t) * _L
                sb = ((s >> 7) << 9) + (s & 127)
                x = xyz_v[pl.ds(sb, _L)]
                y = xyz_v[pl.ds(sb + 128, _L)]
                z = xyz_v[pl.ds(sb + 256, _L)]
                half = jnp.float32(0.5)
                cond = ((jnp.abs(x) < half) & (jnp.abs(y) < half)
                        & (jnp.abs(z) < half))
                maski = cond.astype(jnp.int32)
                e = (to_cell(x) * 128 + to_cell(y)) * 512 + to_cell(z)
                cond_v[pl.ds(s, _L)] = cond.astype(jnp.float32)
                pos_v[pl.ds(s, _L)] = off + plsc.cumsum(maski) - 1
                plsc.store_compressed(idx_refs[0].at[pl.ds(off, _L)], e,
                                      mask=cond)
                off = off + plsc.all_reduce_population_count(cond)[0]
            return off

        cnt = lax.fori_loop(0, _GP // 2, pass1, jnp.int32(0))
        ndma = (cnt + 127) >> 7

        def derive(g, _):
            s = g * _L
            b = idx_refs[0][pl.ds(s, _L)]
            idx_refs[1][pl.ds(s, _L)] = b + 128
            idx_refs[2][pl.ds(s, _L)] = b + 256
            idx_refs[3][pl.ds(s, _L)] = b + 384
            return 0

        lax.fori_loop(0, ndma * 8, derive, 0)

        def fire(j, _):
            for c in range(4):
                pltpu.make_async_copy(
                    grid_hbm.at[idx_refs[c].at[pl.ds(j * 128, 128)]],
                    bank[6 + c].at[pl.ds(j * 128, 128)], sem).start()
            return 0

        lax.fori_loop(0, ndma, fire, 0)
        return ndma

    def drain_pass2(bank, ci, ndma):
        cond_v, pos_v = bank[0], bank[1]
        idx_refs = bank[2:6]
        val_refs = bank[6:10]
        sem = bank[10]

        def drain(j, _):
            for c in range(4):
                pltpu.make_async_copy(
                    grid_hbm.at[idx_refs[c].at[pl.ds(j * 128, 128)]],
                    val_refs[c].at[pl.ds(j * 128, 128)], sem).wait()
            return 0

        lax.fori_loop(0, ndma, drain, 0)

        def pass2(g, _):
            for t in range(2):
                g2 = g * 2 + t
                s = g2 * _L
                condf = cond_v[pl.ds(s, _L)]
                mask = condf > jnp.float32(0.5)
                pos = pos_v[pl.ds(s, _L)]
                obase = (g2 >> 3) * 512 + (g2 & 7) * _L
                one = jnp.float32(1.0)
                for c in range(3):
                    v = plsc.load_gather(val_refs[c], [pos], mask=mask)
                    v = jnp.where(mask, v, jnp.float32(0.0))
                    rgb_v[pl.ds(obase + c * 128, _L)] = one / (one + jnp.exp(-v))
                d = plsc.load_gather(val_refs[3], [pos], mask=mask)
                d = jnp.where(mask, d, jnp.float32(0.0))
                den_v[pl.ds(s, _L)] = jnp.maximum(d, 0.0)
            return 0

        lax.fori_loop(0, _GP // 2, pass2, 0)
        base = wid * _PPW + ci * _C
        pltpu.sync_copy(rgb_v, rgb_hbm.at[pl.ds(4 * base, 4 * _C)])
        pltpu.sync_copy(den_v, den_hbm.at[pl.ds(base, _C)])

    def macro(m, ndma_b_prev):
        ndma_a = pass1_fire(bank_a, 2 * m)

        @pl.when(m > 0)
        def _():
            drain_pass2(bank_b, 2 * m - 1, ndma_b_prev)

        ndma_b = pass1_fire(bank_b, 2 * m + 1)
        drain_pass2(bank_a, 2 * m, ndma_a)
        return ndma_b

    ndma_last = lax.fori_loop(0, _NCHUNK // 2, macro, jnp.int32(0))
    drain_pass2(bank_b, _NCHUNK - 1, ndma_last)


def kernel(xyz, grid):
    grid_lin = grid.transpose(0, 1, 3, 2).reshape(-1)
    xp = jnp.pad(xyz, ((0, 0), (0, 1)))
    xp = xp.reshape(_N // 128, 128, 4).transpose(0, 2, 1).reshape(4 * _N)
    xp = jnp.minimum(xp, jnp.float32(1.0))
    rgb4, den = _voxel_sc(xp, grid_lin)
    rgb = rgb4.reshape(_N // 128, 4, 128)[:, :3, :].transpose(0, 2, 1)
    rgb = jnp.minimum(rgb.reshape(_N, 3), jnp.float32(1.0))
    return rgb, den.reshape(_N, 1)

# --- scband reference (transcript-rebuilt; emitter-appended) ---
"""Pipeline reference for scband-voxel-13889924235700 (READ-ONLY COPY).

The authoritative reference and input builder live on the scoring server;
editing this copy changes nothing except your own understanding.
"""

import jax, jax.numpy as jnp
import numpy as np

NUM_CELLS = 128
SCALE = 1.0
N_POINTS = 1048576

def setup_inputs(seed: int = 0) -> dict:
    key = jax.random.key(seed)
    k1, k2 = jax.random.split(key)
    # points in [0, 1); roughly 1/8 of them satisfy |coord| < scale/2 in all dims
    xyz = jax.random.uniform(k1, (N_POINTS, 3), dtype=jnp.float32)
    # learned voxel grid parameter: [num_cells, num_cells, num_cells, 4]
    grid = jax.random.uniform(k2, (NUM_CELLS, NUM_CELLS, NUM_CELLS, 4), dtype=jnp.float32)
    return {"xyz": xyz, "grid": grid}

def reference(xyz, grid):
    scale = SCALE
    num_cells = NUM_CELLS
    x = xyz[:, 0]
    y = xyz[:, 1]
    z = xyz[:, 2]
    cond = (jnp.abs(x) < scale / 2) & (jnp.abs(y) < scale / 2) & (jnp.abs(z) < scale / 2)

    def to_idx(v):
        # torch .type(torch.long) truncates toward zero; for in-bounds points the
        # shifted value is non-negative so trunc == astype(int32) here.
        idx = (v / (scale / num_cells) + num_cells / 2).astype(jnp.int32)
        # clamp out-of-bounds indices (their gathered values are masked to zero anyway)
        return jnp.clip(idx, 0, num_cells - 1)

    ix = to_idx(x)
    iy = to_idx(y)
    iz = to_idx(z)
    gathered = grid[ix, iy, iz, :]  # [N, 4] gather
    # color_and_density starts as zeros; only cond rows get the gathered values
    color_and_density = jnp.where(cond[:, None], gathered, 0.0)
    rgb = jax.nn.sigmoid(color_and_density[:, :3])
    density = jax.nn.relu(color_and_density[:, 3:4])
    return (rgb, density)

if __name__ == "__main__":
    import jax
    _d = setup_inputs()
    print(jax.jit(kernel)(*tuple(_d.values())))

</pallas_src>

<mosaic_0001>
#map = affine_map<(d0, d1) -> (0)>
module attributes {stable_mosaic.version = 14 : i64} {
  func.func @_voxel_sc(%arg0: i32, %arg1: i32, %arg2: memref<4194304xf32, #tpu.memory_space<hbm>>, %arg3: memref<8388608xf32, #tpu.memory_space<hbm>>, %arg4: memref<4194304xf32, #tpu.memory_space<hbm>>, %arg5: memref<1048576xf32, #tpu.memory_space<hbm>>, %arg6: memref<16384xf32, #tpu.memory_space<vmem>>, %arg7: memref<16384xf32, #tpu.memory_space<vmem>>, %arg8: memref<4096xf32, #tpu.memory_space<vmem>>, %arg9: memref<4096xf32, #tpu.memory_space<vmem>>, %arg10: memref<4096xi32, #tpu.memory_space<vmem>>, %arg11: memref<4096xi32, #tpu.memory_space<vmem>>, %arg12: memref<4096xi32, #tpu.memory_space<vmem>>, %arg13: memref<4096xi32, #tpu.memory_space<vmem>>, %arg14: memref<4096xi32, #tpu.memory_space<vmem>>, %arg15: memref<4096xf32, #tpu.memory_space<vmem>>, %arg16: memref<4096xf32, #tpu.memory_space<vmem>>, %arg17: memref<4096xf32, #tpu.memory_space<vmem>>, %arg18: memref<4096xf32, #tpu.memory_space<vmem>>, %arg19: memref<!tpu.dma_semaphore, #tpu.memory_space<semaphore_mem>>, %arg20: memref<4096xf32, #tpu.memory_space<vmem>>, %arg21: memref<4096xi32, #tpu.memory_space<vmem>>, %arg22: memref<4096xi32, #tpu.memory_space<vmem>>, %arg23: memref<4096xi32, #tpu.memory_space<vmem>>, %arg24: memref<4096xi32, #tpu.memory_space<vmem>>, %arg25: memref<4096xi32, #tpu.memory_space<vmem>>, %arg26: memref<4096xf32, #tpu.memory_space<vmem>>, %arg27: memref<4096xf32, #tpu.memory_space<vmem>>, %arg28: memref<4096xf32, #tpu.memory_space<vmem>>, %arg29: memref<4096xf32, #tpu.memory_space<vmem>>, %arg30: memref<!tpu.dma_semaphore, #tpu.memory_space<semaphore_mem>>) attributes {dimension_semantics = [#tpu.dimension_semantics<core_parallel>, #tpu.dimension_semantics<subcore_parallel>], iteration_bounds = array<i64: 2, 16>, scalar_prefetch = 0 : i64, scratch_operands = 25 : i64, tpu.core_type = #tpu.core_type<sc_vector_subcore>, window_params = [{transform_indices = #map}, {transform_indices = #map}, {transform_indices = #map}, {transform_indices = #map}]} {
    %mul3A = arith.constant 2 : i32
    %mul3A_0 = arith.muli %arg1, %mul3A : i32
    %add3A = arith.addi %mul3A_0, %arg0 : i32
    %broadcast_in_dim3A = arith.constant 0 : i32
    %broadcast_in_dim3A_1 = vector.broadcast %broadcast_in_dim3A : i32 to vector<16xi32>
    %scan3A = arith.constant 0 : i32
    %scan3A_2 = arith.constant 0 : i32
    %scan3A_3 = arith.constant 256 : i32
    %scan3A_4 = arith.addi %scan3A_2, %scan3A_3 : i32
    %scan3A_5 = arith.constant 1 : i32
    %scan3A_6 = scf.for %scan3A_39 = %scan3A_2 to %scan3A_4 step %scan3A_5 iter_args(%scan3A_40 = %scan3A) -> (i32)  : i32 {
      %mul3A_41 = arith.constant 16 : i32
      %mul3A_42 = arith.muli %scan3A_39, %mul3A_41 : i32
      %swap3A = arith.index_cast %mul3A_42 : i32 to index
      %swap3A_43 = tpu.vector_load %arg11[%swap3A] {strides = array<i32>} : memref<4096xi32, #tpu.memory_space<vmem>>, vector<16xi32>,
      tpu.vector_store %arg11[%swap3A], %broadcast_in_dim3A_1 {strides = array<i32>} : memref<4096xi32, #tpu.memory_space<vmem>>, vector<16xi32>,
      %mul3A_44 = arith.constant 16 : i32
      %mul3A_45 = arith.muli %scan3A_39, %mul3A_44 : i32
      %swap3A_46 = arith.index_cast %mul3A_45 : i32 to index
      %swap3A_47 = tpu.vector_load %arg22[%swap3A_46] {strides = array<i32>} : memref<4096xi32, #tpu.memory_space<vmem>>, vector<16xi32>,
      tpu.vector_store %arg22[%swap3A_46], %broadcast_in_dim3A_1 {strides = array<i32>} : memref<4096xi32, #tpu.memory_space<vmem>>, vector<16xi32>,
      %scan3A_48 = arith.constant 0 : i32
      scf.yield %scan3A_48 : i32
    }
    %scan3A_7 = arith.constant 256 : i32
    %scan3A_8 = arith.constant 0 : i32
    %scan3A_9 = arith.constant 0 : i32
    %scan3A_10 = arith.constant 4 : i32
    %scan3A_11 = arith.addi %scan3A_9, %scan3A_10 : i32
    %scan3A_12 = arith.constant 1 : i32
    %scan3A_13 = scf.for %scan3A_39 = %scan3A_9 to %scan3A_11 step %scan3A_12 iter_args(%scan3A_40 = %scan3A_8) -> (i32)  : i32 {
      %mul3A_41 = arith.constant 2 : i32
      %mul3A_42 = arith.muli %mul3A_41, %scan3A_39 : i32
      %mul3A_43 = arith.constant 32768 : i32
      %mul3A_44 = arith.muli %add3A, %mul3A_43 : i32
      %mul3A_45 = arith.constant 4096 : i32
      %mul3A_46 = arith.muli %mul3A_42, %mul3A_45 : i32
      %add3A_47 = arith.addi %mul3A_44, %mul3A_46 : i32
      %mul3A_48 = arith.constant 4 : i32
      %mul3A_49 = arith.muli %mul3A_48, %add3A_47 : i32
      "tpu.region"() ({
        %run_scoped3A = tpu.sem_alloc : memref<!tpu.dma_semaphore, #tpu.memory_space<semaphore_mem>>
        %dma_start3A = tpu.memref_slice %arg2[%mul3A_49] : memref<4194304xf32, #tpu.memory_space<hbm>> -> memref<16384xf32, #tpu.memory_space<hbm>>
        %dma_start3A_164 = tpu.memref_slice %arg2[%mul3A_49] : memref<4194304xf32, #tpu.memory_space<hbm>> -> memref<16384xf32, #tpu.memory_space<hbm>>
        tpu.enqueue_dma source(%dma_start3A_164 : memref<16384xf32, #tpu.memory_space<hbm>>) target(%arg6 : memref<16384xf32, #tpu.memory_space<vmem>>) target_semaphore(%run_scoped3A : memref<!tpu.dma_semaphore, #tpu.memory_space<semaphore_mem>>)
        %dma_wait3A = tpu.memref_slice %arg2[%mul3A_49] : memref<4194304xf32, #tpu.memory_space<hbm>> -> memref<16384xf32, #tpu.memory_space<hbm>>
        %dma_wait3A_165 = tpu.memref_slice %arg2[%mul3A_49] : memref<4194304xf32, #tpu.memory_space<hbm>> -> memref<16384xf32, #tpu.memory_space<hbm>>
        tpu.wait_dma2 semaphore(%run_scoped3A : memref<!tpu.dma_semaphore, #tpu.memory_space<semaphore_mem>>) src(%dma_wait3A_165 : memref<16384xf32, #tpu.memory_space<hbm>>) dst(%arg6 : memref<16384xf32, #tpu.memory_space<vmem>>)
        tpu.yield
      }) : () -> ()
      %scan3A_50 = arith.constant 0 : i32
      %scan3A_51 = arith.constant 0 : i32
      %scan3A_52 = arith.constant 128 : i32
      %scan3A_53 = arith.addi %scan3A_51, %scan3A_52 : i32
      %scan3A_54 = arith.constant 1 : i32
      %scan3A_55 = scf.for %scan3A_164 = %scan3A_51 to %scan3A_53 step %scan3A_54 iter_args(%scan3A_165 = %scan3A_50) -> (i32)  : i32 {
        %mul3A_166 = arith.constant 2 : i32
        %mul3A_167 = arith.muli %scan3A_164, %mul3A_166 : i32
        %add3A_168 = arith.constant 0 : i32
        %add3A_169 = arith.addi %mul3A_167, %add3A_168 : i32
        %mul3A_170 = arith.constant 16 : i32
        %mul3A_171 = arith.muli %add3A_169, %mul3A_170 : i32
        %shift_right_arithmetic3A_172 = arith.constant 7 : i32
        %shift_right_arithmetic3A_173 = arith.shrsi %mul3A_171, %shift_right_arithmetic3A_172 : i32
        %shift_left3A = arith.constant 9 : i32
        %shift_left3A_174 = arith.shli %shift_right_arithmetic3A_173, %shift_left3A : i32
        %and3A = arith.constant 127 : i32
        %and3A_175 = arith.andi %mul3A_171, %and3A : i32
        %add3A_176 = arith.addi %shift_left3A_174, %and3A_175 : i32
        %get3A = arith.index_cast %add3A_176 : i32 to index
        %get3A_177 = tpu.vector_load %arg6[%get3A] {strides = array<i32>} : memref<16384xf32, #tpu.memory_space<vmem>>, vector<16xf32>,
        %add3A_178 = arith.constant 128 : i32
        %add3A_179 = arith.addi %add3A_176, %add3A_178 : i32
        %get3A_180 = arith.index_cast %add3A_179 : i32 to index
        %get3A_181 = tpu.vector_load %arg6[%get3A_180] {strides = array<i32>} : memref<16384xf32, #tpu.memory_space<vmem>>, vector<16xf32>,
        %add3A_182 = arith.constant 256 : i32
        %add3A_183 = arith.addi %add3A_176, %add3A_182 : i32
        %get3A_184 = arith.index_cast %add3A_183 : i32 to index
        %get3A_185 = tpu.vector_load %arg6[%get3A_184] {strides = array<i32>} : memref<16384xf32, #tpu.memory_space<vmem>>, vector<16xf32>,
        %abs3A = math.absf %get3A_177 : vector<16xf32>
        %lt3A = arith.constant 5.000000e-01 : f32
        %lt3A_186 = vector.broadcast %lt3A : f32 to vector<16xf32>
        %lt3A_187 = arith.cmpf olt, %abs3A, %lt3A_186 : vector<16xf32>
        %abs3A_188 = math.absf %get3A_181 : vector<16xf32>
        %lt3A_189 = arith.constant 5.000000e-01 : f32
        %lt3A_190 = vector.broadcast %lt3A_189 : f32 to vector<16xf32>
        %lt3A_191 = arith.cmpf olt, %abs3A_188, %lt3A_190 : vector<16xf32>
        %and3A_192 = arith.andi %lt3A_187, %lt3A_191 : vector<16xi1>
        %abs3A_193 = math.absf %get3A_185 : vector<16xf32>
        %lt3A_194 = arith.constant 5.000000e-01 : f32
        %lt3A_195 = vector.broadcast %lt3A_194 : f32 to vector<16xf32>
        %lt3A_196 = arith.cmpf olt, %abs3A_193, %lt3A_195 : vector<16xf32>
        %and3A_197 = arith.andi %and3A_192, %lt3A_196 : vector<16xi1>
        %convert_element_type3A_198 = arith.extui %and3A_197 : vector<16xi1> to vector<16xi32>
        %mul3A_199 = arith.constant 1.280000e+02 : f32
        %mul3A_200 = vector.broadcast %mul3A_199 : f32 to vector<16xf32>
        %mul3A_201 = arith.mulf %get3A_177, %mul3A_200 : vector<16xf32>
        %add3A_202 = arith.constant 6.400000e+01 : f32
        %add3A_203 = vector.broadcast %add3A_202 : f32 to vector<16xf32>
        %add3A_204 = arith.addf %mul3A_201, %add3A_203 : vector<16xf32>
        %convert_element_type3A_205 = arith.fptosi %add3A_204 : vector<16xf32> to vector<16xi32>
        %jit3A = arith.constant 0 : i32
        %jit3A_206 = arith.constant 127 : i32
        %max3A = vector.broadcast %jit3A : i32 to vector<16xi32>
        %max3A_207 = arith.maxsi %max3A, %convert_element_type3A_205 : vector<16xi32>
        %min3A = vector.broadcast %jit3A_206 : i32 to vector<16xi32>
        %min3A_208 = arith.minsi %min3A, %max3A_207 : vector<16xi32>
        %mul3A_209 = arith.constant 128 : i32
        %mul3A_210 = vector.broadcast %mul3A_209 : i32 to vector<16xi32>
        %mul3A_211 = arith.muli %min3A_208, %mul3A_210 : vector<16xi32>
        %mul3A_212 = arith.constant 1.280000e+02 : f32
        %mul3A_213 = vector.broadcast %mul3A_212 : f32 to vector<16xf32>
        %mul3A_214 = arith.mulf %get3A_181, %mul3A_213 : vector<16xf32>
        %add3A_215 = arith.constant 6.400000e+01 : f32
        %add3A_216 = vector.broadcast %add3A_215 : f32 to vector<16xf32>
        %add3A_217 = arith.addf %mul3A_214, %add3A_216 : vector<16xf32>
        %convert_element_type3A_218 = arith.fptosi %add3A_217 : vector<16xf32> to vector<16xi32>
        %jit3A_219 = arith.constant 0 : i32
        %jit3A_220 = arith.constant 127 : i32
        %max3A_221 = vector.broadcast %jit3A_219 : i32 to vector<16xi32>
        %max3A_222 = arith.maxsi %max3A_221, %convert_element_type3A_218 : vector<16xi32>
        %min3A_223 = vector.broadcast %jit3A_220 : i32 to vector<16xi32>
        %min3A_224 = arith.minsi %min3A_223, %max3A_222 : vector<16xi32>
        %add3A_225 = arith.addi %mul3A_211, %min3A_224 : vector<16xi32>
        %mul3A_226 = arith.constant 512 : i32
        %mul3A_227 = vector.broadcast %mul3A_226 : i32 to vector<16xi32>
        %mul3A_228 = arith.muli %add3A_225, %mul3A_227 : vector<16xi32>
        %mul3A_229 = arith.constant 1.280000e+02 : f32
        %mul3A_230 = vector.broadcast %mul3A_229 : f32 to vector<16xf32>
        %mul3A_231 = arith.mulf %get3A_185, %mul3A_230 : vector<16xf32>
        %add3A_232 = arith.constant 6.400000e+01 : f32
        %add3A_233 = vector.broadcast %add3A_232 : f32 to vector<16xf32>
        %add3A_234 = arith.addf %mul3A_231, %add3A_233 : vector<16xf32>
        %convert_element_type3A_235 = arith.fptosi %add3A_234 : vector<16xf32> to vector<16xi32>
        %jit3A_236 = arith.constant 0 : i32
        %jit3A_237 = arith.constant 127 : i32
        %max3A_238 = vector.broadcast %jit3A_236 : i32 to vector<16xi32>
        %max3A_239 = arith.maxsi %max3A_238, %convert_element_type3A_235 : vector<16xi32>
        %min3A_240 = vector.broadcast %jit3A_237 : i32 to vector<16xi32>
        %min3A_241 = arith.minsi %min3A_240, %max3A_239 : vector<16xi32>
        %add3A_242 = arith.addi %mul3A_228, %min3A_241 : vector<16xi32>
        %convert_element_type3A_243 = arith.extui %and3A_197 : vector<16xi1> to vector<16xi32>
        %convert_element_type3A_244 = arith.sitofp %convert_element_type3A_243 : vector<16xi32> to vector<16xf32>
        %swap3A = arith.index_cast %mul3A_171 : i32 to index
        %swap3A_245 = tpu.vector_load %arg9[%swap3A] {strides = array<i32>} : memref<4096xf32, #tpu.memory_space<vmem>>, vector<16xf32>,
        tpu.vector_store %arg9[%swap3A], %convert_element_type3A_244 {strides = array<i32>} : memref<4096xf32, #tpu.memory_space<vmem>>, vector<16xf32>,
        %broadcast_in_dim3A_246 = arith.constant true
        %broadcast_in_dim3A_247 = vector.broadcast %broadcast_in_dim3A_246 : i1 to vector<16xi1>
        %masked_cumsum3A = tpu.scan <sum>, %convert_element_type3A_198 masked %broadcast_in_dim3A_247 : vector<16xi32>, vector<16xi1> -> vector<16xi32>
        %add3A_248 = vector.broadcast %scan3A_165 : i32 to vector<16xi32>
        %add3A_249 = arith.addi %add3A_248, %masked_cumsum3A : vector<16xi32>
        %sub3A = arith.constant 1 : i32
        %sub3A_250 = vector.broadcast %sub3A : i32 to vector<16xi32>
        %sub3A_251 = arith.subi %add3A_249, %sub3A_250 : vector<16xi32>
        %swap3A_252 = arith.index_cast %mul3A_171 : i32 to index
        %swap3A_253 = tpu.vector_load %arg10[%swap3A_252] {strides = array<i32>} : memref<4096xi32, #tpu.memory_space<vmem>>, vector<16xi32>,
        tpu.vector_store %arg10[%swap3A_252], %sub3A_251 {strides = array<i32>} : memref<4096xi32, #tpu.memory_space<vmem>>, vector<16xi32>,
        %swap3A_254 = arith.index_cast %scan3A_165 : i32 to index
        %swap3A_255 = tpu.vector_load %arg11[%swap3A_254] masked %and3A_197 {strides = array<i32>} : memref<4096xi32, #tpu.memory_space<vmem>>, vector<16xi32>, vector<16xi1>
        tpu.vector_store %arg11[%swap3A_254], %add3A_242 masked %and3A_197 {strides = array<i32>} : memref<4096xi32, #tpu.memory_space<vmem>>, vector<16xi32>, vector<16xi1>
        %all_reduce_population_count3A = tpu.all_reduce %and3A_197 {dim = 0 : i64, kind = #tpu.reduction_kind<sum>} : vector<16xi1> -> vector<16xi32>
        %slice3A = vector.extract_strided_slice %all_reduce_population_count3A {offsets = [0], sizes = [1], strides = [1]} : vector<16xi32> to vector<1xi32>
        %squeeze3A = vector.extract %slice3A[0] : i32 from vector<1xi32>
        %add3A_256 = arith.addi %scan3A_165, %squeeze3A : i32
        %mul3A_257 = arith.constant 2 : i32
        %mul3A_258 = arith.muli %scan3A_164, %mul3A_257 : i32
        %add3A_259 = arith.constant 1 : i32
        %add3A_260 = arith.addi %mul3A_258, %add3A_259 : i32
        %mul3A_261 = arith.constant 16 : i32
        %mul3A_262 = arith.muli %add3A_260, %mul3A_261 : i32
        %shift_right_arithmetic3A_263 = arith.constant 7 : i32
        %shift_right_arithmetic3A_264 = arith.shrsi %mul3A_262, %shift_right_arithmetic3A_263 : i32
        %shift_left3A_265 = arith.constant 9 : i32
        %shift_left3A_266 = arith.shli %shift_right_arithmetic3A_264, %shift_left3A_265 : i32
        %and3A_267 = arith.constant 127 : i32
        %and3A_268 = arith.andi %mul3A_262, %and3A_267 : i32
        %add3A_269 = arith.addi %shift_left3A_266, %and3A_268 : i32
        %get3A_270 = arith.index_cast %add3A_269 : i32 to index
        %get3A_271 = tpu.vector_load %arg6[%get3A_270] {strides = array<i32>} : memref<16384xf32, #tpu.memory_space<vmem>>, vector<16xf32>,
        %add3A_272 = arith.constant 128 : i32
        %add3A_273 = arith.addi %add3A_269, %add3A_272 : i32
        %get3A_274 = arith.index_cast %add3A_273 : i32 to index
        %get3A_275 = tpu.vector_load %arg6[%get3A_274] {strides = array<i32>} : memref<16384xf32, #tpu.memory_space<vmem>>, vector<16xf32>,
        %add3A_276 = arith.constant 256 : i32
        %add3A_277 = arith.addi %add3A_269, %add3A_276 : i32
        %get3A_278 = arith.index_cast %add3A_277 : i32 to index
        %get3A_279 = tpu.vector_load %arg6[%get3A_278] {strides = array<i32>} : memref<16384xf32, #tpu.memory_space<vmem>>, vector<16xf32>,
        %abs3A_280 = math.absf %get3A_271 : vector<16xf32>
        %lt3A_281 = arith.constant 5.000000e-01 : f32
        %lt3A_282 = vector.broadcast %lt3A_281 : f32 to vector<16xf32>
        %lt3A_283 = arith.cmpf olt, %abs3A_280, %lt3A_282 : vector<16xf32>
        %abs3A_284 = math.absf %get3A_275 : vector<16xf32>
        %lt3A_285 = arith.constant 5.000000e-01 : f32
        %lt3A_286 = vector.broadcast %lt3A_285 : f32 to vector<16xf32>
        %lt3A_287 = arith.cmpf olt, %abs3A_284, %lt3A_286 : vector<16xf32>
        %and3A_288 = arith.andi %lt3A_283, %lt3A_287 : vector<16xi1>
        %abs3A_289 = math.absf %get3A_279 : vector<16xf32>
        %lt3A_290 = arith.constant 5.000000e-01 : f32
        %lt3A_291 = vector.broadcast %lt3A_290 : f32 to vector<16xf32>
        %lt3A_292 = arith.cmpf olt, %abs3A_289, %lt3A_291 : vector<16xf32>
        %and3A_293 = arith.andi %and3A_288, %lt3A_292 : vector<16xi1>
        %convert_element_type3A_294 = arith.extui %and3A_293 : vector<16xi1> to vector<16xi32>
        %mul3A_295 = arith.constant 1.280000e+02 : f32
        %mul3A_296 = vector.broadcast %mul3A_295 : f32 to vector<16xf32>
        %mul3A_297 = arith.mulf %get3A_271, %mul3A_296 : vector<16xf32>
        %add3A_298 = arith.constant 6.400000e+01 : f32
        %add3A_299 = vector.broadcast %add3A_298 : f32 to vector<16xf32>
        %add3A_300 = arith.addf %mul3A_297, %add3A_299 : vector<16xf32>
        %convert_element_type3A_301 = arith.fptosi %add3A_300 : vector<16xf32> to vector<16xi32>
        %jit3A_302 = arith.constant 0 : i32
        %jit3A_303 = arith.constant 127 : i32
        %max3A_304 = vector.broadcast %jit3A_302 : i32 to vector<16xi32>
        %max3A_305 = arith.maxsi %max3A_304, %convert_element_type3A_301 : vector<16xi32>
        %min3A_306 = vector.broadcast %jit3A_303 : i32 to vector<16xi32>
        %min3A_307 = arith.minsi %min3A_306, %max3A_305 : vector<16xi32>
        %mul3A_308 = arith.constant 128 : i32
        %mul3A_309 = vector.broadcast %mul3A_308 : i32 to vector<16xi32>
        %mul3A_310 = arith.muli %min3A_307, %mul3A_309 : vector<16xi32>
        %mul3A_311 = arith.constant 1.280000e+02 : f32
        %mul3A_312 = vector.broadcast %mul3A_311 : f32 to vector<16xf32>
        %mul3A_313 = arith.mulf %get3A_275, %mul3A_312 : vector<16xf32>
        %add3A_314 = arith.constant 6.400000e+01 : f32
        %add3A_315 = vector.broadcast %add3A_314 : f32 to vector<16xf32>
        %add3A_316 = arith.addf %mul3A_313, %add3A_315 : vector<16xf32>
        %convert_element_type3A_317 = arith.fptosi %add3A_316 : vector<16xf32> to vector<16xi32>
        %jit3A_318 = arith.constant 0 : i32
        %jit3A_319 = arith.constant 127 : i32
        %max3A_320 = vector.broadcast %jit3A_318 : i32 to vector<16xi32>
        %max3A_321 = arith.maxsi %max3A_320, %convert_element_type3A_317 : vector<16xi32>
        %min3A_322 = vector.broadcast %jit3A_319 : i32 to vector<16xi32>
        %min3A_323 = arith.minsi %min3A_322, %max3A_321 : vector<16xi32>
        %add3A_324 = arith.addi %mul3A_310, %min3A_323 : vector<16xi32>
        %mul3A_325 = arith.constant 512 : i32
        %mul3A_326 = vector.broadcast %mul3A_325 : i32 to vector<16xi32>
        %mul3A_327 = arith.muli %add3A_324, %mul3A_326 : vector<16xi32>
        %mul3A_328 = arith.constant 1.280000e+02 : f32
        %mul3A_329 = vector.broadcast %mul3A_328 : f32 to vector<16xf32>
        %mul3A_330 = arith.mulf %get3A_279, %mul3A_329 : vector<16xf32>
        %add3A_331 = arith.constant 6.400000e+01 : f32
        %add3A_332 = vector.broadcast %add3A_331 : f32 to vector<16xf32>
        %add3A_333 = arith.addf %mul3A_330, %add3A_332 : vector<16xf32>
        %convert_element_type3A_334 = arith.fptosi %add3A_333 : vector<16xf32> to vector<16xi32>
        %jit3A_335 = arith.constant 0 : i32
        %jit3A_336 = arith.constant 127 : i32
        %max3A_337 = vector.broadcast %jit3A_335 : i32 to vector<16xi32>
        %max3A_338 = arith.maxsi %max3A_337, %convert_element_type3A_334 : vector<16xi32>
        %min3A_339 = vector.broadcast %jit3A_336 : i32 to vector<16xi32>
        %min3A_340 = arith.minsi %min3A_339, %max3A_338 : vector<16xi32>
        %add3A_341 = arith.addi %mul3A_327, %min3A_340 : vector<16xi32>
        %convert_element_type3A_342 = arith.extui %and3A_293 : vector<16xi1> to vector<16xi32>
        %convert_element_type3A_343 = arith.sitofp %convert_element_type3A_342 : vector<16xi32> to vector<16xf32>
        %swap3A_344 = arith.index_cast %mul3A_262 : i32 to index
        %swap3A_345 = tpu.vector_load %arg9[%swap3A_344] {strides = array<i32>} : memref<4096xf32, #tpu.memory_space<vmem>>, vector<16xf32>,
        tpu.vector_store %arg9[%swap3A_344], %convert_element_type3A_343 {strides = array<i32>} : memref<4096xf32, #tpu.memory_space<vmem>>, vector<16xf32>,
        %broadcast_in_dim3A_346 = arith.constant true
        %broadcast_in_dim3A_347 = vector.broadcast %broadcast_in_dim3A_346 : i1 to vector<16xi1>
        %masked_cumsum3A_348 = tpu.scan <sum>, %convert_element_type3A_294 masked %broadcast_in_dim3A_347 : vector<16xi32>, vector<16xi1> -> vector<16xi32>
        %add3A_349 = vector.broadcast %add3A_256 : i32 to vector<16xi32>
        %add3A_350 = arith.addi %add3A_349, %masked_cumsum3A_348 : vector<16xi32>
        %sub3A_351 = arith.constant 1 : i32
        %sub3A_352 = vector.broadcast %sub3A_351 : i32 to vector<16xi32>
        %sub3A_353 = arith.subi %add3A_350, %sub3A_352 : vector<16xi32>
        %swap3A_354 = arith.index_cast %mul3A_262 : i32 to index
        %swap3A_355 = tpu.vector_load %arg10[%swap3A_354] {strides = array<i32>} : memref<4096xi32, #tpu.memory_space<vmem>>, vector<16xi32>,
        tpu.vector_store %arg10[%swap3A_354], %sub3A_353 {strides = array<i32>} : memref<4096xi32, #tpu.memory_space<vmem>>, vector<16xi32>,
        %swap3A_356 = arith.index_cast %add3A_256 : i32 to index
        %swap3A_357 = tpu.vector_load %arg11[%swap3A_356] masked %and3A_293 {strides = array<i32>} : memref<4096xi32, #tpu.memory_space<vmem>>, vector<16xi32>, vector<16xi1>
        tpu.vector_store %arg11[%swap3A_356], %add3A_341 masked %and3A_293 {strides = array<i32>} : memref<4096xi32, #tpu.memory_space<vmem>>, vector<16xi32>, vector<16xi1>
        %all_reduce_population_count3A_358 = tpu.all_reduce %and3A_293 {dim = 0 : i64, kind = #tpu.reduction_kind<sum>} : vector<16xi1> -> vector<16xi32>
        %slice3A_359 = vector.extract_strided_slice %all_reduce_population_count3A_358 {offsets = [0], sizes = [1], strides = [1]} : vector<16xi32> to vector<1xi32>
        %squeeze3A_360 = vector.extract %slice3A_359[0] : i32 from vector<1xi32>
        %add3A_361 = arith.addi %add3A_256, %squeeze3A_360 : i32
        scf.yield %add3A_361 : i32
      }
      %scan3A_56 = arith.constant 128 : i32
      %add3A_57 = arith.constant 127 : i32
      %add3A_58 = arith.addi %scan3A_55, %add3A_57 : i32
      %shift_right_arithmetic3A = arith.constant 7 : i32
      %shift_right_arithmetic3A_59 = arith.shrsi %add3A_58, %shift_right_arithmetic3A : i32
      %mul3A_60 = arith.constant 8 : i32
      %mul3A_61 = arith.muli %shift_right_arithmetic3A_59, %mul3A_60 : i32
      %while3A_62 = arith.constant 0 : i32
      %while3A_63 = arith.constant 0 : i32
      %while3A_64 = arith.subi %mul3A_61, %while3A_62 : i32
      %while3A_65 = arith.addi %while3A_62, %while3A_64 : i32
      %while3A_66 = arith.constant 1 : i32
      %while3A_67 = arith.divsi %while3A_64, %while3A_66 : i32
      %while3A_68 = arith.muli %while3A_67, %while3A_66 : i32
      %while3A_69 = arith.addi %while3A_62, %while3A_68 : i32
      %while3A_70 = arith.constant 1 : i32
      %while3A_71 = scf.for %while3A_164 = %while3A_62 to %while3A_69 step %while3A_70 iter_args(%while3A_165 = %while3A_63) -> (i32)  : i32 {
        %mul3A_166 = arith.constant 16 : i32
        %mul3A_167 = arith.muli %while3A_164, %mul3A_166 : i32
        %get3A = arith.index_cast %mul3A_167 : i32 to index
        %get3A_168 = tpu.vector_load %arg11[%get3A] {strides = array<i32>} : memref<4096xi32, #tpu.memory_space<vmem>>, vector<16xi32>,
        %add3A_169 = arith.constant 128 : i32
        %add3A_170 = vector.broadcast %add3A_169 : i32 to vector<16xi32>
        %add3A_171 = arith.addi %get3A_168, %add3A_170 : vector<16xi32>
        %swap3A = arith.index_cast %mul3A_167 : i32 to index
        %swap3A_172 = tpu.vector_load %arg12[%swap3A] {strides = array<i32>} : memref<4096xi32, #tpu.memory_space<vmem>>, vector<16xi32>,
        tpu.vector_store %arg12[%swap3A], %add3A_171 {strides = array<i32>} : memref<4096xi32, #tpu.memory_space<vmem>>, vector<16xi32>,
        %add3A_173 = arith.constant 256 : i32
        %add3A_174 = vector.broadcast %add3A_173 : i32 to vector<16xi32>
        %add3A_175 = arith.addi %get3A_168, %add3A_174 : vector<16xi32>
        %swap3A_176 = arith.index_cast %mul3A_167 : i32 to index
        %swap3A_177 = tpu.vector_load %arg13[%swap3A_176] {strides = array<i32>} : memref<4096xi32, #tpu.memory_space<vmem>>, vector<16xi32>,
        tpu.vector_store %arg13[%swap3A_176], %add3A_175 {strides = array<i32>} : memref<4096xi32, #tpu.memory_space<vmem>>, vector<16xi32>,
        %add3A_178 = arith.constant 384 : i32
        %add3A_179 = vector.broadcast %add3A_178 : i32 to vector<16xi32>
        %add3A_180 = arith.addi %get3A_168, %add3A_179 : vector<16xi32>
        %swap3A_181 = arith.index_cast %mul3A_167 : i32 to index
        %swap3A_182 = tpu.vector_load %arg14[%swap3A_181] {strides = array<i32>} : memref<4096xi32, #tpu.memory_space<vmem>>, vector<16xi32>,
        tpu.vector_store %arg14[%swap3A_181], %add3A_180 {strides = array<i32>} : memref<4096xi32, #tpu.memory_space<vmem>>, vector<16xi32>,
        %while3A_183 = arith.constant 0 : i32
        scf.yield %while3A_183 : i32
      }
      %while3A_72 = arith.constant 1 : i32
      %while3A_73 = scf.for %while3A_164 = %while3A_69 to %while3A_65 step %while3A_72 iter_args(%while3A_165 = %while3A_71) -> (i32)  : i32 {
        %mul3A_166 = arith.constant 16 : i32
        %mul3A_167 = arith.muli %while3A_164, %mul3A_166 : i32
        %get3A = arith.index_cast %mul3A_167 : i32 to index
        %get3A_168 = tpu.vector_load %arg11[%get3A] {strides = array<i32>} : memref<4096xi32, #tpu.memory_space<vmem>>, vector<16xi32>,
        %add3A_169 = arith.constant 128 : i32
        %add3A_170 = vector.broadcast %add3A_169 : i32 to vector<16xi32>
        %add3A_171 = arith.addi %get3A_168, %add3A_170 : vector<16xi32>
        %swap3A = arith.index_cast %mul3A_167 : i32 to index
        %swap3A_172 = tpu.vector_load %arg12[%swap3A] {strides = array<i32>} : memref<4096xi32, #tpu.memory_space<vmem>>, vector<16xi32>,
        tpu.vector_store %arg12[%swap3A], %add3A_171 {strides = array<i32>} : memref<4096xi32, #tpu.memory_space<vmem>>, vector<16xi32>,
        %add3A_173 = arith.constant 256 : i32
        %add3A_174 = vector.broadcast %add3A_173 : i32 to vector<16xi32>
        %add3A_175 = arith.addi %get3A_168, %add3A_174 : vector<16xi32>
        %swap3A_176 = arith.index_cast %mul3A_167 : i32 to index
        %swap3A_177 = tpu.vector_load %arg13[%swap3A_176] {strides = array<i32>} : memref<4096xi32, #tpu.memory_space<vmem>>, vector<16xi32>,
        tpu.vector_store %arg13[%swap3A_176], %add3A_175 {strides = array<i32>} : memref<4096xi32, #tpu.memory_space<vmem>>, vector<16xi32>,
        %add3A_178 = arith.constant 384 : i32
        %add3A_179 = vector.broadcast %add3A_178 : i32 to vector<16xi32>
        %add3A_180 = arith.addi %get3A_168, %add3A_179 : vector<16xi32>
        %swap3A_181 = arith.index_cast %mul3A_167 : i32 to index
        %swap3A_182 = tpu.vector_load %arg14[%swap3A_181] {strides = array<i32>} : memref<4096xi32, #tpu.memory_space<vmem>>, vector<16xi32>,
        tpu.vector_store %arg14[%swap3A_181], %add3A_180 {strides = array<i32>} : memref<4096xi32, #tpu.memory_space<vmem>>, vector<16xi32>,
        %while3A_183 = arith.constant 0 : i32
        scf.yield %while3A_183 : i32
      }
      %while3A_74 = arith.constant 0 : i32
      %while3A_75 = arith.constant 0 : i32
      %while3A_76 = arith.subi %shift_right_arithmetic3A_59, %while3A_74 : i32
      %while3A_77 = arith.addi %while3A_74, %while3A_76 : i32
      %while3A_78 = arith.constant 1 : i32
      %while3A_79 = arith.divsi %while3A_76, %while3A_78 : i32
      %while3A_80 = arith.muli %while3A_79, %while3A_78 : i32
      %while3A_81 = arith.addi %while3A_74, %while3A_80 : i32
      %while3A_82 = arith.constant 1 : i32
      %while3A_83 = scf.for %while3A_164 = %while3A_74 to %while3A_81 step %while3A_82 iter_args(%while3A_165 = %while3A_75) -> (i32)  : i32 {
        %mul3A_166 = arith.constant 128 : i32
        %mul3A_167 = arith.muli %while3A_164, %mul3A_166 : i32
        %mul3A_168 = arith.constant 128 : i32
        %mul3A_169 = arith.muli %while3A_164, %mul3A_168 : i32
        %dma_start3A = tpu.memref_slice %arg15[%mul3A_169] : memref<4096xf32, #tpu.memory_space<vmem>> -> memref<128xf32, #tpu.memory_space<vmem>>
        %dma_start3A_170 = tpu.memref_slice %arg11[%mul3A_167] : memref<4096xi32, #tpu.memory_space<vmem>> -> memref<128xi32, #tpu.memory_space<vmem>>
        %dma_start3A_171 = arith.constant 0 : i32
        %dma_start3A_172 = tpu.memref_slice %arg3[%dma_start3A_171] : memref<8388608xf32, #tpu.memory_space<hbm>> -> memref<8388608xf32, #tpu.memory_space<hbm>>
        tpu.enqueue_indirect_dma source(%dma_start3A_172 : memref<8388608xf32, #tpu.memory_space<hbm>>) target(%dma_start3A : memref<128xf32, #tpu.memory_space<vmem>>) offsets(%dma_start3A_170 : memref<128xi32, #tpu.memory_space<vmem>>) semaphore(%arg19 : memref<!tpu.dma_semaphore, #tpu.memory_space<semaphore_mem>>)
        %mul3A_173 = arith.constant 128 : i32
        %mul3A_174 = arith.muli %while3A_164, %mul3A_173 : i32
        %mul3A_175 = arith.constant 128 : i32
        %mul3A_176 = arith.muli %while3A_164, %mul3A_175 : i32
        %dma_start3A_177 = tpu.memref_slice %arg16[%mul3A_176] : memref<4096xf32, #tpu.memory_space<vmem>> -> memref<128xf32, #tpu.memory_space<vmem>>
        %dma_start3A_178 = tpu.memref_slice %arg12[%mul3A_174] : memref<4096xi32, #tpu.memory_space<vmem>> -> memref<128xi32, #tpu.memory_space<vmem>>
        %dma_start3A_179 = arith.constant 0 : i32
        %dma_start3A_180 = tpu.memref_slice %arg3[%dma_start3A_179] : memref<8388608xf32, #tpu.memory_space<hbm>> -> memref<8388608xf32, #tpu.memory_space<hbm>>
        tpu.enqueue_indirect_dma source(%dma_start3A_180 : memref<8388608xf32, #tpu.memory_space<hbm>>) target(%dma_start3A_177 : memref<128xf32, #tpu.memory_space<vmem>>) offsets(%dma_start3A_178 : memref<128xi32, #tpu.memory_space<vmem>>) semaphore(%arg19 : memref<!tpu.dma_semaphore, #tpu.memory_space<semaphore_mem>>)
        %mul3A_181 = arith.constant 128 : i32
        %mul3A_182 = arith.muli %while3A_164, %mul3A_181 : i32
        %mul3A_183 = arith.constant 128 : i32
        %mul3A_184 = arith.muli %while3A_164, %mul3A_183 : i32
        %dma_start3A_185 = tpu.memref_slice %arg17[%mul3A_184] : memref<4096xf32, #tpu.memory_space<vmem>> -> memref<128xf32, #tpu.memory_space<vmem>>
        %dma_start3A_186 = tpu.memref_slice %arg13[%mul3A_182] : memref<4096xi32, #tpu.memory_space<vmem>> -> memref<128xi32, #tpu.memory_space<vmem>>
        %dma_start3A_187 = arith.constant 0 : i32
        %dma_start3A_188 = tpu.memref_slice %arg3[%dma_start3A_187] : memref<8388608xf32, #tpu.memory_space<hbm>> -> memref<8388608xf32, #tpu.memory_space<hbm>>
        tpu.enqueue_indirect_dma source(%dma_start3A_188 : memref<8388608xf32, #tpu.memory_space<hbm>>) target(%dma_start3A_185 : memref<128xf32, #tpu.memory_space<vmem>>) offsets(%dma_start3A_186 : memref<128xi32, #tpu.memory_space<vmem>>) semaphore(%arg19 : memref<!tpu.dma_semaphore, #tpu.memory_space<semaphore_mem>>)
        %mul3A_189 = arith.constant 128 : i32
        %mul3A_190 = arith.muli %while3A_164, %mul3A_189 : i32
        %mul3A_191 = arith.constant 128 : i32
        %mul3A_192 = arith.muli %while3A_164, %mul3A_191 : i32
        %dma_start3A_193 = tpu.memref_slice %arg18[%mul3A_192] : memref<4096xf32, #tpu.memory_space<vmem>> -> memref<128xf32, #tpu.memory_space<vmem>>
        %dma_start3A_194 = tpu.memref_slice %arg14[%mul3A_190] : memref<4096xi32, #tpu.memory_space<vmem>> -> memref<128xi32, #tpu.memory_space<vmem>>
        %dma_start3A_195 = arith.constant 0 : i32
        %dma_start3A_196 = tpu.memref_slice %arg3[%dma_start3A_195] : memref<8388608xf32, #tpu.memory_space<hbm>> -> memref<8388608xf32, #tpu.memory_space<hbm>>
        tpu.enqueue_indirect_dma source(%dma_start3A_196 : memref<8388608xf32, #tpu.memory_space<hbm>>) target(%dma_start3A_193 : memref<128xf32, #tpu.memory_space<vmem>>) offsets(%dma_start3A_194 : memref<128xi32, #tpu.memory_space<vmem>>) semaphore(%arg19 : memref<!tpu.dma_semaphore, #tpu.memory_space<semaphore_mem>>)
        %while3A_197 = arith.constant 0 : i32
        scf.yield %while3A_197 : i32
      }
      %while3A_84 = arith.constant 1 : i32
      %while3A_85 = scf.for %while3A_164 = %while3A_81 to %while3A_77 step %while3A_84 iter_args(%while3A_165 = %while3A_83) -> (i32)  : i32 {
        %mul3A_166 = arith.constant 128 : i32
        %mul3A_167 = arith.muli %while3A_164, %mul3A_166 : i32
        %mul3A_168 = arith.constant 128 : i32
        %mul3A_169 = arith.muli %while3A_164, %mul3A_168 : i32
        %dma_start3A = tpu.memref_slice %arg15[%mul3A_169] : memref<4096xf32, #tpu.memory_space<vmem>> -> memref<128xf32, #tpu.memory_space<vmem>>
        %dma_start3A_170 = tpu.memref_slice %arg11[%mul3A_167] : memref<4096xi32, #tpu.memory_space<vmem>> -> memref<128xi32, #tpu.memory_space<vmem>>
        %dma_start3A_171 = arith.constant 0 : i32
        %dma_start3A_172 = tpu.memref_slice %arg3[%dma_start3A_171] : memref<8388608xf32, #tpu.memory_space<hbm>> -> memref<8388608xf32, #tpu.memory_space<hbm>>
        tpu.enqueue_indirect_dma source(%dma_start3A_172 : memref<8388608xf32, #tpu.memory_space<hbm>>) target(%dma_start3A : memref<128xf32, #tpu.memory_space<vmem>>) offsets(%dma_start3A_170 : memref<128xi32, #tpu.memory_space<vmem>>) semaphore(%arg19 : memref<!tpu.dma_semaphore, #tpu.memory_space<semaphore_mem>>)
        %mul3A_173 = arith.constant 128 : i32
        %mul3A_174 = arith.muli %while3A_164, %mul3A_173 : i32
        %mul3A_175 = arith.constant 128 : i32
        %mul3A_176 = arith.muli %while3A_164, %mul3A_175 : i32
        %dma_start3A_177 = tpu.memref_slice %arg16[%mul3A_176] : memref<4096xf32, #tpu.memory_space<vmem>> -> memref<128xf32, #tpu.memory_space<vmem>>
        %dma_start3A_178 = tpu.memref_slice %arg12[%mul3A_174] : memref<4096xi32, #tpu.memory_space<vmem>> -> memref<128xi32, #tpu.memory_space<vmem>>
        %dma_start3A_179 = arith.constant 0 : i32
        %dma_start3A_180 = tpu.memref_slice %arg3[%dma_start3A_179] : memref<8388608xf32, #tpu.memory_space<hbm>> -> memref<8388608xf32, #tpu.memory_space<hbm>>
        tpu.enqueue_indirect_dma source(%dma_start3A_180 : memref<8388608xf32, #tpu.memory_space<hbm>>) target(%dma_start3A_177 : memref<128xf32, #tpu.memory_space<vmem>>) offsets(%dma_start3A_178 : memref<128xi32, #tpu.memory_space<vmem>>) semaphore(%arg19 : memref<!tpu.dma_semaphore, #tpu.memory_space<semaphore_mem>>)
        %mul3A_181 = arith.constant 128 : i32
        %mul3A_182 = arith.muli %while3A_164, %mul3A_181 : i32
        %mul3A_183 = arith.constant 128 : i32
        %mul3A_184 = arith.muli %while3A_164, %mul3A_183 : i32
        %dma_start3A_185 = tpu.memref_slice %arg17[%mul3A_184] : memref<4096xf32, #tpu.memory_space<vmem>> -> memref<128xf32, #tpu.memory_space<vmem>>
        %dma_start3A_186 = tpu.memref_slice %arg13[%mul3A_182] : memref<4096xi32, #tpu.memory_space<vmem>> -> memref<128xi32, #tpu.memory_space<vmem>>
        %dma_start3A_187 = arith.constant 0 : i32
        %dma_start3A_188 = tpu.memref_slice %arg3[%dma_start3A_187] : memref<8388608xf32, #tpu.memory_space<hbm>> -> memref<8388608xf32, #tpu.memory_space<hbm>>
        tpu.enqueue_indirect_dma source(%dma_start3A_188 : memref<8388608xf32, #tpu.memory_space<hbm>>) target(%dma_start3A_185 : memref<128xf32, #tpu.memory_space<vmem>>) offsets(%dma_start3A_186 : memref<128xi32, #tpu.memory_space<vmem>>) semaphore(%arg19 : memref<!tpu.dma_semaphore, #tpu.memory_space<semaphore_mem>>)
        %mul3A_189 = arith.constant 128 : i32
        %mul3A_190 = arith.muli %while3A_164, %mul3A_189 : i32
        %mul3A_191 = arith.constant 128 : i32
        %mul3A_192 = arith.muli %while3A_164, %mul3A_191 : i32
        %dma_start3A_193 = tpu.memref_slice %arg18[%mul3A_192] : memref<4096xf32, #tpu.memory_space<vmem>> -> memref<128xf32, #tpu.memory_space<vmem>>
        %dma_start3A_194 = tpu.memref_slice %arg14[%mul3A_190] : memref<4096xi32, #tpu.memory_space<vmem>> -> memref<128xi32, #tpu.memory_space<vmem>>
        %dma_start3A_195 = arith.constant 0 : i32
        %dma_start3A_196 = tpu.memref_slice %arg3[%dma_start3A_195] : memref<8388608xf32, #tpu.memory_space<hbm>> -> memref<8388608xf32, #tpu.memory_space<hbm>>
        tpu.enqueue_indirect_dma source(%dma_start3A_196 : memref<8388608xf32, #tpu.memory_space<hbm>>) target(%dma_start3A_193 : memref<128xf32, #tpu.memory_space<vmem>>) offsets(%dma_start3A_194 : memref<128xi32, #tpu.memory_space<vmem>>) semaphore(%arg19 : memref<!tpu.dma_semaphore, #tpu.memory_space<semaphore_mem>>)
        %while3A_197 = arith.constant 0 : i32
        scf.yield %while3A_197 : i32
      }
      %gt3A = arith.constant 0 : i32
      %gt3A_86 = arith.cmpi sgt, %scan3A_39, %gt3A : i32
      %convert_element_type3A = arith.extui %gt3A_86 : i1 to i32
      %cond3A = arith.constant 0 : i32
      %cond3A_87 = arith.cmpi ne, %convert_element_type3A, %cond3A : i32
      scf.if %cond3A_87 {
        %mul3A_164 = arith.constant 2 : i32
        %mul3A_165 = arith.muli %mul3A_164, %scan3A_39 : i32
        %sub3A = arith.constant 1 : i32
        %sub3A_166 = arith.subi %mul3A_165, %sub3A : i32
        %while3A_167 = arith.constant 0 : i32
        %while3A_168 = arith.constant 0 : i32
        %while3A_169 = arith.subi %scan3A_40, %while3A_167 : i32
        %while3A_170 = arith.addi %while3A_167, %while3A_169 : i32
        %while3A_171 = arith.constant 1 : i32
        %while3A_172 = arith.divsi %while3A_169, %while3A_171 : i32
        %while3A_173 = arith.muli %while3A_172, %while3A_171 : i32
        %while3A_174 = arith.addi %while3A_167, %while3A_173 : i32
        %while3A_175 = arith.constant 1 : i32
        %while3A_176 = scf.for %while3A_193 = %while3A_167 to %while3A_174 step %while3A_175 iter_args(%while3A_194 = %while3A_168) -> (i32)  : i32 {
          %mul3A_195 = arith.constant 128 : i32
          %mul3A_196 = arith.muli %while3A_193, %mul3A_195 : i32
          %mul3A_197 = arith.constant 128 : i32
          %mul3A_198 = arith.muli %while3A_193, %mul3A_197 : i32
          %dma_wait3A = tpu.memref_slice %arg26[%mul3A_198] : memref<4096xf32, #tpu.memory_space<vmem>> -> memref<128xf32, #tpu.memory_space<vmem>>
          %dma_wait3A_199 = tpu.memref_slice %arg22[%mul3A_196] : memref<4096xi32, #tpu.memory_space<vmem>> -> memref<128xi32, #tpu.memory_space<vmem>>
          %dma_wait3A_200 = arith.constant 0 : i32
          %dma_wait3A_201 = tpu.memref_slice %arg3[%dma_wait3A_200] : memref<8388608xf32, #tpu.memory_space<hbm>> -> memref<8388608xf32, #tpu.memory_space<hbm>>
          tpu.wait_indirect_dma semaphore(%arg30 : memref<!tpu.dma_semaphore, #tpu.memory_space<semaphore_mem>>) src(%dma_wait3A_201 : memref<8388608xf32, #tpu.memory_space<hbm>>) dst(%dma_wait3A : memref<128xf32, #tpu.memory_space<vmem>>)
          %mul3A_202 = arith.constant 128 : i32
          %mul3A_203 = arith.muli %while3A_193, %mul3A_202 : i32
          %mul3A_204 = arith.constant 128 : i32
          %mul3A_205 = arith.muli %while3A_193, %mul3A_204 : i32
          %dma_wait3A_206 = tpu.memref_slice %arg27[%mul3A_205] : memref<4096xf32, #tpu.memory_space<vmem>> -> memref<128xf32, #tpu.memory_space<vmem>>
          %dma_wait3A_207 = tpu.memref_slice %arg23[%mul3A_203] : memref<4096xi32, #tpu.memory_space<vmem>> -> memref<128xi32, #tpu.memory_space<vmem>>
          %dma_wait3A_208 = arith.constant 0 : i32
          %dma_wait3A_209 = tpu.memref_slice %arg3[%dma_wait3A_208] : memref<8388608xf32, #tpu.memory_space<hbm>> -> memref<8388608xf32, #tpu.memory_space<hbm>>
          tpu.wait_indirect_dma semaphore(%arg30 : memref<!tpu.dma_semaphore, #tpu.memory_space<semaphore_mem>>) src(%dma_wait3A_209 : memref<8388608xf32, #tpu.memory_space<hbm>>) dst(%dma_wait3A_206 : memref<128xf32, #tpu.memory_space<vmem>>)
          %mul3A_210 = arith.constant 128 : i32
          %mul3A_211 = arith.muli %while3A_193, %mul3A_210 : i32
          %mul3A_212 = arith.constant 128 : i32
          %mul3A_213 = arith.muli %while3A_193, %mul3A_212 : i32
          %dma_wait3A_214 = tpu.memref_slice %arg28[%mul3A_213] : memref<4096xf32, #tpu.memory_space<vmem>> -> memref<128xf32, #tpu.memory_space<vmem>>
          %dma_wait3A_215 = tpu.memref_slice %arg24[%mul3A_211] : memref<4096xi32, #tpu.memory_space<vmem>> -> memref<128xi32, #tpu.memory_space<vmem>>
          %dma_wait3A_216 = arith.constant 0 : i32
          %dma_wait3A_217 = tpu.memref_slice %arg3[%dma_wait3A_216] : memref<8388608xf32, #tpu.memory_space<hbm>> -> memref<8388608xf32, #tpu.memory_space<hbm>>
          tpu.wait_indirect_dma semaphore(%arg30 : memref<!tpu.dma_semaphore, #tpu.memory_space<semaphore_mem>>) src(%dma_wait3A_217 : memref<8388608xf32, #tpu.memory_space<hbm>>) dst(%dma_wait3A_214 : memref<128xf32, #tpu.memory_space<vmem>>)
          %mul3A_218 = arith.constant 128 : i32
          %mul3A_219 = arith.muli %while3A_193, %mul3A_218 : i32
          %mul3A_220 = arith.constant 128 : i32
          %mul3A_221 = arith.muli %while3A_193, %mul3A_220 : i32
          %dma_wait3A_222 = tpu.memref_slice %arg29[%mul3A_221] : memref<4096xf32, #tpu.memory_space<vmem>> -> memref<128xf32, #tpu.memory_space<vmem>>
          %dma_wait3A_223 = tpu.memref_slice %arg25[%mul3A_219] : memref<4096xi32, #tpu.memory_space<vmem>> -> memref<128xi32, #tpu.memory_space<vmem>>
          %dma_wait3A_224 = arith.constant 0 : i32
          %dma_wait3A_225 = tpu.memref_slice %arg3[%dma_wait3A_224] : memref<8388608xf32, #tpu.memory_space<hbm>> -> memref<8388608xf32, #tpu.memory_space<hbm>>
          tpu.wait_indirect_dma semaphore(%arg30 : memref<!tpu.dma_semaphore, #tpu.memory_space<semaphore_mem>>) src(%dma_wait3A_225 : memref<8388608xf32, #tpu.memory_space<hbm>>) dst(%dma_wait3A_222 : memref<128xf32, #tpu.memory_space<vmem>>)
          %while3A_226 = arith.constant 0 : i32
          scf.yield %while3A_226 : i32
        }
        %while3A_177 = arith.constant 1 : i32
        %while3A_178 = scf.for %while3A_193 = %while3A_174 to %while3A_170 step %while3A_177 iter_args(%while3A_194 = %while3A_176) -> (i32)  : i32 {
          %mul3A_195 = arith.constant 128 : i32
          %mul3A_196 = arith.muli %while3A_193, %mul3A_195 : i32
          %mul3A_197 = arith.constant 128 : i32
          %mul3A_198 = arith.muli %while3A_193, %mul3A_197 : i32
          %dma_wait3A = tpu.memref_slice %arg26[%mul3A_198] : memref<4096xf32, #tpu.memory_space<vmem>> -> memref<128xf32, #tpu.memory_space<vmem>>
          %dma_wait3A_199 = tpu.memref_slice %arg22[%mul3A_196] : memref<4096xi32, #tpu.memory_space<vmem>> -> memref<128xi32, #tpu.memory_space<vmem>>
          %dma_wait3A_200 = arith.constant 0 : i32
          %dma_wait3A_201 = tpu.memref_slice %arg3[%dma_wait3A_200] : memref<8388608xf32, #tpu.memory_space<hbm>> -> memref<8388608xf32, #tpu.memory_space<hbm>>
          tpu.wait_indirect_dma semaphore(%arg30 : memref<!tpu.dma_semaphore, #tpu.memory_space<semaphore_mem>>) src(%dma_wait3A_201 : memref<8388608xf32, #tpu.memory_space<hbm>>) dst(%dma_wait3A : memref<128xf32, #tpu.memory_space<vmem>>)
          %mul3A_202 = arith.constant 128 : i32
          %mul3A_203 = arith.muli %while3A_193, %mul3A_202 : i32
          %mul3A_204 = arith.constant 128 : i32
          %mul3A_205 = arith.muli %while3A_193, %mul3A_204 : i32
          %dma_wait3A_206 = tpu.memref_slice %arg27[%mul3A_205] : memref<4096xf32, #tpu.memory_space<vmem>> -> memref<128xf32, #tpu.memory_space<vmem>>
          %dma_wait3A_207 = tpu.memref_slice %arg23[%mul3A_203] : memref<4096xi32, #tpu.memory_space<vmem>> -> memref<128xi32, #tpu.memory_space<vmem>>
          %dma_wait3A_208 = arith.constant 0 : i32
          %dma_wait3A_209 = tpu.memref_slice %arg3[%dma_wait3A_208] : memref<8388608xf32, #tpu.memory_space<hbm>> -> memref<8388608xf32, #tpu.memory_space<hbm>>
          tpu.wait_indirect_dma semaphore(%arg30 : memref<!tpu.dma_semaphore, #tpu.memory_space<semaphore_mem>>) src(%dma_wait3A_209 : memref<8388608xf32, #tpu.memory_space<hbm>>) dst(%dma_wait3A_206 : memref<128xf32, #tpu.memory_space<vmem>>)
          %mul3A_210 = arith.constant 128 : i32
          %mul3A_211 = arith.muli %while3A_193, %mul3A_210 : i32
          %mul3A_212 = arith.constant 128 : i32
          %mul3A_213 = arith.muli %while3A_193, %mul3A_212 : i32
          %dma_wait3A_214 = tpu.memref_slice %arg28[%mul3A_213] : memref<4096xf32, #tpu.memory_space<vmem>> -> memref<128xf32, #tpu.memory_space<vmem>>
          %dma_wait3A_215 = tpu.memref_slice %arg24[%mul3A_211] : memref<4096xi32, #tpu.memory_space<vmem>> -> memref<128xi32, #tpu.memory_space<vmem>>
          %dma_wait3A_216 = arith.constant 0 : i32
          %dma_wait3A_217 = tpu.memref_slice %arg3[%dma_wait3A_216] : memref<8388608xf32, #tpu.memory_space<hbm>> -> memref<8388608xf32, #tpu.memory_space<hbm>>
          tpu.wait_indirect_dma semaphore(%arg30 : memref<!tpu.dma_semaphore, #tpu.memory_space<semaphore_mem>>) src(%dma_wait3A_217 : memref<8388608xf32, #tpu.memory_space<hbm>>) dst(%dma_wait3A_214 : memref<128xf32, #tpu.memory_space<vmem>>)
          %mul3A_218 = arith.constant 128 : i32
          %mul3A_219 = arith.muli %while3A_193, %mul3A_218 : i32
          %mul3A_220 = arith.constant 128 : i32
          %mul3A_221 = arith.muli %while3A_193, %mul3A_220 : i32
          %dma_wait3A_222 = tpu.memref_slice %arg29[%mul3A_221] : memref<4096xf32, #tpu.memory_space<vmem>> -> memref<128xf32, #tpu.memory_space<vmem>>
          %dma_wait3A_223 = tpu.memref_slice %arg25[%mul3A_219] : memref<4096xi32, #tpu.memory_space<vmem>> -> memref<128xi32, #tpu.memory_space<vmem>>
          %dma_wait3A_224 = arith.constant 0 : i32
          %dma_wait3A_225 = tpu.memref_slice %arg3[%dma_wait3A_224] : memref<8388608xf32, #tpu.memory_space<hbm>> -> memref<8388608xf32, #tpu.memory_space<hbm>>
          tpu.wait_indirect_dma semaphore(%arg30 : memref<!tpu.dma_semaphore, #tpu.memory_space<semaphore_mem>>) src(%dma_wait3A_225 : memref<8388608xf32, #tpu.memory_space<hbm>>) dst(%dma_wait3A_222 : memref<128xf32, #tpu.memory_space<vmem>>)
          %while3A_226 = arith.constant 0 : i32
          scf.yield %while3A_226 : i32
        }
        %scan3A_179 = arith.constant 0 : i32
        %scan3A_180 = arith.constant 0 : i32
        %scan3A_181 = arith.constant 128 : i32
        %scan3A_182 = arith.addi %scan3A_180, %scan3A_181 : i32
        %scan3A_183 = arith.constant 1 : i32
        %scan3A_184 = scf.for %scan3A_193 = %scan3A_180 to %scan3A_182 step %scan3A_183 iter_args(%scan3A_194 = %scan3A_179) -> (i32)  : i32 {
          %mul3A_195 = arith.constant 2 : i32
          %mul3A_196 = arith.muli %scan3A_193, %mul3A_195 : i32
          %add3A_197 = arith.constant 0 : i32
          %add3A_198 = arith.addi %mul3A_196, %add3A_197 : i32
          %mul3A_199 = arith.constant 16 : i32
          %mul3A_200 = arith.muli %add3A_198, %mul3A_199 : i32
          %get3A = arith.index_cast %mul3A_200 : i32 to index
          %get3A_201 = tpu.vector_load %arg20[%get3A] {strides = array<i32>} : memref<4096xf32, #tpu.memory_space<vmem>>, vector<16xf32>,
          %gt3A_202 = arith.constant 5.000000e-01 : f32
          %gt3A_203 = vector.broadcast %gt3A_202 : f32 to vector<16xf32>
          %gt3A_204 = arith.cmpf ogt, %get3A_201, %gt3A_203 : vector<16xf32>
          %get3A_205 = arith.index_cast %mul3A_200 : i32 to index
          %get3A_206 = tpu.vector_load %arg21[%get3A_205] {strides = array<i32>} : memref<4096xi32, #tpu.memory_space<vmem>>, vector<16xi32>,
          %shift_right_arithmetic3A_207 = arith.constant 3 : i32
          %shift_right_arithmetic3A_208 = arith.shrsi %add3A_198, %shift_right_arithmetic3A_207 : i32
          %mul3A_209 = arith.constant 512 : i32
          %mul3A_210 = arith.muli %shift_right_arithmetic3A_208, %mul3A_209 : i32
          %and3A = arith.constant 7 : i32
          %and3A_211 = arith.andi %add3A_198, %and3A : i32
          %mul3A_212 = arith.constant 16 : i32
          %mul3A_213 = arith.muli %and3A_211, %mul3A_212 : i32
          %add3A_214 = arith.addi %mul3A_210, %mul3A_213 : i32
          %gather3A = tpu.vector_load_idx %arg26[%get3A_206] masked %gt3A_204 : memref<4096xf32, #tpu.memory_space<vmem>>[vector<16xi32>], vector<16xf32>, vector<16xi1>
          %jit3A = arith.constant 0.000000e+00 : f32
          %broadcast_in_dim3A_215 = vector.broadcast %jit3A : f32 to vector<16xf32>
          %select_n3A = arith.select %gt3A_204, %gather3A, %broadcast_in_dim3A_215 : vector<16xi1>, vector<16xf32>
          %neg3A = arith.constant 0.000000e+00 : f32
          %neg3A_216 = vector.broadcast %neg3A : f32 to vector<16xf32>
          %neg3A_217 = arith.subf %neg3A_216, %select_n3A : vector<16xf32>
          %exp3A = math.exp %neg3A_217 : vector<16xf32>
          %add3A_218 = arith.constant 1.000000e+00 : f32
          %add3A_219 = vector.broadcast %add3A_218 : f32 to vector<16xf32>
          %add3A_220 = arith.addf %add3A_219, %exp3A : vector<16xf32>
          %div3A = arith.constant 1.000000e+00 : f32
          %div3A_221 = vector.broadcast %div3A : f32 to vector<16xf32>
          %div3A_222 = arith.divf %div3A_221, %add3A_220 : vector<16xf32>
          %add3A_223 = arith.constant 0 : i32
          %add3A_224 = arith.addi %add3A_214, %add3A_223 : i32
          %swap3A = arith.index_cast %add3A_224 : i32 to index
          %swap3A_225 = tpu.vector_load %arg7[%swap3A] {strides = array<i32>} : memref<16384xf32, #tpu.memory_space<vmem>>, vector<16xf32>,
          tpu.vector_store %arg7[%swap3A], %div3A_222 {strides = array<i32>} : memref<16384xf32, #tpu.memory_space<vmem>>, vector<16xf32>,
          %gather3A_226 = tpu.vector_load_idx %arg27[%get3A_206] masked %gt3A_204 : memref<4096xf32, #tpu.memory_space<vmem>>[vector<16xi32>], vector<16xf32>, vector<16xi1>
          %jit3A_227 = arith.constant 0.000000e+00 : f32
          %broadcast_in_dim3A_228 = vector.broadcast %jit3A_227 : f32 to vector<16xf32>
          %select_n3A_229 = arith.select %gt3A_204, %gather3A_226, %broadcast_in_dim3A_228 : vector<16xi1>, vector<16xf32>
          %neg3A_230 = arith.constant 0.000000e+00 : f32
          %neg3A_231 = vector.broadcast %neg3A_230 : f32 to vector<16xf32>
          %neg3A_232 = arith.subf %neg3A_231, %select_n3A_229 : vector<16xf32>
          %exp3A_233 = math.exp %neg3A_232 : vector<16xf32>
          %add3A_234 = arith.constant 1.000000e+00 : f32
          %add3A_235 = vector.broadcast %add3A_234 : f32 to vector<16xf32>
          %add3A_236 = arith.addf %add3A_235, %exp3A_233 : vector<16xf32>
          %div3A_237 = arith.constant 1.000000e+00 : f32
          %div3A_238 = vector.broadcast %div3A_237 : f32 to vector<16xf32>
          %div3A_239 = arith.divf %div3A_238, %add3A_236 : vector<16xf32>
          %add3A_240 = arith.constant 128 : i32
          %add3A_241 = arith.addi %add3A_214, %add3A_240 : i32
          %swap3A_242 = arith.index_cast %add3A_241 : i32 to index
          %swap3A_243 = tpu.vector_load %arg7[%swap3A_242] {strides = array<i32>} : memref<16384xf32, #tpu.memory_space<vmem>>, vector<16xf32>,
          tpu.vector_store %arg7[%swap3A_242], %div3A_239 {strides = array<i32>} : memref<16384xf32, #tpu.memory_space<vmem>>, vector<16xf32>,
          %gather3A_244 = tpu.vector_load_idx %arg28[%get3A_206] masked %gt3A_204 : memref<4096xf32, #tpu.memory_space<vmem>>[vector<16xi32>], vector<16xf32>, vector<16xi1>
          %jit3A_245 = arith.constant 0.000000e+00 : f32
          %broadcast_in_dim3A_246 = vector.broadcast %jit3A_245 : f32 to vector<16xf32>
          %select_n3A_247 = arith.select %gt3A_204, %gather3A_244, %broadcast_in_dim3A_246 : vector<16xi1>, vector<16xf32>
          %neg3A_248 = arith.constant 0.000000e+00 : f32
          %neg3A_249 = vector.broadcast %neg3A_248 : f32 to vector<16xf32>
          %neg3A_250 = arith.subf %neg3A_249, %select_n3A_247 : vector<16xf32>
          %exp3A_251 = math.exp %neg3A_250 : vector<16xf32>
          %add3A_252 = arith.constant 1.000000e+00 : f32
          %add3A_253 = vector.broadcast %add3A_252 : f32 to vector<16xf32>
          %add3A_254 = arith.addf %add3A_253, %exp3A_251 : vector<16xf32>
          %div3A_255 = arith.constant 1.000000e+00 : f32
          %div3A_256 = vector.broadcast %div3A_255 : f32 to vector<16xf32>
          %div3A_257 = arith.divf %div3A_256, %add3A_254 : vector<16xf32>
          %add3A_258 = arith.constant 256 : i32
          %add3A_259 = arith.addi %add3A_214, %add3A_258 : i32
          %swap3A_260 = arith.index_cast %add3A_259 : i32 to index
          %swap3A_261 = tpu.vector_load %arg7[%swap3A_260] {strides = array<i32>} : memref<16384xf32, #tpu.memory_space<vmem>>, vector<16xf32>,
          tpu.vector_store %arg7[%swap3A_260], %div3A_257 {strides = array<i32>} : memref<16384xf32, #tpu.memory_space<vmem>>, vector<16xf32>,
          %gather3A_262 = tpu.vector_load_idx %arg29[%get3A_206] masked %gt3A_204 : memref<4096xf32, #tpu.memory_space<vmem>>[vector<16xi32>], vector<16xf32>, vector<16xi1>
          %jit3A_263 = arith.constant 0.000000e+00 : f32
          %broadcast_in_dim3A_264 = vector.broadcast %jit3A_263 : f32 to vector<16xf32>
          %select_n3A_265 = arith.select %gt3A_204, %gather3A_262, %broadcast_in_dim3A_264 : vector<16xi1>, vector<16xf32>
          %max3A = arith.constant 0.000000e+00 : f32
          %max3A_266 = vector.broadcast %max3A : f32 to vector<16xf32>
          %max3A_267 = arith.maximumf %select_n3A_265, %max3A_266 : vector<16xf32>
          %swap3A_268 = arith.index_cast %mul3A_200 : i32 to index
          %swap3A_269 = tpu.vector_load %arg8[%swap3A_268] {strides = array<i32>} : memref<4096xf32, #tpu.memory_space<vmem>>, vector<16xf32>,
          tpu.vector_store %arg8[%swap3A_268], %max3A_267 {strides = array<i32>} : memref<4096xf32, #tpu.memory_space<vmem>>, vector<16xf32>,
          %mul3A_270 = arith.constant 2 : i32
          %mul3A_271 = arith.muli %scan3A_193, %mul3A_270 : i32
          %add3A_272 = arith.constant 1 : i32
          %add3A_273 = arith.addi %mul3A_271, %add3A_272 : i32
          %mul3A_274 = arith.constant 16 : i32
          %mul3A_275 = arith.muli %add3A_273, %mul3A_274 : i32
          %get3A_276 = arith.index_cast %mul3A_275 : i32 to index
          %get3A_277 = tpu.vector_load %arg20[%get3A_276] {strides = array<i32>} : memref<4096xf32, #tpu.memory_space<vmem>>, vector<16xf32>,
          %gt3A_278 = arith.constant 5.000000e-01 : f32
          %gt3A_279 = vector.broadcast %gt3A_278 : f32 to vector<16xf32>
          %gt3A_280 = arith.cmpf ogt, %get3A_277, %gt3A_279 : vector<16xf32>
          %get3A_281 = arith.index_cast %mul3A_275 : i32 to index
          %get3A_282 = tpu.vector_load %arg21[%get3A_281] {strides = array<i32>} : memref<4096xi32, #tpu.memory_space<vmem>>, vector<16xi32>,
          %shift_right_arithmetic3A_283 = arith.constant 3 : i32
          %shift_right_arithmetic3A_284 = arith.shrsi %add3A_273, %shift_right_arithmetic3A_283 : i32
          %mul3A_285 = arith.constant 512 : i32
          %mul3A_286 = arith.muli %shift_right_arithmetic3A_284, %mul3A_285 : i32
          %and3A_287 = arith.constant 7 : i32
          %and3A_288 = arith.andi %add3A_273, %and3A_287 : i32
          %mul3A_289 = arith.constant 16 : i32
          %mul3A_290 = arith.muli %and3A_288, %mul3A_289 : i32
          %add3A_291 = arith.addi %mul3A_286, %mul3A_290 : i32
          %gather3A_292 = tpu.vector_load_idx %arg26[%get3A_282] masked %gt3A_280 : memref<4096xf32, #tpu.memory_space<vmem>>[vector<16xi32>], vector<16xf32>, vector<16xi1>
          %jit3A_293 = arith.constant 0.000000e+00 : f32
          %broadcast_in_dim3A_294 = vector.broadcast %jit3A_293 : f32 to vector<16xf32>
          %select_n3A_295 = arith.select %gt3A_280, %gather3A_292, %broadcast_in_dim3A_294 : vector<16xi1>, vector<16xf32>
          %neg3A_296 = arith.constant 0.000000e+00 : f32
          %neg3A_297 = vector.broadcast %neg3A_296 : f32 to vector<16xf32>
          %neg3A_298 = arith.subf %neg3A_297, %select_n3A_295 : vector<16xf32>
          %exp3A_299 = math.exp %neg3A_298 : vector<16xf32>
          %add3A_300 = arith.constant 1.000000e+00 : f32
          %add3A_301 = vector.broadcast %add3A_300 : f32 to vector<16xf32>
          %add3A_302 = arith.addf %add3A_301, %exp3A_299 : vector<16xf32>
          %div3A_303 = arith.constant 1.000000e+00 : f32
          %div3A_304 = vector.broadcast %div3A_303 : f32 to vector<16xf32>
          %div3A_305 = arith.divf %div3A_304, %add3A_302 : vector<16xf32>
          %add3A_306 = arith.constant 0 : i32
          %add3A_307 = arith.addi %add3A_291, %add3A_306 : i32
          %swap3A_308 = arith.index_cast %add3A_307 : i32 to index
          %swap3A_309 = tpu.vector_load %arg7[%swap3A_308] {strides = array<i32>} : memref<16384xf32, #tpu.memory_space<vmem>>, vector<16xf32>,
          tpu.vector_store %arg7[%swap3A_308], %div3A_305 {strides = array<i32>} : memref<16384xf32, #tpu.memory_space<vmem>>, vector<16xf32>,
          %gather3A_310 = tpu.vector_load_idx %arg27[%get3A_282] masked %gt3A_280 : memref<4096xf32, #tpu.memory_space<vmem>>[vector<16xi32>], vector<16xf32>, vector<16xi1>
          %jit3A_311 = arith.constant 0.000000e+00 : f32
          %broadcast_in_dim3A_312 = vector.broadcast %jit3A_311 : f32 to vector<16xf32>
          %select_n3A_313 = arith.select %gt3A_280, %gather3A_310, %broadcast_in_dim3A_312 : vector<16xi1>, vector<16xf32>
          %neg3A_314 = arith.constant 0.000000e+00 : f32
          %neg3A_315 = vector.broadcast %neg3A_314 : f32 to vector<16xf32>
          %neg3A_316 = arith.subf %neg3A_315, %select_n3A_313 : vector<16xf32>
          %exp3A_317 = math.exp %neg3A_316 : vector<16xf32>
          %add3A_318 = arith.constant 1.000000e+00 : f32
          %add3A_319 = vector.broadcast %add3A_318 : f32 to vector<16xf32>
          %add3A_320 = arith.addf %add3A_319, %exp3A_317 : vector<16xf32>
          %div3A_321 = arith.constant 1.000000e+00 : f32
          %div3A_322 = vector.broadcast %div3A_321 : f32 to vector<16xf32>
          %div3A_323 = arith.divf %div3A_322, %add3A_320 : vector<16xf32>
          %add3A_324 = arith.constant 128 : i32
          %add3A_325 = arith.addi %add3A_291, %add3A_324 : i32
          %swap3A_326 = arith.index_cast %add3A_325 : i32 to index
          %swap3A_327 = tpu.vector_load %arg7[%swap3A_326] {strides = array<i32>} : memref<16384xf32, #tpu.memory_space<vmem>>, vector<16xf32>,
          tpu.vector_store %arg7[%swap3A_326], %div3A_323 {strides = array<i32>} : memref<16384xf32, #tpu.memory_space<vmem>>, vector<16xf32>,
          %gather3A_328 = tpu.vector_load_idx %arg28[%get3A_282] masked %gt3A_280 : memref<4096xf32, #tpu.memory_space<vmem>>[vector<16xi32>], vector<16xf32>, vector<16xi1>
          %jit3A_329 = arith.constant 0.000000e+00 : f32
          %broadcast_in_dim3A_330 = vector.broadcast %jit3A_329 : f32 to vector<16xf32>
          %select_n3A_331 = arith.select %gt3A_280, %gather3A_328, %broadcast_in_dim3A_330 : vector<16xi1>, vector<16xf32>
          %neg3A_332 = arith.constant 0.000000e+00 : f32
          %neg3A_333 = vector.broadcast %neg3A_332 : f32 to vector<16xf32>
          %neg3A_334 = arith.subf %neg3A_333, %select_n3A_331 : vector<16xf32>
          %exp3A_335 = math.exp %neg3A_334 : vector<16xf32>
          %add3A_336 = arith.constant 1.000000e+00 : f32
          %add3A_337 = vector.broadcast %add3A_336 : f32 to vector<16xf32>
          %add3A_338 = arith.addf %add3A_337, %exp3A_335 : vector<16xf32>
          %div3A_339 = arith.constant 1.000000e+00 : f32
          %div3A_340 = vector.broadcast %div3A_339 : f32 to vector<16xf32>
          %div3A_341 = arith.divf %div3A_340, %add3A_338 : vector<16xf32>
          %add3A_342 = arith.constant 256 : i32
          %add3A_343 = arith.addi %add3A_291, %add3A_342 : i32
          %swap3A_344 = arith.index_cast %add3A_343 : i32 to index
          %swap3A_345 = tpu.vector_load %arg7[%swap3A_344] {strides = array<i32>} : memref<16384xf32, #tpu.memory_space<vmem>>, vector<16xf32>,
          tpu.vector_store %arg7[%swap3A_344], %div3A_341 {strides = array<i32>} : memref<16384xf32, #tpu.memory_space<vmem>>, vector<16xf32>,
          %gather3A_346 = tpu.vector_load_idx %arg29[%get3A_282] masked %gt3A_280 : memref<4096xf32, #tpu.memory_space<vmem>>[vector<16xi32>], vector<16xf32>, vector<16xi1>
          %jit3A_347 = arith.constant 0.000000e+00 : f32
          %broadcast_in_dim3A_348 = vector.broadcast %jit3A_347 : f32 to vector<16xf32>
          %select_n3A_349 = arith.select %gt3A_280, %gather3A_346, %broadcast_in_dim3A_348 : vector<16xi1>, vector<16xf32>
          %max3A_350 = arith.constant 0.000000e+00 : f32
          %max3A_351 = vector.broadcast %max3A_350 : f32 to vector<16xf32>
          %max3A_352 = arith.maximumf %select_n3A_349, %max3A_351 : vector<16xf32>
          %swap3A_353 = arith.index_cast %mul3A_275 : i32 to index
          %swap3A_354 = tpu.vector_load %arg8[%swap3A_353] {strides = array<i32>} : memref<4096xf32, #tpu.memory_space<vmem>>, vector<16xf32>,
          tpu.vector_store %arg8[%swap3A_353], %max3A_352 {strides = array<i32>} : memref<4096xf32, #tpu.memory_space<vmem>>, vector<16xf32>,
          %scan3A_355 = arith.constant 0 : i32
          scf.yield %scan3A_355 : i32
        }
        %scan3A_185 = arith.constant 128 : i32
        %mul3A_186 = arith.constant 32768 : i32
        %mul3A_187 = arith.muli %add3A, %mul3A_186 : i32
        %mul3A_188 = arith.constant 4096 : i32
        %mul3A_189 = arith.muli %sub3A_166, %mul3A_188 : i32
        %add3A_190 = arith.addi %mul3A_187, %mul3A_189 : i32
        %mul3A_191 = arith.constant 4 : i32
        %mul3A_192 = arith.muli %mul3A_191, %add3A_190 : i32
        "tpu.region"() ({
          %run_scoped3A = tpu.sem_alloc : memref<!tpu.dma_semaphore, #tpu.memory_space<semaphore_mem>>
          %dma_start3A = tpu.memref_slice %arg4[%mul3A_192] : memref<4194304xf32, #tpu.memory_space<hbm>> -> memref<16384xf32, #tpu.memory_space<hbm>>
          %dma_start3A_193 = tpu.memref_slice %arg4[%mul3A_192] : memref<4194304xf32, #tpu.memory_space<hbm>> -> memref<16384xf32, #tpu.memory_space<hbm>>
          tpu.enqueue_dma source(%arg7 : memref<16384xf32, #tpu.memory_space<vmem>>) target(%dma_start3A_193 : memref<16384xf32, #tpu.memory_space<hbm>>) target_semaphore(%run_scoped3A : memref<!tpu.dma_semaphore, #tpu.memory_space<semaphore_mem>>)
          %dma_wait3A = tpu.memref_slice %arg4[%mul3A_192] : memref<4194304xf32, #tpu.memory_space<hbm>> -> memref<16384xf32, #tpu.memory_space<hbm>>
          %dma_wait3A_194 = tpu.memref_slice %arg4[%mul3A_192] : memref<4194304xf32, #tpu.memory_space<hbm>> -> memref<16384xf32, #tpu.memory_space<hbm>>
          tpu.wait_dma2 semaphore(%run_scoped3A : memref<!tpu.dma_semaphore, #tpu.memory_space<semaphore_mem>>) src(%arg7 : memref<16384xf32, #tpu.memory_space<vmem>>) dst(%dma_wait3A_194 : memref<16384xf32, #tpu.memory_space<hbm>>)
          tpu.yield
        }) : () -> ()
        "tpu.region"() ({
          %run_scoped3A = tpu.sem_alloc : memref<!tpu.dma_semaphore, #tpu.memory_space<semaphore_mem>>
          %dma_start3A = tpu.memref_slice %arg5[%add3A_190] : memref<1048576xf32, #tpu.memory_space<hbm>> -> memref<4096xf32, #tpu.memory_space<hbm>>
          %dma_start3A_193 = tpu.memref_slice %arg5[%add3A_190] : memref<1048576xf32, #tpu.memory_space<hbm>> -> memref<4096xf32, #tpu.memory_space<hbm>>
          tpu.enqueue_dma source(%arg8 : memref<4096xf32, #tpu.memory_space<vmem>>) target(%dma_start3A_193 : memref<4096xf32, #tpu.memory_space<hbm>>) target_semaphore(%run_scoped3A : memref<!tpu.dma_semaphore, #tpu.memory_space<semaphore_mem>>)
          %dma_wait3A = tpu.memref_slice %arg5[%add3A_190] : memref<1048576xf32, #tpu.memory_space<hbm>> -> memref<4096xf32, #tpu.memory_space<hbm>>
          %dma_wait3A_194 = tpu.memref_slice %arg5[%add3A_190] : memref<1048576xf32, #tpu.memory_space<hbm>> -> memref<4096xf32, #tpu.memory_space<hbm>>
          tpu.wait_dma2 semaphore(%run_scoped3A : memref<!tpu.dma_semaphore, #tpu.memory_space<semaphore_mem>>) src(%arg8 : memref<4096xf32, #tpu.memory_space<vmem>>) dst(%dma_wait3A_194 : memref<4096xf32, #tpu.memory_space<hbm>>)
          tpu.yield
        }) : () -> ()
      } else {
      }
      %mul3A_88 = arith.constant 2 : i32
      %mul3A_89 = arith.muli %mul3A_88, %scan3A_39 : i32
      %add3A_90 = arith.constant 1 : i32
      %add3A_91 = arith.addi %mul3A_89, %add3A_90 : i32
      %mul3A_92 = arith.constant 32768 : i32
      %mul3A_93 = arith.muli %add3A, %mul3A_92 : i32
      %mul3A_94 = arith.constant 4096 : i32
      %mul3A_95 = arith.muli %add3A_91, %mul3A_94 : i32
      %add3A_96 = arith.addi %mul3A_93, %mul3A_95 : i32
      %mul3A_97 = arith.constant 4 : i32
      %mul3A_98 = arith.muli %mul3A_97, %add3A_96 : i32
      "tpu.region"() ({
        %run_scoped3A = tpu.sem_alloc : memref<!tpu.dma_semaphore, #tpu.memory_space<semaphore_mem>>
        %dma_start3A = tpu.memref_slice %arg2[%mul3A_98] : memref<4194304xf32, #tpu.memory_space<hbm>> -> memref<16384xf32, #tpu.memory_space<hbm>>
        %dma_start3A_164 = tpu.memref_slice %arg2[%mul3A_98] : memref<4194304xf32, #tpu.memory_space<hbm>> -> memref<16384xf32, #tpu.memory_space<hbm>>
        tpu.enqueue_dma source(%dma_start3A_164 : memref<16384xf32, #tpu.memory_space<hbm>>) target(%arg6 : memref<16384xf32, #tpu.memory_space<vmem>>) target_semaphore(%run_scoped3A : memref<!tpu.dma_semaphore, #tpu.memory_space<semaphore_mem>>)
        %dma_wait3A = tpu.memref_slice %arg2[%mul3A_98] : memref<4194304xf32, #tpu.memory_space<hbm>> -> memref<16384xf32, #tpu.memory_space<hbm>>
        %dma_wait3A_165 = tpu.memref_slice %arg2[%mul3A_98] : memref<4194304xf32, #tpu.memory_space<hbm>> -> memref<16384xf32, #tpu.memory_space<hbm>>
        tpu.wait_dma2 semaphore(%run_scoped3A : memref<!tpu.dma_semaphore, #tpu.memory_space<semaphore_mem>>) src(%dma_wait3A_165 : memref<16384xf32, #tpu.memory_space<hbm>>) dst(%arg6 : memref<16384xf32, #tpu.memory_space<vmem>>)
        tpu.yield
      }) : () -> ()
      %scan3A_99 = arith.constant 0 : i32
      %scan3A_100 = arith.constant 0 : i32
      %scan3A_101 = arith.constant 128 : i32
      %scan3A_102 = arith.addi %scan3A_100, %scan3A_101 : i32
      %scan3A_103 = arith.constant 1 : i32
      %scan3A_104 = scf.for %scan3A_164 = %scan3A_100 to %scan3A_102 step %scan3A_103 iter_args(%scan3A_165 = %scan3A_99) -> (i32)  : i32 {
        %mul3A_166 = arith.constant 2 : i32
        %mul3A_167 = arith.muli %scan3A_164, %mul3A_166 : i32
        %add3A_168 = arith.constant 0 : i32
        %add3A_169 = arith.addi %mul3A_167, %add3A_168 : i32
        %mul3A_170 = arith.constant 16 : i32
        %mul3A_171 = arith.muli %add3A_169, %mul3A_170 : i32
        %shift_right_arithmetic3A_172 = arith.constant 7 : i32
        %shift_right_arithmetic3A_173 = arith.shrsi %mul3A_171, %shift_right_arithmetic3A_172 : i32
        %shift_left3A = arith.constant 9 : i32
        %shift_left3A_174 = arith.shli %shift_right_arithmetic3A_173, %shift_left3A : i32
        %and3A = arith.constant 127 : i32
        %and3A_175 = arith.andi %mul3A_171, %and3A : i32
        %add3A_176 = arith.addi %shift_left3A_174, %and3A_175 : i32
        %get3A = arith.index_cast %add3A_176 : i32 to index
        %get3A_177 = tpu.vector_load %arg6[%get3A] {strides = array<i32>} : memref<16384xf32, #tpu.memory_space<vmem>>, vector<16xf32>,
        %add3A_178 = arith.constant 128 : i32
        %add3A_179 = arith.addi %add3A_176, %add3A_178 : i32
        %get3A_180 = arith.index_cast %add3A_179 : i32 to index
        %get3A_181 = tpu.vector_load %arg6[%get3A_180] {strides = array<i32>} : memref<16384xf32, #tpu.memory_space<vmem>>, vector<16xf32>,
        %add3A_182 = arith.constant 256 : i32
        %add3A_183 = arith.addi %add3A_176, %add3A_182 : i32
        %get3A_184 = arith.index_cast %add3A_183 : i32 to index
        %get3A_185 = tpu.vector_load %arg6[%get3A_184] {strides = array<i32>} : memref<16384xf32, #tpu.memory_space<vmem>>, vector<16xf32>,
        %abs3A = math.absf %get3A_177 : vector<16xf32>
        %lt3A = arith.constant 5.000000e-01 : f32
        %lt3A_186 = vector.broadcast %lt3A : f32 to vector<16xf32>
        %lt3A_187 = arith.cmpf olt, %abs3A, %lt3A_186 : vector<16xf32>
        %abs3A_188 = math.absf %get3A_181 : vector<16xf32>
        %lt3A_189 = arith.constant 5.000000e-01 : f32
        %lt3A_190 = vector.broadcast %lt3A_189 : f32 to vector<16xf32>
        %lt3A_191 = arith.cmpf olt, %abs3A_188, %lt3A_190 : vector<16xf32>
        %and3A_192 = arith.andi %lt3A_187, %lt3A_191 : vector<16xi1>
        %abs3A_193 = math.absf %get3A_185 : vector<16xf32>
        %lt3A_194 = arith.constant 5.000000e-01 : f32
        %lt3A_195 = vector.broadcast %lt3A_194 : f32 to vector<16xf32>
        %lt3A_196 = arith.cmpf olt, %abs3A_193, %lt3A_195 : vector<16xf32>
        %and3A_197 = arith.andi %and3A_192, %lt3A_196 : vector<16xi1>
        %convert_element_type3A_198 = arith.extui %and3A_197 : vector<16xi1> to vector<16xi32>
        %mul3A_199 = arith.constant 1.280000e+02 : f32
        %mul3A_200 = vector.broadcast %mul3A_199 : f32 to vector<16xf32>
        %mul3A_201 = arith.mulf %get3A_177, %mul3A_200 : vector<16xf32>
        %add3A_202 = arith.constant 6.400000e+01 : f32
        %add3A_203 = vector.broadcast %add3A_202 : f32 to vector<16xf32>
        %add3A_204 = arith.addf %mul3A_201, %add3A_203 : vector<16xf32>
        %convert_element_type3A_205 = arith.fptosi %add3A_204 : vector<16xf32> to vector<16xi32>
        %jit3A = arith.constant 0 : i32
        %jit3A_206 = arith.constant 127 : i32
        %max3A = vector.broadcast %jit3A : i32 to vector<16xi32>
        %max3A_207 = arith.maxsi %max3A, %convert_element_type3A_205 : vector<16xi32>
        %min3A = vector.broadcast %jit3A_206 : i32 to vector<16xi32>
        %min3A_208 = arith.minsi %min3A, %max3A_207 : vector<16xi32>
        %mul3A_209 = arith.constant 128 : i32
        %mul3A_210 = vector.broadcast %mul3A_209 : i32 to vector<16xi32>
        %mul3A_211 = arith.muli %min3A_208, %mul3A_210 : vector<16xi32>
        %mul3A_212 = arith.constant 1.280000e+02 : f32
        %mul3A_213 = vector.broadcast %mul3A_212 : f32 to vector<16xf32>
        %mul3A_214 = arith.mulf %get3A_181, %mul3A_213 : vector<16xf32>
        %add3A_215 = arith.constant 6.400000e+01 : f32
        %add3A_216 = vector.broadcast %add3A_215 : f32 to vector<16xf32>
        %add3A_217 = arith.addf %mul3A_214, %add3A_216 : vector<16xf32>
        %convert_element_type3A_218 = arith.fptosi %add3A_217 : vector<16xf32> to vector<16xi32>
        %jit3A_219 = arith.constant 0 : i32
        %jit3A_220 = arith.constant 127 : i32
        %max3A_221 = vector.broadcast %jit3A_219 : i32 to vector<16xi32>
        %max3A_222 = arith.maxsi %max3A_221, %convert_element_type3A_218 : vector<16xi32>
        %min3A_223 = vector.broadcast %jit3A_220 : i32 to vector<16xi32>
        %min3A_224 = arith.minsi %min3A_223, %max3A_222 : vector<16xi32>
        %add3A_225 = arith.addi %mul3A_211, %min3A_224 : vector<16xi32>
        %mul3A_226 = arith.constant 512 : i32
        %mul3A_227 = vector.broadcast %mul3A_226 : i32 to vector<16xi32>
        %mul3A_228 = arith.muli %add3A_225, %mul3A_227 : vector<16xi32>
        %mul3A_229 = arith.constant 1.280000e+02 : f32
        %mul3A_230 = vector.broadcast %mul3A_229 : f32 to vector<16xf32>
        %mul3A_231 = arith.mulf %get3A_185, %mul3A_230 : vector<16xf32>
        %add3A_232 = arith.constant 6.400000e+01 : f32
        %add3A_233 = vector.broadcast %add3A_232 : f32 to vector<16xf32>
        %add3A_234 = arith.addf %mul3A_231, %add3A_233 : vector<16xf32>
        %convert_element_type3A_235 = arith.fptosi %add3A_234 : vector<16xf32> to vector<16xi32>
        %jit3A_236 = arith.constant 0 : i32
        %jit3A_237 = arith.constant 127 : i32
        %max3A_238 = vector.broadcast %jit3A_236 : i32 to vector<16xi32>
        %max3A_239 = arith.maxsi %max3A_238, %convert_element_type3A_235 : vector<16xi32>
        %min3A_240 = vector.broadcast %jit3A_237 : i32 to vector<16xi32>
        %min3A_241 = arith.minsi %min3A_240, %max3A_239 : vector<16xi32>
        %add3A_242 = arith.addi %mul3A_228, %min3A_241 : vector<16xi32>
        %convert_element_type3A_243 = arith.extui %and3A_197 : vector<16xi1> to vector<16xi32>
        %convert_element_type3A_244 = arith.sitofp %convert_element_type3A_243 : vector<16xi32> to vector<16xf32>
        %swap3A = arith.index_cast %mul3A_171 : i32 to index
        %swap3A_245 = tpu.vector_load %arg20[%swap3A] {strides = array<i32>} : memref<4096xf32, #tpu.memory_space<vmem>>, vector<16xf32>,
        tpu.vector_store %arg20[%swap3A], %convert_element_type3A_244 {strides = array<i32>} : memref<4096xf32, #tpu.memory_space<vmem>>, vector<16xf32>,
        %broadcast_in_dim3A_246 = arith.constant true
        %broadcast_in_dim3A_247 = vector.broadcast %broadcast_in_dim3A_246 : i1 to vector<16xi1>
        %masked_cumsum3A = tpu.scan <sum>, %convert_element_type3A_198 masked %broadcast_in_dim3A_247 : vector<16xi32>, vector<16xi1> -> vector<16xi32>
        %add3A_248 = vector.broadcast %scan3A_165 : i32 to vector<16xi32>
        %add3A_249 = arith.addi %add3A_248, %masked_cumsum3A : vector<16xi32>
        %sub3A = arith.constant 1 : i32
        %sub3A_250 = vector.broadcast %sub3A : i32 to vector<16xi32>
        %sub3A_251 = arith.subi %add3A_249, %sub3A_250 : vector<16xi32>
        %swap3A_252 = arith.index_cast %mul3A_171 : i32 to index
        %swap3A_253 = tpu.vector_load %arg21[%swap3A_252] {strides = array<i32>} : memref<4096xi32, #tpu.memory_space<vmem>>, vector<16xi32>,
        tpu.vector_store %arg21[%swap3A_252], %sub3A_251 {strides = array<i32>} : memref<4096xi32, #tpu.memory_space<vmem>>, vector<16xi32>,
        %swap3A_254 = arith.index_cast %scan3A_165 : i32 to index
        %swap3A_255 = tpu.vector_load %arg22[%swap3A_254] masked %and3A_197 {strides = array<i32>} : memref<4096xi32, #tpu.memory_space<vmem>>, vector<16xi32>, vector<16xi1>
        tpu.vector_store %arg22[%swap3A_254], %add3A_242 masked %and3A_197 {strides = array<i32>} : memref<4096xi32, #tpu.memory_space<vmem>>, vector<16xi32>, vector<16xi1>
        %all_reduce_population_count3A = tpu.all_reduce %and3A_197 {dim = 0 : i64, kind = #tpu.reduction_kind<sum>} : vector<16xi1> -> vector<16xi32>
        %slice3A = vector.extract_strided_slice %all_reduce_population_count3A {offsets = [0], sizes = [1], strides = [1]} : vector<16xi32> to vector<1xi32>
        %squeeze3A = vector.extract %slice3A[0] : i32 from vector<1xi32>
        %add3A_256 = arith.addi %scan3A_165, %squeeze3A : i32
        %mul3A_257 = arith.constant 2 : i32
        %mul3A_258 = arith.muli %scan3A_164, %mul3A_257 : i32
        %add3A_259 = arith.constant 1 : i32
        %add3A_260 = arith.addi %mul3A_258, %add3A_259 : i32
        %mul3A_261 = arith.constant 16 : i32
        %mul3A_262 = arith.muli %add3A_260, %mul3A_261 : i32
        %shift_right_arithmetic3A_263 = arith.constant 7 : i32
        %shift_right_arithmetic3A_264 = arith.shrsi %mul3A_262, %shift_right_arithmetic3A_263 : i32
        %shift_left3A_265 = arith.constant 9 : i32
        %shift_left3A_266 = arith.shli %shift_right_arithmetic3A_264, %shift_left3A_265 : i32
        %and3A_267 = arith.constant 127 : i32
        %and3A_268 = arith.andi %mul3A_262, %and3A_267 : i32
        %add3A_269 = arith.addi %shift_left3A_266, %and3A_268 : i32
        %get3A_270 = arith.index_cast %add3A_269 : i32 to index
        %get3A_271 = tpu.vector_load %arg6[%get3A_270] {strides = array<i32>} : memref<16384xf32, #tpu.memory_space<vmem>>, vector<16xf32>,
        %add3A_272 = arith.constant 128 : i32
        %add3A_273 = arith.addi %add3A_269, %add3A_272 : i32
        %get3A_274 = arith.index_cast %add3A_273 : i32 to index
        %get3A_275 = tpu.vector_load %arg6[%get3A_274] {strides = array<i32>} : memref<16384xf32, #tpu.memory_space<vmem>>, vector<16xf32>,
        %add3A_276 = arith.constant 256 : i32
        %add3A_277 = arith.addi %add3A_269, %add3A_276 : i32
        %get3A_278 = arith.index_cast %add3A_277 : i32 to index
        %get3A_279 = tpu.vector_load %arg6[%get3A_278] {strides = array<i32>} : memref<16384xf32, #tpu.memory_space<vmem>>, vector<16xf32>,
        %abs3A_280 = math.absf %get3A_271 : vector<16xf32>
        %lt3A_281 = arith.constant 5.000000e-01 : f32
        %lt3A_282 = vector.broadcast %lt3A_281 : f32 to vector<16xf32>
        %lt3A_283 = arith.cmpf olt, %abs3A_280, %lt3A_282 : vector<16xf32>
        %abs3A_284 = math.absf %get3A_275 : vector<16xf32>
        %lt3A_285 = arith.constant 5.000000e-01 : f32
        %lt3A_286 = vector.broadcast %lt3A_285 : f32 to vector<16xf32>
        %lt3A_287 = arith.cmpf olt, %abs3A_284, %lt3A_286 : vector<16xf32>
        %and3A_288 = arith.andi %lt3A_283, %lt3A_287 : vector<16xi1>
        %abs3A_289 = math.absf %get3A_279 : vector<16xf32>
        %lt3A_290 = arith.constant 5.000000e-01 : f32
        %lt3A_291 = vector.broadcast %lt3A_290 : f32 to vector<16xf32>
        %lt3A_292 = arith.cmpf olt, %abs3A_289, %lt3A_291 : vector<16xf32>
        %and3A_293 = arith.andi %and3A_288, %lt3A_292 : vector<16xi1>
        %convert_element_type3A_294 = arith.extui %and3A_293 : vector<16xi1> to vector<16xi32>
        %mul3A_295 = arith.constant 1.280000e+02 : f32
        %mul3A_296 = vector.broadcast %mul3A_295 : f32 to vector<16xf32>
        %mul3A_297 = arith.mulf %get3A_271, %mul3A_296 : vector<16xf32>
        %add3A_298 = arith.constant 6.400000e+01 : f32
        %add3A_299 = vector.broadcast %add3A_298 : f32 to vector<16xf32>
        %add3A_300 = arith.addf %mul3A_297, %add3A_299 : vector<16xf32>
        %convert_element_type3A_301 = arith.fptosi %add3A_300 : vector<16xf32> to vector<16xi32>
        %jit3A_302 = arith.constant 0 : i32
        %jit3A_303 = arith.constant 127 : i32
        %max3A_304 = vector.broadcast %jit3A_302 : i32 to vector<16xi32>
        %max3A_305 = arith.maxsi %max3A_304, %convert_element_type3A_301 : vector<16xi32>
        %min3A_306 = vector.broadcast %jit3A_303 : i32 to vector<16xi32>
        %min3A_307 = arith.minsi %min3A_306, %max3A_305 : vector<16xi32>
        %mul3A_308 = arith.constant 128 : i32
        %mul3A_309 = vector.broadcast %mul3A_308 : i32 to vector<16xi32>
        %mul3A_310 = arith.muli %min3A_307, %mul3A_309 : vector<16xi32>
        %mul3A_311 = arith.constant 1.280000e+02 : f32
        %mul3A_312 = vector.broadcast %mul3A_311 : f32 to vector<16xf32>
        %mul3A_313 = arith.mulf %get3A_275, %mul3A_312 : vector<16xf32>
        %add3A_314 = arith.constant 6.400000e+01 : f32
        %add3A_315 = vector.broadcast %add3A_314 : f32 to vector<16xf32>
        %add3A_316 = arith.addf %mul3A_313, %add3A_315 : vector<16xf32>
        %convert_element_type3A_317 = arith.fptosi %add3A_316 : vector<16xf32> to vector<16xi32>
        %jit3A_318 = arith.constant 0 : i32
        %jit3A_319 = arith.constant 127 : i32
        %max3A_320 = vector.broadcast %jit3A_318 : i32 to vector<16xi32>
        %max3A_321 = arith.maxsi %max3A_320, %convert_element_type3A_317 : vector<16xi32>
        %min3A_322 = vector.broadcast %jit3A_319 : i32 to vector<16xi32>
        %min3A_323 = arith.minsi %min3A_322, %max3A_321 : vector<16xi32>
        %add3A_324 = arith.addi %mul3A_310, %min3A_323 : vector<16xi32>
        %mul3A_325 = arith.constant 512 : i32
        %mul3A_326 = vector.broadcast %mul3A_325 : i32 to vector<16xi32>
        %mul3A_327 = arith.muli %add3A_324, %mul3A_326 : vector<16xi32>
        %mul3A_328 = arith.constant 1.280000e+02 : f32
        %mul3A_329 = vector.broadcast %mul3A_328 : f32 to vector<16xf32>
        %mul3A_330 = arith.mulf %get3A_279, %mul3A_329 : vector<16xf32>
        %add3A_331 = arith.constant 6.400000e+01 : f32
        %add3A_332 = vector.broadcast %add3A_331 : f32 to vector<16xf32>
        %add3A_333 = arith.addf %mul3A_330, %add3A_332 : vector<16xf32>
        %convert_element_type3A_334 = arith.fptosi %add3A_333 : vector<16xf32> to vector<16xi32>
        %jit3A_335 = arith.constant 0 : i32
        %jit3A_336 = arith.constant 127 : i32
        %max3A_337 = vector.broadcast %jit3A_335 : i32 to vector<16xi32>
        %max3A_338 = arith.maxsi %max3A_337, %convert_element_type3A_334 : vector<16xi32>
        %min3A_339 = vector.broadcast %jit3A_336 : i32 to vector<16xi32>
        %min3A_340 = arith.minsi %min3A_339, %max3A_338 : vector<16xi32>
        %add3A_341 = arith.addi %mul3A_327, %min3A_340 : vector<16xi32>
        %convert_element_type3A_342 = arith.extui %and3A_293 : vector<16xi1> to vector<16xi32>
        %convert_element_type3A_343 = arith.sitofp %convert_element_type3A_342 : vector<16xi32> to vector<16xf32>
        %swap3A_344 = arith.index_cast %mul3A_262 : i32 to index
        %swap3A_345 = tpu.vector_load %arg20[%swap3A_344] {strides = array<i32>} : memref<4096xf32, #tpu.memory_space<vmem>>, vector<16xf32>,
        tpu.vector_store %arg20[%swap3A_344], %convert_element_type3A_343 {strides = array<i32>} : memref<4096xf32, #tpu.memory_space<vmem>>, vector<16xf32>,
        %broadcast_in_dim3A_346 = arith.constant true
        %broadcast_in_dim3A_347 = vector.broadcast %broadcast_in_dim3A_346 : i1 to vector<16xi1>
        %masked_cumsum3A_348 = tpu.scan <sum>, %convert_element_type3A_294 masked %broadcast_in_dim3A_347 : vector<16xi32>, vector<16xi1> -> vector<16xi32>
        %add3A_349 = vector.broadcast %add3A_256 : i32 to vector<16xi32>
        %add3A_350 = arith.addi %add3A_349, %masked_cumsum3A_348 : vector<16xi32>
        %sub3A_351 = arith.constant 1 : i32
        %sub3A_352 = vector.broadcast %sub3A_351 : i32 to vector<16xi32>
        %sub3A_353 = arith.subi %add3A_350, %sub3A_352 : vector<16xi32>
        %swap3A_354 = arith.index_cast %mul3A_262 : i32 to index
        %swap3A_355 = tpu.vector_load %arg21[%swap3A_354] {strides = array<i32>} : memref<4096xi32, #tpu.memory_space<vmem>>, vector<16xi32>,
        tpu.vector_store %arg21[%swap3A_354], %sub3A_353 {strides = array<i32>} : memref<4096xi32, #tpu.memory_space<vmem>>, vector<16xi32>,
        %swap3A_356 = arith.index_cast %add3A_256 : i32 to index
        %swap3A_357 = tpu.vector_load %arg22[%swap3A_356] masked %and3A_293 {strides = array<i32>} : memref<4096xi32, #tpu.memory_space<vmem>>, vector<16xi32>, vector<16xi1>
        tpu.vector_store %arg22[%swap3A_356], %add3A_341 masked %and3A_293 {strides = array<i32>} : memref<4096xi32, #tpu.memory_space<vmem>>, vector<16xi32>, vector<16xi1>
        %all_reduce_population_count3A_358 = tpu.all_reduce %and3A_293 {dim = 0 : i64, kind = #tpu.reduction_kind<sum>} : vector<16xi1> -> vector<16xi32>
        %slice3A_359 = vector.extract_strided_slice %all_reduce_population_count3A_358 {offsets = [0], sizes = [1], strides = [1]} : vector<16xi32> to vector<1xi32>
        %squeeze3A_360 = vector.extract %slice3A_359[0] : i32 from vector<1xi32>
        %add3A_361 = arith.addi %add3A_256, %squeeze3A_360 : i32
        scf.yield %add3A_361 : i32
      }
      %scan3A_105 = arith.constant 128 : i32
      %add3A_106 = arith.constant 127 : i32
      %add3A_107 = arith.addi %scan3A_104, %add3A_106 : i32
      %shift_right_arithmetic3A_108 = arith.constant 7 : i32
      %shift_right_arithmetic3A_109 = arith.shrsi %add3A_107, %shift_right_arithmetic3A_108 : i32
      %mul3A_110 = arith.constant 8 : i32
      %mul3A_111 = arith.muli %shift_right_arithmetic3A_109, %mul3A_110 : i32
      %while3A_112 = arith.constant 0 : i32
      %while3A_113 = arith.constant 0 : i32
      %while3A_114 = arith.subi %mul3A_111, %while3A_112 : i32
      %while3A_115 = arith.addi %while3A_112, %while3A_114 : i32
      %while3A_116 = arith.constant 1 : i32
      %while3A_117 = arith.divsi %while3A_114, %while3A_116 : i32
      %while3A_118 = arith.muli %while3A_117, %while3A_116 : i32
      %while3A_119 = arith.addi %while3A_112, %while3A_118 : i32
      %while3A_120 = arith.constant 1 : i32
      %while3A_121 = scf.for %while3A_164 = %while3A_112 to %while3A_119 step %while3A_120 iter_args(%while3A_165 = %while3A_113) -> (i32)  : i32 {
        %mul3A_166 = arith.constant 16 : i32
        %mul3A_167 = arith.muli %while3A_164, %mul3A_166 : i32
        %get3A = arith.index_cast %mul3A_167 : i32 to index
        %get3A_168 = tpu.vector_load %arg22[%get3A] {strides = array<i32>} : memref<4096xi32, #tpu.memory_space<vmem>>, vector<16xi32>,
        %add3A_169 = arith.constant 128 : i32
        %add3A_170 = vector.broadcast %add3A_169 : i32 to vector<16xi32>
        %add3A_171 = arith.addi %get3A_168, %add3A_170 : vector<16xi32>
        %swap3A = arith.index_cast %mul3A_167 : i32 to index
        %swap3A_172 = tpu.vector_load %arg23[%swap3A] {strides = array<i32>} : memref<4096xi32, #tpu.memory_space<vmem>>, vector<16xi32>,
        tpu.vector_store %arg23[%swap3A], %add3A_171 {strides = array<i32>} : memref<4096xi32, #tpu.memory_space<vmem>>, vector<16xi32>,
        %add3A_173 = arith.constant 256 : i32
        %add3A_174 = vector.broadcast %add3A_173 : i32 to vector<16xi32>
        %add3A_175 = arith.addi %get3A_168, %add3A_174 : vector<16xi32>
        %swap3A_176 = arith.index_cast %mul3A_167 : i32 to index
        %swap3A_177 = tpu.vector_load %arg24[%swap3A_176] {strides = array<i32>} : memref<4096xi32, #tpu.memory_space<vmem>>, vector<16xi32>,
        tpu.vector_store %arg24[%swap3A_176], %add3A_175 {strides = array<i32>} : memref<4096xi32, #tpu.memory_space<vmem>>, vector<16xi32>,
        %add3A_178 = arith.constant 384 : i32
        %add3A_179 = vector.broadcast %add3A_178 : i32 to vector<16xi32>
        %add3A_180 = arith.addi %get3A_168, %add3A_179 : vector<16xi32>
        %swap3A_181 = arith.index_cast %mul3A_167 : i32 to index
        %swap3A_182 = tpu.vector_load %arg25[%swap3A_181] {strides = array<i32>} : memref<4096xi32, #tpu.memory_space<vmem>>, vector<16xi32>,
        tpu.vector_store %arg25[%swap3A_181], %add3A_180 {strides = array<i32>} : memref<4096xi32, #tpu.memory_space<vmem>>, vector<16xi32>,
        %while3A_183 = arith.constant 0 : i32
        scf.yield %while3A_183 : i32
      }
      %while3A_122 = arith.constant 1 : i32
      %while3A_123 = scf.for %while3A_164 = %while3A_119 to %while3A_115 step %while3A_122 iter_args(%while3A_165 = %while3A_121) -> (i32)  : i32 {
        %mul3A_166 = arith.constant 16 : i32
        %mul3A_167 = arith.muli %while3A_164, %mul3A_166 : i32
        %get3A = arith.index_cast %mul3A_167 : i32 to index
        %get3A_168 = tpu.vector_load %arg22[%get3A] {strides = array<i32>} : memref<4096xi32, #tpu.memory_space<vmem>>, vector<16xi32>,
        %add3A_169 = arith.constant 128 : i32
        %add3A_170 = vector.broadcast %add3A_169 : i32 to vector<16xi32>
        %add3A_171 = arith.addi %get3A_168, %add3A_170 : vector<16xi32>
        %swap3A = arith.index_cast %mul3A_167 : i32 to index
        %swap3A_172 = tpu.vector_load %arg23[%swap3A] {strides = array<i32>} : memref<4096xi32, #tpu.memory_space<vmem>>, vector<16xi32>,
        tpu.vector_store %arg23[%swap3A], %add3A_171 {strides = array<i32>} : memref<4096xi32, #tpu.memory_space<vmem>>, vector<16xi32>,
        %add3A_173 = arith.constant 256 : i32
        %add3A_174 = vector.broadcast %add3A_173 : i32 to vector<16xi32>
        %add3A_175 = arith.addi %get3A_168, %add3A_174 : vector<16xi32>
        %swap3A_176 = arith.index_cast %mul3A_167 : i32 to index
        %swap3A_177 = tpu.vector_load %arg24[%swap3A_176] {strides = array<i32>} : memref<4096xi32, #tpu.memory_space<vmem>>, vector<16xi32>,
        tpu.vector_store %arg24[%swap3A_176], %add3A_175 {strides = array<i32>} : memref<4096xi32, #tpu.memory_space<vmem>>, vector<16xi32>,
        %add3A_178 = arith.constant 384 : i32
        %add3A_179 = vector.broadcast %add3A_178 : i32 to vector<16xi32>
        %add3A_180 = arith.addi %get3A_168, %add3A_179 : vector<16xi32>
        %swap3A_181 = arith.index_cast %mul3A_167 : i32 to index
        %swap3A_182 = tpu.vector_load %arg25[%swap3A_181] {strides = array<i32>} : memref<4096xi32, #tpu.memory_space<vmem>>, vector<16xi32>,
        tpu.vector_store %arg25[%swap3A_181], %add3A_180 {strides = array<i32>} : memref<4096xi32, #tpu.memory_space<vmem>>, vector<16xi32>,
        %while3A_183 = arith.constant 0 : i32
        scf.yield %while3A_183 : i32
      }
      %while3A_124 = arith.constant 0 : i32
      %while3A_125 = arith.constant 0 : i32
      %while3A_126 = arith.subi %shift_right_arithmetic3A_109, %while3A_124 : i32
      %while3A_127 = arith.addi %while3A_124, %while3A_126 : i32
      %while3A_128 = arith.constant 1 : i32
      %while3A_129 = arith.divsi %while3A_126, %while3A_128 : i32
      %while3A_130 = arith.muli %while3A_129, %while3A_128 : i32
      %while3A_131 = arith.addi %while3A_124, %while3A_130 : i32
      %while3A_132 = arith.constant 1 : i32
      %while3A_133 = scf.for %while3A_164 = %while3A_124 to %while3A_131 step %while3A_132 iter_args(%while3A_165 = %while3A_125) -> (i32)  : i32 {
        %mul3A_166 = arith.constant 128 : i32
        %mul3A_167 = arith.muli %while3A_164, %mul3A_166 : i32
        %mul3A_168 = arith.constant 128 : i32
        %mul3A_169 = arith.muli %while3A_164, %mul3A_168 : i32
        %dma_start3A = tpu.memref_slice %arg26[%mul3A_169] : memref<4096xf32, #tpu.memory_space<vmem>> -> memref<128xf32, #tpu.memory_space<vmem>>
        %dma_start3A_170 = tpu.memref_slice %arg22[%mul3A_167] : memref<4096xi32, #tpu.memory_space<vmem>> -> memref<128xi32, #tpu.memory_space<vmem>>
        %dma_start3A_171 = arith.constant 0 : i32
        %dma_start3A_172 = tpu.memref_slice %arg3[%dma_start3A_171] : memref<8388608xf32, #tpu.memory_space<hbm>> -> memref<8388608xf32, #tpu.memory_space<hbm>>
        tpu.enqueue_indirect_dma source(%dma_start3A_172 : memref<8388608xf32, #tpu.memory_space<hbm>>) target(%dma_start3A : memref<128xf32, #tpu.memory_space<vmem>>) offsets(%dma_start3A_170 : memref<128xi32, #tpu.memory_space<vmem>>) semaphore(%arg30 : memref<!tpu.dma_semaphore, #tpu.memory_space<semaphore_mem>>)
        %mul3A_173 = arith.constant 128 : i32
        %mul3A_174 = arith.muli %while3A_164, %mul3A_173 : i32
        %mul3A_175 = arith.constant 128 : i32
        %mul3A_176 = arith.muli %while3A_164, %mul3A_175 : i32
        %dma_start3A_177 = tpu.memref_slice %arg27[%mul3A_176] : memref<4096xf32, #tpu.memory_space<vmem>> -> memref<128xf32, #tpu.memory_space<vmem>>
        %dma_start3A_178 = tpu.memref_slice %arg23[%mul3A_174] : memref<4096xi32, #tpu.memory_space<vmem>> -> memref<128xi32, #tpu.memory_space<vmem>>
        %dma_start3A_179 = arith.constant 0 : i32
        %dma_start3A_180 = tpu.memref_slice %arg3[%dma_start3A_179] : memref<8388608xf32, #tpu.memory_space<hbm>> -> memref<8388608xf32, #tpu.memory_space<hbm>>
        tpu.enqueue_indirect_dma source(%dma_start3A_180 : memref<8388608xf32, #tpu.memory_space<hbm>>) target(%dma_start3A_177 : memref<128xf32, #tpu.memory_space<vmem>>) offsets(%dma_start3A_178 : memref<128xi32, #tpu.memory_space<vmem>>) semaphore(%arg30 : memref<!tpu.dma_semaphore, #tpu.memory_space<semaphore_mem>>)
        %mul3A_181 = arith.constant 128 : i32
        %mul3A_182 = arith.muli %while3A_164, %mul3A_181 : i32
        %mul3A_183 = arith.constant 128 : i32
        %mul3A_184 = arith.muli %while3A_164, %mul3A_183 : i32
        %dma_start3A_185 = tpu.memref_slice %arg28[%mul3A_184] : memref<4096xf32, #tpu.memory_space<vmem>> -> memref<128xf32, #tpu.memory_space<vmem>>
        %dma_start3A_186 = tpu.memref_slice %arg24[%mul3A_182] : memref<4096xi32, #tpu.memory_space<vmem>> -> memref<128xi32, #tpu.memory_space<vmem>>
        %dma_start3A_187 = arith.constant 0 : i32
        %dma_start3A_188 = tpu.memref_slice %arg3[%dma_start3A_187] : memref<8388608xf32, #tpu.memory_space<hbm>> -> memref<8388608xf32, #tpu.memory_space<hbm>>
        tpu.enqueue_indirect_dma source(%dma_start3A_188 : memref<8388608xf32, #tpu.memory_space<hbm>>) target(%dma_start3A_185 : memref<128xf32, #tpu.memory_space<vmem>>) offsets(%dma_start3A_186 : memref<128xi32, #tpu.memory_space<vmem>>) semaphore(%arg30 : memref<!tpu.dma_semaphore, #tpu.memory_space<semaphore_mem>>)
        %mul3A_189 = arith.constant 128 : i32
        %mul3A_190 = arith.muli %while3A_164, %mul3A_189 : i32
        %mul3A_191 = arith.constant 128 : i32
        %mul3A_192 = arith.muli %while3A_164, %mul3A_191 : i32
        %dma_start3A_193 = tpu.memref_slice %arg29[%mul3A_192] : memref<4096xf32, #tpu.memory_space<vmem>> -> memref<128xf32, #tpu.memory_space<vmem>>
        %dma_start3A_194 = tpu.memref_slice %arg25[%mul3A_190] : memref<4096xi32, #tpu.memory_space<vmem>> -> memref<128xi32, #tpu.memory_space<vmem>>
        %dma_start3A_195 = arith.constant 0 : i32
        %dma_start3A_196 = tpu.memref_slice %arg3[%dma_start3A_195] : memref<8388608xf32, #tpu.memory_space<hbm>> -> memref<8388608xf32, #tpu.memory_space<hbm>>
        tpu.enqueue_indirect_dma source(%dma_start3A_196 : memref<8388608xf32, #tpu.memory_space<hbm>>) target(%dma_start3A_193 : memref<128xf32, #tpu.memory_space<vmem>>) offsets(%dma_start3A_194 : memref<128xi32, #tpu.memory_space<vmem>>) semaphore(%arg30 : memref<!tpu.dma_semaphore, #tpu.memory_space<semaphore_mem>>)
        %while3A_197 = arith.constant 0 : i32
        scf.yield %while3A_197 : i32
      }
      %while3A_134 = arith.constant 1 : i32
      %while3A_135 = scf.for %while3A_164 = %while3A_131 to %while3A_127 step %while3A_134 iter_args(%while3A_165 = %while3A_133) -> (i32)  : i32 {
        %mul3A_166 = arith.constant 128 : i32
        %mul3A_167 = arith.muli %while3A_164, %mul3A_166 : i32
        %mul3A_168 = arith.constant 128 : i32
        %mul3A_169 = arith.muli %while3A_164, %mul3A_168 : i32
        %dma_start3A = tpu.memref_slice %arg26[%mul3A_169] : memref<4096xf32, #tpu.memory_space<vmem>> -> memref<128xf32, #tpu.memory_space<vmem>>
        %dma_start3A_170 = tpu.memref_slice %arg22[%mul3A_167] : memref<4096xi32, #tpu.memory_space<vmem>> -> memref<128xi32, #tpu.memory_space<vmem>>
        %dma_start3A_171 = arith.constant 0 : i32
        %dma_start3A_172 = tpu.memref_slice %arg3[%dma_start3A_171] : memref<8388608xf32, #tpu.memory_space<hbm>> -> memref<8388608xf32, #tpu.memory_space<hbm>>
        tpu.enqueue_indirect_dma source(%dma_start3A_172 : memref<8388608xf32, #tpu.memory_space<hbm>>) target(%dma_start3A : memref<128xf32, #tpu.memory_space<vmem>>) offsets(%dma_start3A_170 : memref<128xi32, #tpu.memory_space<vmem>>) semaphore(%arg30 : memref<!tpu.dma_semaphore, #tpu.memory_space<semaphore_mem>>)
        %mul3A_173 = arith.constant 128 : i32
        %mul3A_174 = arith.muli %while3A_164, %mul3A_173 : i32
        %mul3A_175 = arith.constant 128 : i32
        %mul3A_176 = arith.muli %while3A_164, %mul3A_175 : i32
        %dma_start3A_177 = tpu.memref_slice %arg27[%mul3A_176] : memref<4096xf32, #tpu.memory_space<vmem>> -> memref<128xf32, #tpu.memory_space<vmem>>
        %dma_start3A_178 = tpu.memref_slice %arg23[%mul3A_174] : memref<4096xi32, #tpu.memory_space<vmem>> -> memref<128xi32, #tpu.memory_space<vmem>>
        %dma_start3A_179 = arith.constant 0 : i32
        %dma_start3A_180 = tpu.memref_slice %arg3[%dma_start3A_179] : memref<8388608xf32, #tpu.memory_space<hbm>> -> memref<8388608xf32, #tpu.memory_space<hbm>>
        tpu.enqueue_indirect_dma source(%dma_start3A_180 : memref<8388608xf32, #tpu.memory_space<hbm>>) target(%dma_start3A_177 : memref<128xf32, #tpu.memory_space<vmem>>) offsets(%dma_start3A_178 : memref<128xi32, #tpu.memory_space<vmem>>) semaphore(%arg30 : memref<!tpu.dma_semaphore, #tpu.memory_space<semaphore_mem>>)
        %mul3A_181 = arith.constant 128 : i32
        %mul3A_182 = arith.muli %while3A_164, %mul3A_181 : i32
        %mul3A_183 = arith.constant 128 : i32
        %mul3A_184 = arith.muli %while3A_164, %mul3A_183 : i32
        %dma_start3A_185 = tpu.memref_slice %arg28[%mul3A_184] : memref<4096xf32, #tpu.memory_space<vmem>> -> memref<128xf32, #tpu.memory_space<vmem>>
        %dma_start3A_186 = tpu.memref_slice %arg24[%mul3A_182] : memref<4096xi32, #tpu.memory_space<vmem>> -> memref<128xi32, #tpu.memory_space<vmem>>
        %dma_start3A_187 = arith.constant 0 : i32
        %dma_start3A_188 = tpu.memref_slice %arg3[%dma_start3A_187] : memref<8388608xf32, #tpu.memory_space<hbm>> -> memref<8388608xf32, #tpu.memory_space<hbm>>
        tpu.enqueue_indirect_dma source(%dma_start3A_188 : memref<8388608xf32, #tpu.memory_space<hbm>>) target(%dma_start3A_185 : memref<128xf32, #tpu.memory_space<vmem>>) offsets(%dma_start3A_186 : memref<128xi32, #tpu.memory_space<vmem>>) semaphore(%arg30 : memref<!tpu.dma_semaphore, #tpu.memory_space<semaphore_mem>>)
        %mul3A_189 = arith.constant 128 : i32
        %mul3A_190 = arith.muli %while3A_164, %mul3A_189 : i32
        %mul3A_191 = arith.constant 128 : i32
        %mul3A_192 = arith.muli %while3A_164, %mul3A_191 : i32
        %dma_start3A_193 = tpu.memref_slice %arg29[%mul3A_192] : memref<4096xf32, #tpu.memory_space<vmem>> -> memref<128xf32, #tpu.memory_space<vmem>>
        %dma_start3A_194 = tpu.memref_slice %arg25[%mul3A_190] : memref<4096xi32, #tpu.memory_space<vmem>> -> memref<128xi32, #tpu.memory_space<vmem>>
        %dma_start3A_195 = arith.constant 0 : i32
        %dma_start3A_196 = tpu.memref_slice %arg3[%dma_start3A_195] : memref<8388608xf32, #tpu.memory_space<hbm>> -> memref<8388608xf32, #tpu.memory_space<hbm>>
        tpu.enqueue_indirect_dma source(%dma_start3A_196 : memref<8388608xf32, #tpu.memory_space<hbm>>) target(%dma_start3A_193 : memref<128xf32, #tpu.memory_space<vmem>>) offsets(%dma_start3A_194 : memref<128xi32, #tpu.memory_space<vmem>>) semaphore(%arg30 : memref<!tpu.dma_semaphore, #tpu.memory_space<semaphore_mem>>)
        %while3A_197 = arith.constant 0 : i32
        scf.yield %while3A_197 : i32
      }
      %mul3A_136 = arith.constant 2 : i32
      %mul3A_137 = arith.muli %mul3A_136, %scan3A_39 : i32
      %while3A_138 = arith.constant 0 : i32
      %while3A_139 = arith.constant 0 : i32
      %while3A_140 = arith.subi %shift_right_arithmetic3A_59, %while3A_138 : i32
      %while3A_141 = arith.addi %while3A_138, %while3A_140 : i32
      %while3A_142 = arith.constant 1 : i32
      %while3A_143 = arith.divsi %while3A_140, %while3A_142 : i32
      %while3A_144 = arith.muli %while3A_143, %while3A_142 : i32
      %while3A_145 = arith.addi %while3A_138, %while3A_144 : i32
      %while3A_146 = arith.constant 1 : i32
      %while3A_147 = scf.for %while3A_164 = %while3A_138 to %while3A_145 step %while3A_146 iter_args(%while3A_165 = %while3A_139) -> (i32)  : i32 {
        %mul3A_166 = arith.constant 128 : i32
        %mul3A_167 = arith.muli %while3A_164, %mul3A_166 : i32
        %mul3A_168 = arith.constant 128 : i32
        %mul3A_169 = arith.muli %while3A_164, %mul3A_168 : i32
        %dma_wait3A = tpu.memref_slice %arg15[%mul3A_169] : memref<4096xf32, #tpu.memory_space<vmem>> -> memref<128xf32, #tpu.memory_space<vmem>>
        %dma_wait3A_170 = tpu.memref_slice %arg11[%mul3A_167] : memref<4096xi32, #tpu.memory_space<vmem>> -> memref<128xi32, #tpu.memory_space<vmem>>
        %dma_wait3A_171 = arith.constant 0 : i32
        %dma_wait3A_172 = tpu.memref_slice %arg3[%dma_wait3A_171] : memref<8388608xf32, #tpu.memory_space<hbm>> -> memref<8388608xf32, #tpu.memory_space<hbm>>
        tpu.wait_indirect_dma semaphore(%arg19 : memref<!tpu.dma_semaphore, #tpu.memory_space<semaphore_mem>>) src(%dma_wait3A_172 : memref<8388608xf32, #tpu.memory_space<hbm>>) dst(%dma_wait3A : memref<128xf32, #tpu.memory_space<vmem>>)
        %mul3A_173 = arith.constant 128 : i32
        %mul3A_174 = arith.muli %while3A_164, %mul3A_173 : i32
        %mul3A_175 = arith.constant 128 : i32
        %mul3A_176 = arith.muli %while3A_164, %mul3A_175 : i32
        %dma_wait3A_177 = tpu.memref_slice %arg16[%mul3A_176] : memref<4096xf32, #tpu.memory_space<vmem>> -> memref<128xf32, #tpu.memory_space<vmem>>
        %dma_wait3A_178 = tpu.memref_slice %arg12[%mul3A_174] : memref<4096xi32, #tpu.memory_space<vmem>> -> memref<128xi32, #tpu.memory_space<vmem>>
        %dma_wait3A_179 = arith.constant 0 : i32
        %dma_wait3A_180 = tpu.memref_slice %arg3[%dma_wait3A_179] : memref<8388608xf32, #tpu.memory_space<hbm>> -> memref<8388608xf32, #tpu.memory_space<hbm>>
        tpu.wait_indirect_dma semaphore(%arg19 : memref<!tpu.dma_semaphore, #tpu.memory_space<semaphore_mem>>) src(%dma_wait3A_180 : memref<8388608xf32, #tpu.memory_space<hbm>>) dst(%dma_wait3A_177 : memref<128xf32, #tpu.memory_space<vmem>>)
        %mul3A_181 = arith.constant 128 : i32
        %mul3A_182 = arith.muli %while3A_164, %mul3A_181 : i32
        %mul3A_183 = arith.constant 128 : i32
        %mul3A_184 = arith.muli %while3A_164, %mul3A_183 : i32
        %dma_wait3A_185 = tpu.memref_slice %arg17[%mul3A_184] : memref<4096xf32, #tpu.memory_space<vmem>> -> memref<128xf32, #tpu.memory_space<vmem>>
        %dma_wait3A_186 = tpu.memref_slice %arg13[%mul3A_182] : memref<4096xi32, #tpu.memory_space<vmem>> -> memref<128xi32, #tpu.memory_space<vmem>>
        %dma_wait3A_187 = arith.constant 0 : i32
        %dma_wait3A_188 = tpu.memref_slice %arg3[%dma_wait3A_187] : memref<8388608xf32, #tpu.memory_space<hbm>> -> memref<8388608xf32, #tpu.memory_space<hbm>>
        tpu.wait_indirect_dma semaphore(%arg19 : memref<!tpu.dma_semaphore, #tpu.memory_space<semaphore_mem>>) src(%dma_wait3A_188 : memref<8388608xf32, #tpu.memory_space<hbm>>) dst(%dma_wait3A_185 : memref<128xf32, #tpu.memory_space<vmem>>)
        %mul3A_189 = arith.constant 128 : i32
        %mul3A_190 = arith.muli %while3A_164, %mul3A_189 : i32
        %mul3A_191 = arith.constant 128 : i32
        %mul3A_192 = arith.muli %while3A_164, %mul3A_191 : i32
        %dma_wait3A_193 = tpu.memref_slice %arg18[%mul3A_192] : memref<4096xf32, #tpu.memory_space<vmem>> -> memref<128xf32, #tpu.memory_space<vmem>>
        %dma_wait3A_194 = tpu.memref_slice %arg14[%mul3A_190] : memref<4096xi32, #tpu.memory_space<vmem>> -> memref<128xi32, #tpu.memory_space<vmem>>
        %dma_wait3A_195 = arith.constant 0 : i32
        %dma_wait3A_196 = tpu.memref_slice %arg3[%dma_wait3A_195] : memref<8388608xf32, #tpu.memory_space<hbm>> -> memref<8388608xf32, #tpu.memory_space<hbm>>
        tpu.wait_indirect_dma semaphore(%arg19 : memref<!tpu.dma_semaphore, #tpu.memory_space<semaphore_mem>>) src(%dma_wait3A_196 : memref<8388608xf32, #tpu.memory_space<hbm>>) dst(%dma_wait3A_193 : memref<128xf32, #tpu.memory_space<vmem>>)
        %while3A_197 = arith.constant 0 : i32
        scf.yield %while3A_197 : i32
      }
      %while3A_148 = arith.constant 1 : i32
      %while3A_149 = scf.for %while3A_164 = %while3A_145 to %while3A_141 step %while3A_148 iter_args(%while3A_165 = %while3A_147) -> (i32)  : i32 {
        %mul3A_166 = arith.constant 128 : i32
        %mul3A_167 = arith.muli %while3A_164, %mul3A_166 : i32
        %mul3A_168 = arith.constant 128 : i32
        %mul3A_169 = arith.muli %while3A_164, %mul3A_168 : i32
        %dma_wait3A = tpu.memref_slice %arg15[%mul3A_169] : memref<4096xf32, #tpu.memory_space<vmem>> -> memref<128xf32, #tpu.memory_space<vmem>>
        %dma_wait3A_170 = tpu.memref_slice %arg11[%mul3A_167] : memref<4096xi32, #tpu.memory_space<vmem>> -> memref<128xi32, #tpu.memory_space<vmem>>
        %dma_wait3A_171 = arith.constant 0 : i32
        %dma_wait3A_172 = tpu.memref_slice %arg3[%dma_wait3A_171] : memref<8388608xf32, #tpu.memory_space<hbm>> -> memref<8388608xf32, #tpu.memory_space<hbm>>
        tpu.wait_indirect_dma semaphore(%arg19 : memref<!tpu.dma_semaphore, #tpu.memory_space<semaphore_mem>>) src(%dma_wait3A_172 : memref<8388608xf32, #tpu.memory_space<hbm>>) dst(%dma_wait3A : memref<128xf32, #tpu.memory_space<vmem>>)
        %mul3A_173 = arith.constant 128 : i32
        %mul3A_174 = arith.muli %while3A_164, %mul3A_173 : i32
        %mul3A_175 = arith.constant 128 : i32
        %mul3A_176 = arith.muli %while3A_164, %mul3A_175 : i32
        %dma_wait3A_177 = tpu.memref_slice %arg16[%mul3A_176] : memref<4096xf32, #tpu.memory_space<vmem>> -> memref<128xf32, #tpu.memory_space<vmem>>
        %dma_wait3A_178 = tpu.memref_slice %arg12[%mul3A_174] : memref<4096xi32, #tpu.memory_space<vmem>> -> memref<128xi32, #tpu.memory_space<vmem>>
        %dma_wait3A_179 = arith.constant 0 : i32
        %dma_wait3A_180 = tpu.memref_slice %arg3[%dma_wait3A_179] : memref<8388608xf32, #tpu.memory_space<hbm>> -> memref<8388608xf32, #tpu.memory_space<hbm>>
        tpu.wait_indirect_dma semaphore(%arg19 : memref<!tpu.dma_semaphore, #tpu.memory_space<semaphore_mem>>) src(%dma_wait3A_180 : memref<8388608xf32, #tpu.memory_space<hbm>>) dst(%dma_wait3A_177 : memref<128xf32, #tpu.memory_space<vmem>>)
        %mul3A_181 = arith.constant 128 : i32
        %mul3A_182 = arith.muli %while3A_164, %mul3A_181 : i32
        %mul3A_183 = arith.constant 128 : i32
        %mul3A_184 = arith.muli %while3A_164, %mul3A_183 : i32
        %dma_wait3A_185 = tpu.memref_slice %arg17[%mul3A_184] : memref<4096xf32, #tpu.memory_space<vmem>> -> memref<128xf32, #tpu.memory_space<vmem>>
        %dma_wait3A_186 = tpu.memref_slice %arg13[%mul3A_182] : memref<4096xi32, #tpu.memory_space<vmem>> -> memref<128xi32, #tpu.memory_space<vmem>>
        %dma_wait3A_187 = arith.constant 0 : i32
        %dma_wait3A_188 = tpu.memref_slice %arg3[%dma_wait3A_187] : memref<8388608xf32, #tpu.memory_space<hbm>> -> memref<8388608xf32, #tpu.memory_space<hbm>>
        tpu.wait_indirect_dma semaphore(%arg19 : memref<!tpu.dma_semaphore, #tpu.memory_space<semaphore_mem>>) src(%dma_wait3A_188 : memref<8388608xf32, #tpu.memory_space<hbm>>) dst(%dma_wait3A_185 : memref<128xf32, #tpu.memory_space<vmem>>)
        %mul3A_189 = arith.constant 128 : i32
        %mul3A_190 = arith.muli %while3A_164, %mul3A_189 : i32
        %mul3A_191 = arith.constant 128 : i32
        %mul3A_192 = arith.muli %while3A_164, %mul3A_191 : i32
        %dma_wait3A_193 = tpu.memref_slice %arg18[%mul3A_192] : memref<4096xf32, #tpu.memory_space<vmem>> -> memref<128xf32, #tpu.memory_space<vmem>>
        %dma_wait3A_194 = tpu.memref_slice %arg14[%mul3A_190] : memref<4096xi32, #tpu.memory_space<vmem>> -> memref<128xi32, #tpu.memory_space<vmem>>
        %dma_wait3A_195 = arith.constant 0 : i32
        %dma_wait3A_196 = tpu.memref_slice %arg3[%dma_wait3A_195] : memref<8388608xf32, #tpu.memory_space<hbm>> -> memref<8388608xf32, #tpu.memory_space<hbm>>
        tpu.wait_indirect_dma semaphore(%arg19 : memref<!tpu.dma_semaphore, #tpu.memory_space<semaphore_mem>>) src(%dma_wait3A_196 : memref<8388608xf32, #tpu.memory_space<hbm>>) dst(%dma_wait3A_193 : memref<128xf32, #tpu.memory_space<vmem>>)
        %while3A_197 = arith.constant 0 : i32
        scf.yield %while3A_197 : i32
      }
      %scan3A_150 = arith.constant 0 : i32
      %scan3A_151 = arith.constant 0 : i32
      %scan3A_152 = arith.constant 128 : i32
      %scan3A_153 = arith.addi %scan3A_151, %scan3A_152 : i32
      %scan3A_154 = arith.constant 1 : i32
      %scan3A_155 = scf.for %scan3A_164 = %scan3A_151 to %scan3A_153 step %scan3A_154 iter_args(%scan3A_165 = %scan3A_150) -> (i32)  : i32 {
        %mul3A_166 = arith.constant 2 : i32
        %mul3A_167 = arith.muli %scan3A_164, %mul3A_166 : i32
        %add3A_168 = arith.constant 0 : i32
        %add3A_169 = arith.addi %mul3A_167, %add3A_168 : i32
        %mul3A_170 = arith.constant 16 : i32
        %mul3A_171 = arith.muli %add3A_169, %mul3A_170 : i32
        %get3A = arith.index_cast %mul3A_171 : i32 to index
        %get3A_172 = tpu.vector_load %arg9[%get3A] {strides = array<i32>} : memref<4096xf32, #tpu.memory_space<vmem>>, vector<16xf32>,
        %gt3A_173 = arith.constant 5.000000e-01 : f32
        %gt3A_174 = vector.broadcast %gt3A_173 : f32 to vector<16xf32>
        %gt3A_175 = arith.cmpf ogt, %get3A_172, %gt3A_174 : vector<16xf32>
        %get3A_176 = arith.index_cast %mul3A_171 : i32 to index
        %get3A_177 = tpu.vector_load %arg10[%get3A_176] {strides = array<i32>} : memref<4096xi32, #tpu.memory_space<vmem>>, vector<16xi32>,
        %shift_right_arithmetic3A_178 = arith.constant 3 : i32
        %shift_right_arithmetic3A_179 = arith.shrsi %add3A_169, %shift_right_arithmetic3A_178 : i32
        %mul3A_180 = arith.constant 512 : i32
        %mul3A_181 = arith.muli %shift_right_arithmetic3A_179, %mul3A_180 : i32
        %and3A = arith.constant 7 : i32
        %and3A_182 = arith.andi %add3A_169, %and3A : i32
        %mul3A_183 = arith.constant 16 : i32
        %mul3A_184 = arith.muli %and3A_182, %mul3A_183 : i32
        %add3A_185 = arith.addi %mul3A_181, %mul3A_184 : i32
        %gather3A = tpu.vector_load_idx %arg15[%get3A_177] masked %gt3A_175 : memref<4096xf32, #tpu.memory_space<vmem>>[vector<16xi32>], vector<16xf32>, vector<16xi1>
        %jit3A = arith.constant 0.000000e+00 : f32
        %broadcast_in_dim3A_186 = vector.broadcast %jit3A : f32 to vector<16xf32>
        %select_n3A = arith.select %gt3A_175, %gather3A, %broadcast_in_dim3A_186 : vector<16xi1>, vector<16xf32>
        %neg3A = arith.constant 0.000000e+00 : f32
        %neg3A_187 = vector.broadcast %neg3A : f32 to vector<16xf32>
        %neg3A_188 = arith.subf %neg3A_187, %select_n3A : vector<16xf32>
        %exp3A = math.exp %neg3A_188 : vector<16xf32>
        %add3A_189 = arith.constant 1.000000e+00 : f32
        %add3A_190 = vector.broadcast %add3A_189 : f32 to vector<16xf32>
        %add3A_191 = arith.addf %add3A_190, %exp3A : vector<16xf32>
        %div3A = arith.constant 1.000000e+00 : f32
        %div3A_192 = vector.broadcast %div3A : f32 to vector<16xf32>
        %div3A_193 = arith.divf %div3A_192, %add3A_191 : vector<16xf32>
        %add3A_194 = arith.constant 0 : i32
        %add3A_195 = arith.addi %add3A_185, %add3A_194 : i32
        %swap3A = arith.index_cast %add3A_195 : i32 to index
        %swap3A_196 = tpu.vector_load %arg7[%swap3A] {strides = array<i32>} : memref<16384xf32, #tpu.memory_space<vmem>>, vector<16xf32>,
        tpu.vector_store %arg7[%swap3A], %div3A_193 {strides = array<i32>} : memref<16384xf32, #tpu.memory_space<vmem>>, vector<16xf32>,
        %gather3A_197 = tpu.vector_load_idx %arg16[%get3A_177] masked %gt3A_175 : memref<4096xf32, #tpu.memory_space<vmem>>[vector<16xi32>], vector<16xf32>, vector<16xi1>
        %jit3A_198 = arith.constant 0.000000e+00 : f32
        %broadcast_in_dim3A_199 = vector.broadcast %jit3A_198 : f32 to vector<16xf32>
        %select_n3A_200 = arith.select %gt3A_175, %gather3A_197, %broadcast_in_dim3A_199 : vector<16xi1>, vector<16xf32>
        %neg3A_201 = arith.constant 0.000000e+00 : f32
        %neg3A_202 = vector.broadcast %neg3A_201 : f32 to vector<16xf32>
        %neg3A_203 = arith.subf %neg3A_202, %select_n3A_200 : vector<16xf32>
        %exp3A_204 = math.exp %neg3A_203 : vector<16xf32>
        %add3A_205 = arith.constant 1.000000e+00 : f32
        %add3A_206 = vector.broadcast %add3A_205 : f32 to vector<16xf32>
        %add3A_207 = arith.addf %add3A_206, %exp3A_204 : vector<16xf32>
        %div3A_208 = arith.constant 1.000000e+00 : f32
        %div3A_209 = vector.broadcast %div3A_208 : f32 to vector<16xf32>
        %div3A_210 = arith.divf %div3A_209, %add3A_207 : vector<16xf32>
        %add3A_211 = arith.constant 128 : i32
        %add3A_212 = arith.addi %add3A_185, %add3A_211 : i32
        %swap3A_213 = arith.index_cast %add3A_212 : i32 to index
        %swap3A_214 = tpu.vector_load %arg7[%swap3A_213] {strides = array<i32>} : memref<16384xf32, #tpu.memory_space<vmem>>, vector<16xf32>,
        tpu.vector_store %arg7[%swap3A_213], %div3A_210 {strides = array<i32>} : memref<16384xf32, #tpu.memory_space<vmem>>, vector<16xf32>,
        %gather3A_215 = tpu.vector_load_idx %arg17[%get3A_177] masked %gt3A_175 : memref<4096xf32, #tpu.memory_space<vmem>>[vector<16xi32>], vector<16xf32>, vector<16xi1>
        %jit3A_216 = arith.constant 0.000000e+00 : f32
        %broadcast_in_dim3A_217 = vector.broadcast %jit3A_216 : f32 to vector<16xf32>
        %select_n3A_218 = arith.select %gt3A_175, %gather3A_215, %broadcast_in_dim3A_217 : vector<16xi1>, vector<16xf32>
        %neg3A_219 = arith.constant 0.000000e+00 : f32
        %neg3A_220 = vector.broadcast %neg3A_219 : f32 to vector<16xf32>
        %neg3A_221 = arith.subf %neg3A_220, %select_n3A_218 : vector<16xf32>
        %exp3A_222 = math.exp %neg3A_221 : vector<16xf32>
        %add3A_223 = arith.constant 1.000000e+00 : f32
        %add3A_224 = vector.broadcast %add3A_223 : f32 to vector<16xf32>
        %add3A_225 = arith.addf %add3A_224, %exp3A_222 : vector<16xf32>
        %div3A_226 = arith.constant 1.000000e+00 : f32
        %div3A_227 = vector.broadcast %div3A_226 : f32 to vector<16xf32>
        %div3A_228 = arith.divf %div3A_227, %add3A_225 : vector<16xf32>
        %add3A_229 = arith.constant 256 : i32
        %add3A_230 = arith.addi %add3A_185, %add3A_229 : i32
        %swap3A_231 = arith.index_cast %add3A_230 : i32 to index
        %swap3A_232 = tpu.vector_load %arg7[%swap3A_231] {strides = array<i32>} : memref<16384xf32, #tpu.memory_space<vmem>>, vector<16xf32>,
        tpu.vector_store %arg7[%swap3A_231], %div3A_228 {strides = array<i32>} : memref<16384xf32, #tpu.memory_space<vmem>>, vector<16xf32>,
        %gather3A_233 = tpu.vector_load_idx %arg18[%get3A_177] masked %gt3A_175 : memref<4096xf32, #tpu.memory_space<vmem>>[vector<16xi32>], vector<16xf32>, vector<16xi1>
        %jit3A_234 = arith.constant 0.000000e+00 : f32
        %broadcast_in_dim3A_235 = vector.broadcast %jit3A_234 : f32 to vector<16xf32>
        %select_n3A_236 = arith.select %gt3A_175, %gather3A_233, %broadcast_in_dim3A_235 : vector<16xi1>, vector<16xf32>
        %max3A = arith.constant 0.000000e+00 : f32
        %max3A_237 = vector.broadcast %max3A : f32 to vector<16xf32>
        %max3A_238 = arith.maximumf %select_n3A_236, %max3A_237 : vector<16xf32>
        %swap3A_239 = arith.index_cast %mul3A_171 : i32 to index
        %swap3A_240 = tpu.vector_load %arg8[%swap3A_239] {strides = array<i32>} : memref<4096xf32, #tpu.memory_space<vmem>>, vector<16xf32>,
        tpu.vector_store %arg8[%swap3A_239], %max3A_238 {strides = array<i32>} : memref<4096xf32, #tpu.memory_space<vmem>>, vector<16xf32>,
        %mul3A_241 = arith.constant 2 : i32
        %mul3A_242 = arith.muli %scan3A_164, %mul3A_241 : i32
        %add3A_243 = arith.constant 1 : i32
        %add3A_244 = arith.addi %mul3A_242, %add3A_243 : i32
        %mul3A_245 = arith.constant 16 : i32
        %mul3A_246 = arith.muli %add3A_244, %mul3A_245 : i32
        %get3A_247 = arith.index_cast %mul3A_246 : i32 to index
        %get3A_248 = tpu.vector_load %arg9[%get3A_247] {strides = array<i32>} : memref<4096xf32, #tpu.memory_space<vmem>>, vector<16xf32>,
        %gt3A_249 = arith.constant 5.000000e-01 : f32
        %gt3A_250 = vector.broadcast %gt3A_249 : f32 to vector<16xf32>
        %gt3A_251 = arith.cmpf ogt, %get3A_248, %gt3A_250 : vector<16xf32>
        %get3A_252 = arith.index_cast %mul3A_246 : i32 to index
        %get3A_253 = tpu.vector_load %arg10[%get3A_252] {strides = array<i32>} : memref<4096xi32, #tpu.memory_space<vmem>>, vector<16xi32>,
        %shift_right_arithmetic3A_254 = arith.constant 3 : i32
        %shift_right_arithmetic3A_255 = arith.shrsi %add3A_244, %shift_right_arithmetic3A_254 : i32
        %mul3A_256 = arith.constant 512 : i32
        %mul3A_257 = arith.muli %shift_right_arithmetic3A_255, %mul3A_256 : i32
        %and3A_258 = arith.constant 7 : i32
        %and3A_259 = arith.andi %add3A_244, %and3A_258 : i32
        %mul3A_260 = arith.constant 16 : i32
        %mul3A_261 = arith.muli %and3A_259, %mul3A_260 : i32
        %add3A_262 = arith.addi %mul3A_257, %mul3A_261 : i32
        %gather3A_263 = tpu.vector_load_idx %arg15[%get3A_253] masked %gt3A_251 : memref<4096xf32, #tpu.memory_space<vmem>>[vector<16xi32>], vector<16xf32>, vector<16xi1>
        %jit3A_264 = arith.constant 0.000000e+00 : f32
        %broadcast_in_dim3A_265 = vector.broadcast %jit3A_264 : f32 to vector<16xf32>
        %select_n3A_266 = arith.select %gt3A_251, %gather3A_263, %broadcast_in_dim3A_265 : vector<16xi1>, vector<16xf32>
        %neg3A_267 = arith.constant 0.000000e+00 : f32
        %neg3A_268 = vector.broadcast %neg3A_267 : f32 to vector<16xf32>
        %neg3A_269 = arith.subf %neg3A_268, %select_n3A_266 : vector<16xf32>
        %exp3A_270 = math.exp %neg3A_269 : vector<16xf32>
        %add3A_271 = arith.constant 1.000000e+00 : f32
        %add3A_272 = vector.broadcast %add3A_271 : f32 to vector<16xf32>
        %add3A_273 = arith.addf %add3A_272, %exp3A_270 : vector<16xf32>
        %div3A_274 = arith.constant 1.000000e+00 : f32
        %div3A_275 = vector.broadcast %div3A_274 : f32 to vector<16xf32>
        %div3A_276 = arith.divf %div3A_275, %add3A_273 : vector<16xf32>
        %add3A_277 = arith.constant 0 : i32
        %add3A_278 = arith.addi %add3A_262, %add3A_277 : i32
        %swap3A_279 = arith.index_cast %add3A_278 : i32 to index
        %swap3A_280 = tpu.vector_load %arg7[%swap3A_279] {strides = array<i32>} : memref<16384xf32, #tpu.memory_space<vmem>>, vector<16xf32>,
        tpu.vector_store %arg7[%swap3A_279], %div3A_276 {strides = array<i32>} : memref<16384xf32, #tpu.memory_space<vmem>>, vector<16xf32>,
        %gather3A_281 = tpu.vector_load_idx %arg16[%get3A_253] masked %gt3A_251 : memref<4096xf32, #tpu.memory_space<vmem>>[vector<16xi32>], vector<16xf32>, vector<16xi1>
        %jit3A_282 = arith.constant 0.000000e+00 : f32
        %broadcast_in_dim3A_283 = vector.broadcast %jit3A_282 : f32 to vector<16xf32>
        %select_n3A_284 = arith.select %gt3A_251, %gather3A_281, %broadcast_in_dim3A_283 : vector<16xi1>, vector<16xf32>
        %neg3A_285 = arith.constant 0.000000e+00 : f32
        %neg3A_286 = vector.broadcast %neg3A_285 : f32 to vector<16xf32>
        %neg3A_287 = arith.subf %neg3A_286, %select_n3A_284 : vector<16xf32>
        %exp3A_288 = math.exp %neg3A_287 : vector<16xf32>
        %add3A_289 = arith.constant 1.000000e+00 : f32
        %add3A_290 = vector.broadcast %add3A_289 : f32 to vector<16xf32>
        %add3A_291 = arith.addf %add3A_290, %exp3A_288 : vector<16xf32>
        %div3A_292 = arith.constant 1.000000e+00 : f32
        %div3A_293 = vector.broadcast %div3A_292 : f32 to vector<16xf32>
        %div3A_294 = arith.divf %div3A_293, %add3A_291 : vector<16xf32>
        %add3A_295 = arith.constant 128 : i32
        %add3A_296 = arith.addi %add3A_262, %add3A_295 : i32
        %swap3A_297 = arith.index_cast %add3A_296 : i32 to index
        %swap3A_298 = tpu.vector_load %arg7[%swap3A_297] {strides = array<i32>} : memref<16384xf32, #tpu.memory_space<vmem>>, vector<16xf32>,
        tpu.vector_store %arg7[%swap3A_297], %div3A_294 {strides = array<i32>} : memref<16384xf32, #tpu.memory_space<vmem>>, vector<16xf32>,
        %gather3A_299 = tpu.vector_load_idx %arg17[%get3A_253] masked %gt3A_251 : memref<4096xf32, #tpu.memory_space<vmem>>[vector<16xi32>], vector<16xf32>, vector<16xi1>
        %jit3A_300 = arith.constant 0.000000e+00 : f32
        %broadcast_in_dim3A_301 = vector.broadcast %jit3A_300 : f32 to vector<16xf32>
        %select_n3A_302 = arith.select %gt3A_251, %gather3A_299, %broadcast_in_dim3A_301 : vector<16xi1>, vector<16xf32>
        %neg3A_303 = arith.constant 0.000000e+00 : f32
        %neg3A_304 = vector.broadcast %neg3A_303 : f32 to vector<16xf32>
        %neg3A_305 = arith.subf %neg3A_304, %select_n3A_302 : vector<16xf32>
        %exp3A_306 = math.exp %neg3A_305 : vector<16xf32>
        %add3A_307 = arith.constant 1.000000e+00 : f32
        %add3A_308 = vector.broadcast %add3A_307 : f32 to vector<16xf32>
        %add3A_309 = arith.addf %add3A_308, %exp3A_306 : vector<16xf32>
        %div3A_310 = arith.constant 1.000000e+00 : f32
        %div3A_311 = vector.broadcast %div3A_310 : f32 to vector<16xf32>
        %div3A_312 = arith.divf %div3A_311, %add3A_309 : vector<16xf32>
        %add3A_313 = arith.constant 256 : i32
        %add3A_314 = arith.addi %add3A_262, %add3A_313 : i32
        %swap3A_315 = arith.index_cast %add3A_314 : i32 to index
        %swap3A_316 = tpu.vector_load %arg7[%swap3A_315] {strides = array<i32>} : memref<16384xf32, #tpu.memory_space<vmem>>, vector<16xf32>,
        tpu.vector_store %arg7[%swap3A_315], %div3A_312 {strides = array<i32>} : memref<16384xf32, #tpu.memory_space<vmem>>, vector<16xf32>,
        %gather3A_317 = tpu.vector_load_idx %arg18[%get3A_253] masked %gt3A_251 : memref<4096xf32, #tpu.memory_space<vmem>>[vector<16xi32>], vector<16xf32>, vector<16xi1>
        %jit3A_318 = arith.constant 0.000000e+00 : f32
        %broadcast_in_dim3A_319 = vector.broadcast %jit3A_318 : f32 to vector<16xf32>
        %select_n3A_320 = arith.select %gt3A_251, %gather3A_317, %broadcast_in_dim3A_319 : vector<16xi1>, vector<16xf32>
        %max3A_321 = arith.constant 0.000000e+00 : f32
        %max3A_322 = vector.broadcast %max3A_321 : f32 to vector<16xf32>
        %max3A_323 = arith.maximumf %select_n3A_320, %max3A_322 : vector<16xf32>
        %swap3A_324 = arith.index_cast %mul3A_246 : i32 to index
        %swap3A_325 = tpu.vector_load %arg8[%swap3A_324] {strides = array<i32>} : memref<4096xf32, #tpu.memory_space<vmem>>, vector<16xf32>,
        tpu.vector_store %arg8[%swap3A_324], %max3A_323 {strides = array<i32>} : memref<4096xf32, #tpu.memory_space<vmem>>, vector<16xf32>,
        %scan3A_326 = arith.constant 0 : i32
        scf.yield %scan3A_326 : i32
      }
      %scan3A_156 = arith.constant 128 : i32
      %mul3A_157 = arith.constant 32768 : i32
      %mul3A_158 = arith.muli %add3A, %mul3A_157 : i32
      %mul3A_159 = arith.constant 4096 : i32
      %mul3A_160 = arith.muli %mul3A_137, %mul3A_159 : i32
      %add3A_161 = arith.addi %mul3A_158, %mul3A_160 : i32
      %mul3A_162 = arith.constant 4 : i32
      %mul3A_163 = arith.muli %mul3A_162, %add3A_161 : i32
      "tpu.region"() ({
        %run_scoped3A = tpu.sem_alloc : memref<!tpu.dma_semaphore, #tpu.memory_space<semaphore_mem>>
        %dma_start3A = tpu.memref_slice %arg4[%mul3A_163] : memref<4194304xf32, #tpu.memory_space<hbm>> -> memref<16384xf32, #tpu.memory_space<hbm>>
        %dma_start3A_164 = tpu.memref_slice %arg4[%mul3A_163] : memref<4194304xf32, #tpu.memory_space<hbm>> -> memref<16384xf32, #tpu.memory_space<hbm>>
        tpu.enqueue_dma source(%arg7 : memref<16384xf32, #tpu.memory_space<vmem>>) target(%dma_start3A_164 : memref<16384xf32, #tpu.memory_space<hbm>>) target_semaphore(%run_scoped3A : memref<!tpu.dma_semaphore, #tpu.memory_space<semaphore_mem>>)
        %dma_wait3A = tpu.memref_slice %arg4[%mul3A_163] : memref<4194304xf32, #tpu.memory_space<hbm>> -> memref<16384xf32, #tpu.memory_space<hbm>>
        %dma_wait3A_165 = tpu.memref_slice %arg4[%mul3A_163] : memref<4194304xf32, #tpu.memory_space<hbm>> -> memref<16384xf32, #tpu.memory_space<hbm>>
        tpu.wait_dma2 semaphore(%run_scoped3A : memref<!tpu.dma_semaphore, #tpu.memory_space<semaphore_mem>>) src(%arg7 : memref<16384xf32, #tpu.memory_space<vmem>>) dst(%dma_wait3A_165 : memref<16384xf32, #tpu.memory_space<hbm>>)
        tpu.yield
      }) : () -> ()
      "tpu.region"() ({
        %run_scoped3A = tpu.sem_alloc : memref<!tpu.dma_semaphore, #tpu.memory_space<semaphore_mem>>
        %dma_start3A = tpu.memref_slice %arg5[%add3A_161] : memref<1048576xf32, #tpu.memory_space<hbm>> -> memref<4096xf32, #tpu.memory_space<hbm>>
        %dma_start3A_164 = tpu.memref_slice %arg5[%add3A_161] : memref<1048576xf32, #tpu.memory_space<hbm>> -> memref<4096xf32, #tpu.memory_space<hbm>>
        tpu.enqueue_dma source(%arg8 : memref<4096xf32, #tpu.memory_space<vmem>>) target(%dma_start3A_164 : memref<4096xf32, #tpu.memory_space<hbm>>) target_semaphore(%run_scoped3A : memref<!tpu.dma_semaphore, #tpu.memory_space<semaphore_mem>>)
        %dma_wait3A = tpu.memref_slice %arg5[%add3A_161] : memref<1048576xf32, #tpu.memory_space<hbm>> -> memref<4096xf32, #tpu.memory_space<hbm>>
        %dma_wait3A_165 = tpu.memref_slice %arg5[%add3A_161] : memref<1048576xf32, #tpu.memory_space<hbm>> -> memref<4096xf32, #tpu.memory_space<hbm>>
        tpu.wait_dma2 semaphore(%run_scoped3A : memref<!tpu.dma_semaphore, #tpu.memory_space<semaphore_mem>>) src(%arg8 : memref<4096xf32, #tpu.memory_space<vmem>>) dst(%dma_wait3A_165 : memref<4096xf32, #tpu.memory_space<hbm>>)
        tpu.yield
      }) : () -> ()
      scf.yield %shift_right_arithmetic3A_109 : i32
    }
    %scan3A_14 = arith.constant 4 : i32
    %while3A = arith.constant 0 : i32
    %while3A_15 = arith.constant 0 : i32
    %while3A_16 = arith.subi %scan3A_13, %while3A : i32
    %while3A_17 = arith.addi %while3A, %while3A_16 : i32
    %while3A_18 = arith.constant 1 : i32
    %while3A_19 = arith.divsi %while3A_16, %while3A_18 : i32
    %while3A_20 = arith.muli %while3A_19, %while3A_18 : i32
    %while3A_21 = arith.addi %while3A, %while3A_20 : i32
    %while3A_22 = arith.constant 1 : i32
    %while3A_23 = scf.for %while3A_39 = %while3A to %while3A_21 step %while3A_22 iter_args(%while3A_40 = %while3A_15) -> (i32)  : i32 {
      %mul3A_41 = arith.constant 128 : i32
      %mul3A_42 = arith.muli %while3A_39, %mul3A_41 : i32
      %mul3A_43 = arith.constant 128 : i32
      %mul3A_44 = arith.muli %while3A_39, %mul3A_43 : i32
      %dma_wait3A = tpu.memref_slice %arg26[%mul3A_44] : memref<4096xf32, #tpu.memory_space<vmem>> -> memref<128xf32, #tpu.memory_space<vmem>>
      %dma_wait3A_45 = tpu.memref_slice %arg22[%mul3A_42] : memref<4096xi32, #tpu.memory_space<vmem>> -> memref<128xi32, #tpu.memory_space<vmem>>
      %dma_wait3A_46 = arith.constant 0 : i32
      %dma_wait3A_47 = tpu.memref_slice %arg3[%dma_wait3A_46] : memref<8388608xf32, #tpu.memory_space<hbm>> -> memref<8388608xf32, #tpu.memory_space<hbm>>
      tpu.wait_indirect_dma semaphore(%arg30 : memref<!tpu.dma_semaphore, #tpu.memory_space<semaphore_mem>>) src(%dma_wait3A_47 : memref<8388608xf32, #tpu.memory_space<hbm>>) dst(%dma_wait3A : memref<128xf32, #tpu.memory_space<vmem>>)
      %mul3A_48 = arith.constant 128 : i32
      %mul3A_49 = arith.muli %while3A_39, %mul3A_48 : i32
      %mul3A_50 = arith.constant 128 : i32
      %mul3A_51 = arith.muli %while3A_39, %mul3A_50 : i32
      %dma_wait3A_52 = tpu.memref_slice %arg27[%mul3A_51] : memref<4096xf32, #tpu.memory_space<vmem>> -> memref<128xf32, #tpu.memory_space<vmem>>
      %dma_wait3A_53 = tpu.memref_slice %arg23[%mul3A_49] : memref<4096xi32, #tpu.memory_space<vmem>> -> memref<128xi32, #tpu.memory_space<vmem>>
      %dma_wait3A_54 = arith.constant 0 : i32
      %dma_wait3A_55 = tpu.memref_slice %arg3[%dma_wait3A_54] : memref<8388608xf32, #tpu.memory_space<hbm>> -> memref<8388608xf32, #tpu.memory_space<hbm>>
      tpu.wait_indirect_dma semaphore(%arg30 : memref<!tpu.dma_semaphore, #tpu.memory_space<semaphore_mem>>) src(%dma_wait3A_55 : memref<8388608xf32, #tpu.memory_space<hbm>>) dst(%dma_wait3A_52 : memref<128xf32, #tpu.memory_space<vmem>>)
      %mul3A_56 = arith.constant 128 : i32
      %mul3A_57 = arith.muli %while3A_39, %mul3A_56 : i32
      %mul3A_58 = arith.constant 128 : i32
      %mul3A_59 = arith.muli %while3A_39, %mul3A_58 : i32
      %dma_wait3A_60 = tpu.memref_slice %arg28[%mul3A_59] : memref<4096xf32, #tpu.memory_space<vmem>> -> memref<128xf32, #tpu.memory_space<vmem>>
      %dma_wait3A_61 = tpu.memref_slice %arg24[%mul3A_57] : memref<4096xi32, #tpu.memory_space<vmem>> -> memref<128xi32, #tpu.memory_space<vmem>>
      %dma_wait3A_62 = arith.constant 0 : i32
      %dma_wait3A_63 = tpu.memref_slice %arg3[%dma_wait3A_62] : memref<8388608xf32, #tpu.memory_space<hbm>> -> memref<8388608xf32, #tpu.memory_space<hbm>>
      tpu.wait_indirect_dma semaphore(%arg30 : memref<!tpu.dma_semaphore, #tpu.memory_space<semaphore_mem>>) src(%dma_wait3A_63 : memref<8388608xf32, #tpu.memory_space<hbm>>) dst(%dma_wait3A_60 : memref<128xf32, #tpu.memory_space<vmem>>)
      %mul3A_64 = arith.constant 128 : i32
      %mul3A_65 = arith.muli %while3A_39, %mul3A_64 : i32
      %mul3A_66 = arith.constant 128 : i32
      %mul3A_67 = arith.muli %while3A_39, %mul3A_66 : i32
      %dma_wait3A_68 = tpu.memref_slice %arg29[%mul3A_67] : memref<4096xf32, #tpu.memory_space<vmem>> -> memref<128xf32, #tpu.memory_space<vmem>>
      %dma_wait3A_69 = tpu.memref_slice %arg25[%mul3A_65] : memref<4096xi32, #tpu.memory_space<vmem>> -> memref<128xi32, #tpu.memory_space<vmem>>
      %dma_wait3A_70 = arith.constant 0 : i32
      %dma_wait3A_71 = tpu.memref_slice %arg3[%dma_wait3A_70] : memref<8388608xf32, #tpu.memory_space<hbm>> -> memref<8388608xf32, #tpu.memory_space<hbm>>
      tpu.wait_indirect_dma semaphore(%arg30 : memref<!tpu.dma_semaphore, #tpu.memory_space<semaphore_mem>>) src(%dma_wait3A_71 : memref<8388608xf32, #tpu.memory_space<hbm>>) dst(%dma_wait3A_68 : memref<128xf32, #tpu.memory_space<vmem>>)
      %while3A_72 = arith.constant 0 : i32
      scf.yield %while3A_72 : i32
    }
    %while3A_24 = arith.constant 1 : i32
    %while3A_25 = scf.for %while3A_39 = %while3A_21 to %while3A_17 step %while3A_24 iter_args(%while3A_40 = %while3A_23) -> (i32)  : i32 {
      %mul3A_41 = arith.constant 128 : i32
      %mul3A_42 = arith.muli %while3A_39, %mul3A_41 : i32
      %mul3A_43 = arith.constant 128 : i32
      %mul3A_44 = arith.muli %while3A_39, %mul3A_43 : i32
      %dma_wait3A = tpu.memref_slice %arg26[%mul3A_44] : memref<4096xf32, #tpu.memory_space<vmem>> -> memref<128xf32, #tpu.memory_space<vmem>>
      %dma_wait3A_45 = tpu.memref_slice %arg22[%mul3A_42] : memref<4096xi32, #tpu.memory_space<vmem>> -> memref<128xi32, #tpu.memory_space<vmem>>
      %dma_wait3A_46 = arith.constant 0 : i32
      %dma_wait3A_47 = tpu.memref_slice %arg3[%dma_wait3A_46] : memref<8388608xf32, #tpu.memory_space<hbm>> -> memref<8388608xf32, #tpu.memory_space<hbm>>
      tpu.wait_indirect_dma semaphore(%arg30 : memref<!tpu.dma_semaphore, #tpu.memory_space<semaphore_mem>>) src(%dma_wait3A_47 : memref<8388608xf32, #tpu.memory_space<hbm>>) dst(%dma_wait3A : memref<128xf32, #tpu.memory_space<vmem>>)
      %mul3A_48 = arith.constant 128 : i32
      %mul3A_49 = arith.muli %while3A_39, %mul3A_48 : i32
      %mul3A_50 = arith.constant 128 : i32
      %mul3A_51 = arith.muli %while3A_39, %mul3A_50 : i32
      %dma_wait3A_52 = tpu.memref_slice %arg27[%mul3A_51] : memref<4096xf32, #tpu.memory_space<vmem>> -> memref<128xf32, #tpu.memory_space<vmem>>
      %dma_wait3A_53 = tpu.memref_slice %arg23[%mul3A_49] : memref<4096xi32, #tpu.memory_space<vmem>> -> memref<128xi32, #tpu.memory_space<vmem>>
      %dma_wait3A_54 = arith.constant 0 : i32
      %dma_wait3A_55 = tpu.memref_slice %arg3[%dma_wait3A_54] : memref<8388608xf32, #tpu.memory_space<hbm>> -> memref<8388608xf32, #tpu.memory_space<hbm>>
      tpu.wait_indirect_dma semaphore(%arg30 : memref<!tpu.dma_semaphore, #tpu.memory_space<semaphore_mem>>) src(%dma_wait3A_55 : memref<8388608xf32, #tpu.memory_space<hbm>>) dst(%dma_wait3A_52 : memref<128xf32, #tpu.memory_space<vmem>>)
      %mul3A_56 = arith.constant 128 : i32
      %mul3A_57 = arith.muli %while3A_39, %mul3A_56 : i32
      %mul3A_58 = arith.constant 128 : i32
      %mul3A_59 = arith.muli %while3A_39, %mul3A_58 : i32
      %dma_wait3A_60 = tpu.memref_slice %arg28[%mul3A_59] : memref<4096xf32, #tpu.memory_space<vmem>> -> memref<128xf32, #tpu.memory_space<vmem>>
      %dma_wait3A_61 = tpu.memref_slice %arg24[%mul3A_57] : memref<4096xi32, #tpu.memory_space<vmem>> -> memref<128xi32, #tpu.memory_space<vmem>>
      %dma_wait3A_62 = arith.constant 0 : i32
      %dma_wait3A_63 = tpu.memref_slice %arg3[%dma_wait3A_62] : memref<8388608xf32, #tpu.memory_space<hbm>> -> memref<8388608xf32, #tpu.memory_space<hbm>>
      tpu.wait_indirect_dma semaphore(%arg30 : memref<!tpu.dma_semaphore, #tpu.memory_space<semaphore_mem>>) src(%dma_wait3A_63 : memref<8388608xf32, #tpu.memory_space<hbm>>) dst(%dma_wait3A_60 : memref<128xf32, #tpu.memory_space<vmem>>)
      %mul3A_64 = arith.constant 128 : i32
      %mul3A_65 = arith.muli %while3A_39, %mul3A_64 : i32
      %mul3A_66 = arith.constant 128 : i32
      %mul3A_67 = arith.muli %while3A_39, %mul3A_66 : i32
      %dma_wait3A_68 = tpu.memref_slice %arg29[%mul3A_67] : memref<4096xf32, #tpu.memory_space<vmem>> -> memref<128xf32, #tpu.memory_space<vmem>>
      %dma_wait3A_69 = tpu.memref_slice %arg25[%mul3A_65] : memref<4096xi32, #tpu.memory_space<vmem>> -> memref<128xi32, #tpu.memory_space<vmem>>
      %dma_wait3A_70 = arith.constant 0 : i32
      %dma_wait3A_71 = tpu.memref_slice %arg3[%dma_wait3A_70] : memref<8388608xf32, #tpu.memory_space<hbm>> -> memref<8388608xf32, #tpu.memory_space<hbm>>
      tpu.wait_indirect_dma semaphore(%arg30 : memref<!tpu.dma_semaphore, #tpu.memory_space<semaphore_mem>>) src(%dma_wait3A_71 : memref<8388608xf32, #tpu.memory_space<hbm>>) dst(%dma_wait3A_68 : memref<128xf32, #tpu.memory_space<vmem>>)
      %while3A_72 = arith.constant 0 : i32
      scf.yield %while3A_72 : i32
    }
    %scan3A_26 = arith.constant 0 : i32
    %scan3A_27 = arith.constant 0 : i32
    %scan3A_28 = arith.constant 128 : i32
    %scan3A_29 = arith.addi %scan3A_27, %scan3A_28 : i32
    %scan3A_30 = arith.constant 1 : i32
    %scan3A_31 = scf.for %scan3A_39 = %scan3A_27 to %scan3A_29 step %scan3A_30 iter_args(%scan3A_40 = %scan3A_26) -> (i32)  : i32 {
      %mul3A_41 = arith.constant 2 : i32
      %mul3A_42 = arith.muli %scan3A_39, %mul3A_41 : i32
      %add3A_43 = arith.constant 0 : i32
      %add3A_44 = arith.addi %mul3A_42, %add3A_43 : i32
      %mul3A_45 = arith.constant 16 : i32
      %mul3A_46 = arith.muli %add3A_44, %mul3A_45 : i32
      %get3A = arith.index_cast %mul3A_46 : i32 to index
      %get3A_47 = tpu.vector_load %arg20[%get3A] {strides = array<i32>} : memref<4096xf32, #tpu.memory_space<vmem>>, vector<16xf32>,
      %gt3A = arith.constant 5.000000e-01 : f32
      %gt3A_48 = vector.broadcast %gt3A : f32 to vector<16xf32>
      %gt3A_49 = arith.cmpf ogt, %get3A_47, %gt3A_48 : vector<16xf32>
      %get3A_50 = arith.index_cast %mul3A_46 : i32 to index
      %get3A_51 = tpu.vector_load %arg21[%get3A_50] {strides = array<i32>} : memref<4096xi32, #tpu.memory_space<vmem>>, vector<16xi32>,
      %shift_right_arithmetic3A = arith.constant 3 : i32
      %shift_right_arithmetic3A_52 = arith.shrsi %add3A_44, %shift_right_arithmetic3A : i32
      %mul3A_53 = arith.constant 512 : i32
      %mul3A_54 = arith.muli %shift_right_arithmetic3A_52, %mul3A_53 : i32
      %and3A = arith.constant 7 : i32
      %and3A_55 = arith.andi %add3A_44, %and3A : i32
      %mul3A_56 = arith.constant 16 : i32
      %mul3A_57 = arith.muli %and3A_55, %mul3A_56 : i32
      %add3A_58 = arith.addi %mul3A_54, %mul3A_57 : i32
      %gather3A = tpu.vector_load_idx %arg26[%get3A_51] masked %gt3A_49 : memref<4096xf32, #tpu.memory_space<vmem>>[vector<16xi32>], vector<16xf32>, vector<16xi1>
      %jit3A = arith.constant 0.000000e+00 : f32
      %broadcast_in_dim3A_59 = vector.broadcast %jit3A : f32 to vector<16xf32>
      %select_n3A = arith.select %gt3A_49, %gather3A, %broadcast_in_dim3A_59 : vector<16xi1>, vector<16xf32>
      %neg3A = arith.constant 0.000000e+00 : f32
      %neg3A_60 = vector.broadcast %neg3A : f32 to vector<16xf32>
      %neg3A_61 = arith.subf %neg3A_60, %select_n3A : vector<16xf32>
      %exp3A = math.exp %neg3A_61 : vector<16xf32>
      %add3A_62 = arith.constant 1.000000e+00 : f32
      %add3A_63 = vector.broadcast %add3A_62 : f32 to vector<16xf32>
      %add3A_64 = arith.addf %add3A_63, %exp3A : vector<16xf32>
      %div3A = arith.constant 1.000000e+00 : f32
      %div3A_65 = vector.broadcast %div3A : f32 to vector<16xf32>
      %div3A_66 = arith.divf %div3A_65, %add3A_64 : vector<16xf32>
      %add3A_67 = arith.constant 0 : i32
      %add3A_68 = arith.addi %add3A_58, %add3A_67 : i32
      %swap3A = arith.index_cast %add3A_68 : i32 to index
      %swap3A_69 = tpu.vector_load %arg7[%swap3A] {strides = array<i32>} : memref<16384xf32, #tpu.memory_space<vmem>>, vector<16xf32>,
      tpu.vector_store %arg7[%swap3A], %div3A_66 {strides = array<i32>} : memref<16384xf32, #tpu.memory_space<vmem>>, vector<16xf32>,
      %gather3A_70 = tpu.vector_load_idx %arg27[%get3A_51] masked %gt3A_49 : memref<4096xf32, #tpu.memory_space<vmem>>[vector<16xi32>], vector<16xf32>, vector<16xi1>
      %jit3A_71 = arith.constant 0.000000e+00 : f32
      %broadcast_in_dim3A_72 = vector.broadcast %jit3A_71 : f32 to vector<16xf32>
      %select_n3A_73 = arith.select %gt3A_49, %gather3A_70, %broadcast_in_dim3A_72 : vector<16xi1>, vector<16xf32>
      %neg3A_74 = arith.constant 0.000000e+00 : f32
      %neg3A_75 = vector.broadcast %neg3A_74 : f32 to vector<16xf32>
      %neg3A_76 = arith.subf %neg3A_75, %select_n3A_73 : vector<16xf32>
      %exp3A_77 = math.exp %neg3A_76 : vector<16xf32>
      %add3A_78 = arith.constant 1.000000e+00 : f32
      %add3A_79 = vector.broadcast %add3A_78 : f32 to vector<16xf32>
      %add3A_80 = arith.addf %add3A_79, %exp3A_77 : vector<16xf32>
      %div3A_81 = arith.constant 1.000000e+00 : f32
      %div3A_82 = vector.broadcast %div3A_81 : f32 to vector<16xf32>
      %div3A_83 = arith.divf %div3A_82, %add3A_80 : vector<16xf32>
      %add3A_84 = arith.constant 128 : i32
      %add3A_85 = arith.addi %add3A_58, %add3A_84 : i32
      %swap3A_86 = arith.index_cast %add3A_85 : i32 to index
      %swap3A_87 = tpu.vector_load %arg7[%swap3A_86] {strides = array<i32>} : memref<16384xf32, #tpu.memory_space<vmem>>, vector<16xf32>,
      tpu.vector_store %arg7[%swap3A_86], %div3A_83 {strides = array<i32>} : memref<16384xf32, #tpu.memory_space<vmem>>, vector<16xf32>,
      %gather3A_88 = tpu.vector_load_idx %arg28[%get3A_51] masked %gt3A_49 : memref<4096xf32, #tpu.memory_space<vmem>>[vector<16xi32>], vector<16xf32>, vector<16xi1>
      %jit3A_89 = arith.constant 0.000000e+00 : f32
      %broadcast_in_dim3A_90 = vector.broadcast %jit3A_89 : f32 to vector<16xf32>
      %select_n3A_91 = arith.select %gt3A_49, %gather3A_88, %broadcast_in_dim3A_90 : vector<16xi1>, vector<16xf32>
      %neg3A_92 = arith.constant 0.000000e+00 : f32
      %neg3A_93 = vector.broadcast %neg3A_92 : f32 to vector<16xf32>
      %neg3A_94 = arith.subf %neg3A_93, %select_n3A_91 : vector<16xf32>
      %exp3A_95 = math.exp %neg3A_94 : vector<16xf32>
      %add3A_96 = arith.constant 1.000000e+00 : f32
      %add3A_97 = vector.broadcast %add3A_96 : f32 to vector<16xf32>
      %add3A_98 = arith.addf %add3A_97, %exp3A_95 : vector<16xf32>
      %div3A_99 = arith.constant 1.000000e+00 : f32
      %div3A_100 = vector.broadcast %div3A_99 : f32 to vector<16xf32>
      %div3A_101 = arith.divf %div3A_100, %add3A_98 : vector<16xf32>
      %add3A_102 = arith.constant 256 : i32
      %add3A_103 = arith.addi %add3A_58, %add3A_102 : i32
      %swap3A_104 = arith.index_cast %add3A_103 : i32 to index
      %swap3A_105 = tpu.vector_load %arg7[%swap3A_104] {strides = array<i32>} : memref<16384xf32, #tpu.memory_space<vmem>>, vector<16xf32>,
      tpu.vector_store %arg7[%swap3A_104], %div3A_101 {strides = array<i32>} : memref<16384xf32, #tpu.memory_space<vmem>>, vector<16xf32>,
      %gather3A_106 = tpu.vector_load_idx %arg29[%get3A_51] masked %gt3A_49 : memref<4096xf32, #tpu.memory_space<vmem>>[vector<16xi32>], vector<16xf32>, vector<16xi1>
      %jit3A_107 = arith.constant 0.000000e+00 : f32
      %broadcast_in_dim3A_108 = vector.broadcast %jit3A_107 : f32 to vector<16xf32>
      %select_n3A_109 = arith.select %gt3A_49, %gather3A_106, %broadcast_in_dim3A_108 : vector<16xi1>, vector<16xf32>
      %max3A = arith.constant 0.000000e+00 : f32
      %max3A_110 = vector.broadcast %max3A : f32 to vector<16xf32>
      %max3A_111 = arith.maximumf %select_n3A_109, %max3A_110 : vector<16xf32>
      %swap3A_112 = arith.index_cast %mul3A_46 : i32 to index
      %swap3A_113 = tpu.vector_load %arg8[%swap3A_112] {strides = array<i32>} : memref<4096xf32, #tpu.memory_space<vmem>>, vector<16xf32>,
      tpu.vector_store %arg8[%swap3A_112], %max3A_111 {strides = array<i32>} : memref<4096xf32, #tpu.memory_space<vmem>>, vector<16xf32>,
      %mul3A_114 = arith.constant 2 : i32
      %mul3A_115 = arith.muli %scan3A_39, %mul3A_114 : i32
      %add3A_116 = arith.constant 1 : i32
      %add3A_117 = arith.addi %mul3A_115, %add3A_116 : i32
      %mul3A_118 = arith.constant 16 : i32
      %mul3A_119 = arith.muli %add3A_117, %mul3A_118 : i32
      %get3A_120 = arith.index_cast %mul3A_119 : i32 to index
      %get3A_121 = tpu.vector_load %arg20[%get3A_120] {strides = array<i32>} : memref<4096xf32, #tpu.memory_space<vmem>>, vector<16xf32>,
      %gt3A_122 = arith.constant 5.000000e-01 : f32
      %gt3A_123 = vector.broadcast %gt3A_122 : f32 to vector<16xf32>
      %gt3A_124 = arith.cmpf ogt, %get3A_121, %gt3A_123 : vector<16xf32>
      %get3A_125 = arith.index_cast %mul3A_119 : i32 to index
      %get3A_126 = tpu.vector_load %arg21[%get3A_125] {strides = array<i32>} : memref<4096xi32, #tpu.memory_space<vmem>>, vector<16xi32>,
      %shift_right_arithmetic3A_127 = arith.constant 3 : i32
      %shift_right_arithmetic3A_128 = arith.shrsi %add3A_117, %shift_right_arithmetic3A_127 : i32
      %mul3A_129 = arith.constant 512 : i32
      %mul3A_130 = arith.muli %shift_right_arithmetic3A_128, %mul3A_129 : i32
      %and3A_131 = arith.constant 7 : i32
      %and3A_132 = arith.andi %add3A_117, %and3A_131 : i32
      %mul3A_133 = arith.constant 16 : i32
      %mul3A_134 = arith.muli %and3A_132, %mul3A_133 : i32
      %add3A_135 = arith.addi %mul3A_130, %mul3A_134 : i32
      %gather3A_136 = tpu.vector_load_idx %arg26[%get3A_126] masked %gt3A_124 : memref<4096xf32, #tpu.memory_space<vmem>>[vector<16xi32>], vector<16xf32>, vector<16xi1>
      %jit3A_137 = arith.constant 0.000000e+00 : f32
      %broadcast_in_dim3A_138 = vector.broadcast %jit3A_137 : f32 to vector<16xf32>
      %select_n3A_139 = arith.select %gt3A_124, %gather3A_136, %broadcast_in_dim3A_138 : vector<16xi1>, vector<16xf32>
      %neg3A_140 = arith.constant 0.000000e+00 : f32
      %neg3A_141 = vector.broadcast %neg3A_140 : f32 to vector<16xf32>
      %neg3A_142 = arith.subf %neg3A_141, %select_n3A_139 : vector<16xf32>
      %exp3A_143 = math.exp %neg3A_142 : vector<16xf32>
      %add3A_144 = arith.constant 1.000000e+00 : f32
      %add3A_145 = vector.broadcast %add3A_144 : f32 to vector<16xf32>
      %add3A_146 = arith.addf %add3A_145, %exp3A_143 : vector<16xf32>
      %div3A_147 = arith.constant 1.000000e+00 : f32
      %div3A_148 = vector.broadcast %div3A_147 : f32 to vector<16xf32>
      %div3A_149 = arith.divf %div3A_148, %add3A_146 : vector<16xf32>
      %add3A_150 = arith.constant 0 : i32
      %add3A_151 = arith.addi %add3A_135, %add3A_150 : i32
      %swap3A_152 = arith.index_cast %add3A_151 : i32 to index
      %swap3A_153 = tpu.vector_load %arg7[%swap3A_152] {strides = array<i32>} : memref<16384xf32, #tpu.memory_space<vmem>>, vector<16xf32>,
      tpu.vector_store %arg7[%swap3A_152], %div3A_149 {strides = array<i32>} : memref<16384xf32, #tpu.memory_space<vmem>>, vector<16xf32>,
      %gather3A_154 = tpu.vector_load_idx %arg27[%get3A_126] masked %gt3A_124 : memref<4096xf32, #tpu.memory_space<vmem>>[vector<16xi32>], vector<16xf32>, vector<16xi1>
      %jit3A_155 = arith.constant 0.000000e+00 : f32
      %broadcast_in_dim3A_156 = vector.broadcast %jit3A_155 : f32 to vector<16xf32>
      %select_n3A_157 = arith.select %gt3A_124, %gather3A_154, %broadcast_in_dim3A_156 : vector<16xi1>, vector<16xf32>
      %neg3A_158 = arith.constant 0.000000e+00 : f32
      %neg3A_159 = vector.broadcast %neg3A_158 : f32 to vector<16xf32>
      %neg3A_160 = arith.subf %neg3A_159, %select_n3A_157 : vector<16xf32>
      %exp3A_161 = math.exp %neg3A_160 : vector<16xf32>
      %add3A_162 = arith.constant 1.000000e+00 : f32
      %add3A_163 = vector.broadcast %add3A_162 : f32 to vector<16xf32>
      %add3A_164 = arith.addf %add3A_163, %exp3A_161 : vector<16xf32>
      %div3A_165 = arith.constant 1.000000e+00 : f32
      %div3A_166 = vector.broadcast %div3A_165 : f32 to vector<16xf32>
      %div3A_167 = arith.divf %div3A_166, %add3A_164 : vector<16xf32>
      %add3A_168 = arith.constant 128 : i32
      %add3A_169 = arith.addi %add3A_135, %add3A_168 : i32
      %swap3A_170 = arith.index_cast %add3A_169 : i32 to index
      %swap3A_171 = tpu.vector_load %arg7[%swap3A_170] {strides = array<i32>} : memref<16384xf32, #tpu.memory_space<vmem>>, vector<16xf32>,
      tpu.vector_store %arg7[%swap3A_170], %div3A_167 {strides = array<i32>} : memref<16384xf32, #tpu.memory_space<vmem>>, vector<16xf32>,
      %gather3A_172 = tpu.vector_load_idx %arg28[%get3A_126] masked %gt3A_124 : memref<4096xf32, #tpu.memory_space<vmem>>[vector<16xi32>], vector<16xf32>, vector<16xi1>
      %jit3A_173 = arith.constant 0.000000e+00 : f32
      %broadcast_in_dim3A_174 = vector.broadcast %jit3A_173 : f32 to vector<16xf32>
      %select_n3A_175 = arith.select %gt3A_124, %gather3A_172, %broadcast_in_dim3A_174 : vector<16xi1>, vector<16xf32>
      %neg3A_176 = arith.constant 0.000000e+00 : f32
      %neg3A_177 = vector.broadcast %neg3A_176 : f32 to vector<16xf32>
      %neg3A_178 = arith.subf %neg3A_177, %select_n3A_175 : vector<16xf32>
      %exp3A_179 = math.exp %neg3A_178 : vector<16xf32>
      %add3A_180 = arith.constant 1.000000e+00 : f32
      %add3A_181 = vector.broadcast %add3A_180 : f32 to vector<16xf32>
      %add3A_182 = arith.addf %add3A_181, %exp3A_179 : vector<16xf32>
      %div3A_183 = arith.constant 1.000000e+00 : f32
      %div3A_184 = vector.broadcast %div3A_183 : f32 to vector<16xf32>
      %div3A_185 = arith.divf %div3A_184, %add3A_182 : vector<16xf32>
      %add3A_186 = arith.constant 256 : i32
      %add3A_187 = arith.addi %add3A_135, %add3A_186 : i32
      %swap3A_188 = arith.index_cast %add3A_187 : i32 to index
      %swap3A_189 = tpu.vector_load %arg7[%swap3A_188] {strides = array<i32>} : memref<16384xf32, #tpu.memory_space<vmem>>, vector<16xf32>,
      tpu.vector_store %arg7[%swap3A_188], %div3A_185 {strides = array<i32>} : memref<16384xf32, #tpu.memory_space<vmem>>, vector<16xf32>,
      %gather3A_190 = tpu.vector_load_idx %arg29[%get3A_126] masked %gt3A_124 : memref<4096xf32, #tpu.memory_space<vmem>>[vector<16xi32>], vector<16xf32>, vector<16xi1>
      %jit3A_191 = arith.constant 0.000000e+00 : f32
      %broadcast_in_dim3A_192 = vector.broadcast %jit3A_191 : f32 to vector<16xf32>
      %select_n3A_193 = arith.select %gt3A_124, %gather3A_190, %broadcast_in_dim3A_192 : vector<16xi1>, vector<16xf32>
      %max3A_194 = arith.constant 0.000000e+00 : f32
      %max3A_195 = vector.broadcast %max3A_194 : f32 to vector<16xf32>
      %max3A_196 = arith.maximumf %select_n3A_193, %max3A_195 : vector<16xf32>
      %swap3A_197 = arith.index_cast %mul3A_119 : i32 to index
      %swap3A_198 = tpu.vector_load %arg8[%swap3A_197] {strides = array<i32>} : memref<4096xf32, #tpu.memory_space<vmem>>, vector<16xf32>,
      tpu.vector_store %arg8[%swap3A_197], %max3A_196 {strides = array<i32>} : memref<4096xf32, #tpu.memory_space<vmem>>, vector<16xf32>,
      %scan3A_199 = arith.constant 0 : i32
      scf.yield %scan3A_199 : i32
    }
    %scan3A_32 = arith.constant 128 : i32
    %mul3A_33 = arith.constant 32768 : i32
    %mul3A_34 = arith.muli %add3A, %mul3A_33 : i32
    %add3A_35 = arith.constant 28672 : i32
    %add3A_36 = arith.addi %mul3A_34, %add3A_35 : i32
    %mul3A_37 = arith.constant 4 : i32
    %mul3A_38 = arith.muli %mul3A_37, %add3A_36 : i32
    "tpu.region"() ({
      %run_scoped3A = tpu.sem_alloc : memref<!tpu.dma_semaphore, #tpu.memory_space<semaphore_mem>>
      %dma_start3A = tpu.memref_slice %arg4[%mul3A_38] : memref<4194304xf32, #tpu.memory_space<hbm>> -> memref<16384xf32, #tpu.memory_space<hbm>>
      %dma_start3A_39 = tpu.memref_slice %arg4[%mul3A_38] : memref<4194304xf32, #tpu.memory_space<hbm>> -> memref<16384xf32, #tpu.memory_space<hbm>>
      tpu.enqueue_dma source(%arg7 : memref<16384xf32, #tpu.memory_space<vmem>>) target(%dma_start3A_39 : memref<16384xf32, #tpu.memory_space<hbm>>) target_semaphore(%run_scoped3A : memref<!tpu.dma_semaphore, #tpu.memory_space<semaphore_mem>>)
      %dma_wait3A = tpu.memref_slice %arg4[%mul3A_38] : memref<4194304xf32, #tpu.memory_space<hbm>> -> memref<16384xf32, #tpu.memory_space<hbm>>
      %dma_wait3A_40 = tpu.memref_slice %arg4[%mul3A_38] : memref<4194304xf32, #tpu.memory_space<hbm>> -> memref<16384xf32, #tpu.memory_space<hbm>>
      tpu.wait_dma2 semaphore(%run_scoped3A : memref<!tpu.dma_semaphore, #tpu.memory_space<semaphore_mem>>) src(%arg7 : memref<16384xf32, #tpu.memory_space<vmem>>) dst(%dma_wait3A_40 : memref<16384xf32, #tpu.memory_space<hbm>>)
      tpu.yield
    }) : () -> ()
    "tpu.region"() ({
      %run_scoped3A = tpu.sem_alloc : memref<!tpu.dma_semaphore, #tpu.memory_space<semaphore_mem>>
      %dma_start3A = tpu.memref_slice %arg5[%add3A_36] : memref<1048576xf32, #tpu.memory_space<hbm>> -> memref<4096xf32, #tpu.memory_space<hbm>>
      %dma_start3A_39 = tpu.memref_slice %arg5[%add3A_36] : memref<1048576xf32, #tpu.memory_space<hbm>> -> memref<4096xf32, #tpu.memory_space<hbm>>
      tpu.enqueue_dma source(%arg8 : memref<4096xf32, #tpu.memory_space<vmem>>) target(%dma_start3A_39 : memref<4096xf32, #tpu.memory_space<hbm>>) target_semaphore(%run_scoped3A : memref<!tpu.dma_semaphore, #tpu.memory_space<semaphore_mem>>)
      %dma_wait3A = tpu.memref_slice %arg5[%add3A_36] : memref<1048576xf32, #tpu.memory_space<hbm>> -> memref<4096xf32, #tpu.memory_space<hbm>>
      %dma_wait3A_40 = tpu.memref_slice %arg5[%add3A_36] : memref<1048576xf32, #tpu.memory_space<hbm>> -> memref<4096xf32, #tpu.memory_space<hbm>>
      tpu.wait_dma2 semaphore(%run_scoped3A : memref<!tpu.dma_semaphore, #tpu.memory_space<semaphore_mem>>) src(%arg8 : memref<4096xf32, #tpu.memory_space<vmem>>) dst(%dma_wait3A_40 : memref<4096xf32, #tpu.memory_space<hbm>>)
      tpu.yield
    }) : () -> ()
    return
  }
}

</mosaic_0001>

<sc_bundles>
// kernel: kernel.3.cloned.1.call-start
scs
__scs_entry_jumppad:
0x0: {  	(pc) =	sbr.rel $0x88, $3  }
0x1: {  	(tag) =	ssettag $0x0;
	lr =	simm.s32 $0x1  }
0x2: {  	[smem:$0x3F9F] =	sst lr;
	_ =	strace $0xD0000000  }
0x3: {  	_ = 	snop  }
0x4: {  	_ = 	snop  }
0x5: {  	_ = 	snop  }
0x6: {  	_ = 	snop  }
0x7: {  	_ = 	snop  }
__scs_overlays_trampoline_lowered:
0x8: {  	[smem:$0x3FAE] =	sst s0  }
0x9: {  	[smem:$0x3FAF] =	sst s1  }
0xa: {  	[smem:$0x3FB0] =	sst s2  }
0xb: {  	[smem:$0x3FB1] =	sst s3  }
0xc: {  	[smem:$0x3FB2] =	sst s4  }
0xd: {  	[smem:$0x3FB3] =	sst s5  }
0xe: {  	[smem:$0x3FB4] =	sst s6  }
0xf: {  	[smem:$0x3FB5] =	sst s7  }
0x10: {  	[smem:$0x3FB6] =	sst s8  }
0x11: {  	[smem:$0x3FB7] =	sst s9;
	s0 =	simm.s32 @!p0 $0x0  }
0x12: {  	s1 =	sld [smem:$0x3F9D];
	s0 =	simm.s32 @p0 $0x1  }
0x13: {  	[smem:$0x3FB8] =	sst s0;
	s0 =	simm.s32 @!p1 $0x0  }
0x14: {  	s2 =	sld [smem:$0x3F9C];
	s0 =	simm.s32 @p1 $0x1  }
0x15: {  	[smem:$0x3FB9] =	sst s0;
	s0 =	simm.s32 @!p2 $0x0  }
0x16: {  	s3 =	sld [smem:$0x3FDB];
	s0 =	simm.s32 @p2 $0x1  }
0x17: {  	s4 =	simm.s32 $0x1BF5;
	[smem:$0x3FBB] =	sst s0  }
0x18: {  	s0 =	sld [smem:$0x3F9E];
	_ =	swait.ge [sflag:s4], $0x0  }
0x19: {  	s7 =	sld [smem:$0x3F9F]  }
0x1a: {  	s8 =	sadd.s32 $0xFFFFE003, lr  }
0x1b: {  	s9 =	sadd.s32 $0xFFFFFEF7, lr;
	s5 =	simm.s32 $0xFFFFFFFF;
	p2 =	slt.u32 s8, $0xFFFFF086  }
0x1c: {  	p1 =	slt.u32 s9, $0xF7A;
	s5 =	simm.s32 @!p2 $0x0  }
0x1d: {  	s5 =	simm.s32 @p1 $0x1;
	p0 =	seq.s32 s7, s2  }
0x1e: {  	s7 =	smul.u32 @!p0 $0xF7A, s2;
	p2 =	seq.s32 @!p0 s5, $0x0  }
0x1f: {  	s9 =	smul.u32 $0xF7A, s1;
	s8 =	simm.s32 @!p0 $0x1BF5;
	p2 =	por !p2, p0  }
0x20: {  	[sflag:s8] =	ssyncset.s32 @!p0 $0xFFFFF086;
	s6 =	sadd.s32 @!p0 s3, s7;
	s7 =	simm.s32 @!p0 $0x108  }
0x21: {  	s3 =	sadd.s32 s3, s9;
	s6 =	sadd.s32 @!p0 $0x88, s6;
	s7 =	simm.s32 @p2 $0x1082  }
0x22: {  	[simem:s7], [sflag:s8] =	dma.local @!p0 [hbm:s6], $0xF7A  }
0x23: {  	s9 =	sor.u32 $0xD0000000, s2;
	s6 =	simm.s32 $0x108;
	_ =	swait.ge @!p0 [sflag:s8], $0x0  }
0x24: {  	s3 =	sadd.s32 $0x88, s3;
	s6 =	simm.s32 @!p1 $0x1082;
	[sflag:s4] =	ssyncset.s32 $0xFFFFF086  }
0x25: {  	[simem:s6], [sflag:s4] =	dma.local [hbm:s3], $0xF7A  }
0x26: {  	[smem:$0x3F9F] =	sst s1;
	(tag) =	ssettag s2;
	_ =	strace s9  }
0x27: {  	s1 =	sld [smem:$0x3FAF]  }
0x28: {  	s2 =	sld [smem:$0x3FB0]  }
0x29: {  	s4 =	sld [smem:$0x3FB2]  }
0x2a: {  	p0 =	seq.s32 s5, $0x0;
	s5 =	sld [smem:$0x3FB3]  }
0x2b: {  	s6 =	sld [smem:$0x3FB4]  }
0x2c: {  	s7 =	sld [smem:$0x3FB5]  }
0x2d: {  	s3 =	simm.s32 $0x108;
	s8 =	sld [smem:$0x3FB6]  }
0x2e: {  	s3 =	simm.s32 @!p0 $0x1082;
	s9 =	sld [smem:$0x3FB7]  }
0x2f: {  	lr =	sadd.s32 s0, s3;
	s0 =	sld [smem:$0x3FAE]  }
0x30: {  	s3 =	sld [smem:$0x3FB1]  }
0x31: {  	[smem:$0x3FBA] =	sst s10  }
0x32: {  	s10 =	sld [smem:$0x3FB8];
	_ =	sdelay $0x3  }
0x33: {  	p0 =	seq.s32 s10, $0x1;
	s10 =	sld [smem:$0x3FBA];
	_ =	sdelay $0x3  }
0x34: {  	[smem:$0x3FBA] =	sst s10  }
0x35: {  	s10 =	sld [smem:$0x3FB9];
	_ =	sdelay $0x3  }
0x36: {  	p1 =	seq.s32 s10, $0x1;
	s10 =	sld [smem:$0x3FBA];
	_ =	sdelay $0x3  }
0x37: {  	[smem:$0x3FBA] =	sst s10  }
0x38: {  	s10 =	sld [smem:$0x3FBB]  }
0x39: {  	_ = 	snop;
	(pc) =	sbr.ind lr, $3  }
0x3a: {  	_ = 	snop  }
0x3b: {  	_ = 	snop  }
0x3c: {  	p2 =	seq.s32 s10, $0x1;
	s10 =	sld [smem:$0x3FBA]  }
0x3d: {  	_ =	shalt  }
0x3e: {  	_ =	shalt  }
0x3f: {  	_ =	shalt  }
0x40: {  	_ =	shalt  }
0x41: {  	_ =	shalt  }
0x42: {  	_ =	shalt  }
0x43: {  	_ =	shalt  }
0x44: {  	_ =	shalt  }
0x45: {  	_ =	shalt  }
0x46: {  	_ =	shalt  }
0x47: {  	_ =	shalt  }
0x48: {  	_ =	shalt  }
0x49: {  	_ =	shalt  }
0x4a: {  	_ =	shalt  }
0x4b: {  	_ =	shalt  }
0x4c: {  	_ =	shalt  }
0x4d: {  	_ =	shalt  }
0x4e: {  	_ =	shalt  }
0x4f: {  	_ =	shalt  }
0x50: {  	_ =	shalt  }
0x51: {  	_ =	shalt  }
0x52: {  	_ =	shalt  }
0x53: {  	_ =	shalt  }
0x54: {  	_ =	shalt  }
0x55: {  	_ =	shalt  }
0x56: {  	_ =	shalt  }
0x57: {  	_ =	shalt  }
0x58: {  	_ =	shalt  }
0x59: {  	_ =	shalt  }
0x5a: {  	_ =	shalt  }
0x5b: {  	_ =	shalt  }
0x5c: {  	_ =	shalt  }
0x5d: {  	_ =	shalt  }
0x5e: {  	_ =	shalt  }
0x5f: {  	_ =	shalt  }
0x60: {  	_ =	shalt  }
0x61: {  	_ =	shalt  }
0x62: {  	_ =	shalt  }
0x63: {  	_ =	shalt  }
0x64: {  	_ =	shalt  }
0x65: {  	_ =	shalt  }
0x66: {  	_ =	shalt  }
0x67: {  	_ =	shalt  }
0x68: {  	_ =	shalt  }
0x69: {  	_ =	shalt  }
0x6a: {  	_ =	shalt  }
0x6b: {  	_ =	shalt  }
0x6c: {  	_ =	shalt  }
0x6d: {  	_ =	shalt  }
0x6e: {  	_ =	shalt  }
0x6f: {  	_ =	shalt  }
0x70: {  	_ =	shalt  }
0x71: {  	_ =	shalt  }
0x72: {  	_ =	shalt  }
0x73: {  	_ =	shalt  }
0x74: {  	_ =	shalt  }
0x75: {  	_ =	shalt  }
0x76: {  	_ =	shalt  }
0x77: {  	_ =	shalt  }
0x78: {  	_ =	shalt  }
0x79: {  	_ =	shalt  }
0x7a: {  	_ =	shalt  }
0x7b: {  	_ =	shalt  }
0x7c: {  	_ =	shalt  }
0x7d: {  	_ =	shalt  }
0x7e: {  	_ =	shalt  }
0x7f: {  	_ =	shalt  }
0x80: {  	_ =	shalt  }
0x81: {  	_ =	shalt  }
0x82: {  	_ =	shalt  }
0x83: {  	_ =	shalt  }
0x84: {  	_ =	shalt  }
0x85: {  	_ =	shalt  }
0x86: {  	_ =	shalt  }
0x87: {  	_ =	shalt  }
.Lfunc_end0:
.L_simem_size_0:
called_computation_lowered:
.L_overlay_start_0:
0x88: {  	s2 =	sld [smem:$0x3FD9]  }
0x89: {  	s3 =	sld [smem:$0x3FFE];
	_ =	sdelay $0x1  }
0x8a: {  	s1 =	srdreg.scid  }
0x8b: {  	s0 =	sand.u32 $0x1, s1  }
0x8c: {  	s14 =	sshll.u32 s0, $0xA;
	s2 =	sadd.s32 s3, s2  }
0x8d: {  	s2 =	sadd.s32 s2, s14  }
0x8e: {  	[smem:$0x3FC6] =	sst s2  }
0x8f: {  	_ = 	snop  }
0x90: {  	s2 =	sld [smem:$0x3FD0];
	_ =	sdelay $0x2  }
0x91: {  	s4 =	simm.s32 $0xA;
	s5 =	simm.s32 $0x10;
	s15 =	sld [smem:$0x3FC8]  }
0x92: {  	[smem:s5], [sflag:s4] =	dma.local [hbm:s2], $0x1  }
0x93: {  	_ =	swait.eq [sflag:s4], $0x1  }
0x94: {  	[sflag:s4] =	ssyncset.done $0x0  }
0x95: {  	s16 =	sld [smem:$0x10];
	[sflag:s4] =	ssyncadd.s32 $0xFFFFFFFF  }
0x96: {  	s17 =	sld [smem:$0x11];
	(tm) =	ssettm $0x1  }
0x97: {  	s18 =	sld [smem:$0x3FFB];
	_ =	sdelay $0x3  }
0x98: {  	_ =	strace s18  }
0x99: {  	s5 =	sld [smem:$0x3FFC];
	_ =	sdelay $0x3  }
0x9a: {  	_ =	strace s5  }
0x9b: {  	s5 =	sld [smem:$0x3FFD];
	_ =	sdelay $0x3  }
0x9c: {  	_ =	strace s5  }
0x9d: {  	_ =	strace $0x8FFFFFFF  }
0x9e: {  	s19 =	sld [smem:$0x3FDB];
	_ =	sdelay $0x1  }
0x9f: {  	s6 =	simm.s32 $_scs_section_size  }
0xa0: {  	s7 =	simm.s32 $_size__tile_overlayer_lowered;
	s8 =	simm.s32 $_tile_overlayer_lowered  }
0xa1: {  	s22 =	simm.s32 $0x1BFF;
	s21 =	sshll.u32 s8, $0x1;
	s5 =	sadd.s32 s6, s19  }
0xa2: {  	s9 =	simm.s32 $0x0;
	s20 =	sshll.u32 s7, $0x1;
	s7 =	sadd.s32 s21, s5  }
0xa3: {  	[timem:s9], [sflag:s22] =	dma.local [hbm:s7], s20  }
0xa4: {  	_ =	swait.ge [sflag:s22], s20  }
0xa5: {  	s6 =	ssub.s32 $0x0, s20;
	[sflag:s22] =	ssyncset.done $0x0  }
0xa6: {  	[sflag:s22] =	ssyncadd.s32 s6;
	_ =	sdelay $0x1  }
0xa7: {  	s23 =	simm.s32 $0x1B8B  }
0xa8: {  	_ =	swait.ge [sflag:s23], $0x1  }
0xa9: {  	[sflag:s23] =	ssyncset.done $0x0  }
0xaa: {  	s25 =	simm.s32 $0x1B8E;
	s24 =	sld [smem:$0x3FFE];
	[sflag:s23] =	ssyncadd.s32 $0xFFFFFFFF  }
0xab: {  	s26 =	simm.s32 $execute0_lowered;
	[smem:$0x3FD2] =	sst s25  }
0xac: {  	s7 =	sshll.u32 s26, $0x1;
	_ =	strace $0x80000046;
	[dreg:$0x1] =	wrdreg $0xFFFFFFFF  }
0xad: {  	s28 =	simm.s32 $_size_execute0_lowered;
	s5 =	sadd.s32 s5, s7;
	[dreg:$0x0] =	wrdreg $0x0  }
0xae: {  	s7 =	sshll.u32 s28, $0x1;
	[dreg:$0x2] =	wrdreg s5  }
0xaf: {  	[dreg:$0x3] =	wrdreg s7  }
0xb0: {  	[dreg:$0x4] =	wrdreg $0xC0  }
0xb1: {  	_ =	task [dreg:s9], $0x5FFFF  }
0xb2: {  	[dreg:$0x1] =	wrdreg $0xFFFFFFFF  }
0xb3: {  	[dreg:$0x0] =	wrdreg $0x60  }
0xb4: {  	[dreg:$0x2] =	wrdreg s16  }
0xb5: {  	[dreg:$0x3] =	wrdreg s15  }
0xb6: {  	[dreg:$0x4] =	wrdreg s24  }
0xb7: {  	[dreg:$0x5] =	wrdreg s17  }
0xb8: {  	[dreg:$0x6] =	wrdreg $0x9  }
0xb9: {  	_ =	task.clear_ibuf [dreg:s9], $0x7FFFF;
	_ =	strace $0x90000046  }
0xba: {  	s29 =	simm.s32 $0x9;
	_ =	strace $0x80000048  }
0xbb: {  	_ =	swait.ge [sflag:s29], $0x1  }
0xbc: {  	[sflag:s29] =	ssyncadd.s32 $0xFFFFFFFF  }
0xbd: {  	_ =	strace $0x90000048  }
0xbe: {  	_ =	sfence  }
0xbf: {  	s30 =	sld [smem:$0x0];
	_ =	sdelay $0x2  }
0xc0: {  	s31 =	sshll.u32 s1, $0xD;
	s1 =	sshrl.u32 s1, $0x2  }
0xc1: {  	s3 =	sand.u32 $0x4000, s31;
	s1 =	sadd.s32 s1, s30  }
0xc2: {  	s0 =	sor.u32 s3, s0;
	s1 =	sshll.u32 s1, $0x11  }
0xc3: {  	s0 =	sor.u32 s1, s0  }
0xc4: {  	s0 =	sadd.s32 $0x8F2B, s0  }
0xc5: {  	[sflag:s0] =	ssyncadd.remote.s32 $0x1  }
0xc6: {  	_ =	sfence.sel $0xFFFF  }
0xc7: {  	[dreg:$0x0] =	wrdreg $0xFFFFFFFF;
	(pc) =	sbr.abs _section_cstart, $3  }
0xc8: {  	[dreg:$0x1] =	wrdreg $0xFFFFFFFF  }
0xc9: {  	_ =	task.clear_ibuf [dreg:s9], $0x2FFFF;
	_ =	strace $0x9FFFFFFF  }
0xca: {  	(tm) =	ssettm $0x7FFFFFFF  }
0xcb: {  	_ =	shalt  }
tec
execute0_lowered:
.L_overlay_start_1:
0x0: {  	(tag) =	ssettag $0x1  }
0x1: {  	s31 =	rddreg [dreg:$0x0]  }
0x2: {  	s2 =	rddreg [dreg:$0x1]  }
0x3: {  	s0 =	rddreg [dreg:$0x2]  }
0x4: {  	s5 =	rddreg [dreg:$0x3];
	s1 =	simm.s32 $0x0;
	s25 =	srdreg.scid  }
0x5: {  	s4 =	stileid.u32;
	s13 =	simm.s32 $0x3;
	s14 =	simm.s32 $0x80  }
0x6: {  	s15 =	simm.s32 $0x1;
	s16 =	simm.s32 $0xF000;
	s17 =	simm.s32 $0x10000  }
0x7: {  	s18 =	simm.s32 $0x11000;
	s19 =	simm.s32 $0x12000;
	s22 =	simm.s32 $0x2  }
0x8: {  	s23 =	simm.s32 $0x19000;
	s24 =	simm.s32 $0x1A000;
	[smem:$0x7FF] =	sst s1  }
0x9: {  	s1 =	sand.u32 $0x1, s25;
	s4 =	sshll.u32 s4, $0x10;
	s6 =	sadd.s32 $0x800, s0  }
0xa: {  	_ =	strace $0x80000047;
	s3 =	ssub.s32 $0x2, s1;
	s1 =	sshll.u32 s1, $0xF  }
0xb: {  	[dreg:$0x5] =	wrdreg s6;
	s26 =	sshrl.u32 s3, $0x1;
	s4 =	sor.u32 s1, s4  }
0xc: {  	s0 =	ssub.s32 s3, s26;
	s1 =	sor.u32 $0x1000, s4;
	[dreg:$0x6] =	wrdreg s4  }
0xd: {  	s28 =	sor.u32 $0x7000, s4;
	s29 =	sadd.s32 $0xFFFFF000, s4;
	[dreg:$0x7] =	wrdreg s1  }
0xe: {  	[dreg:$0x8] =	wrdreg s29;
	s30 =	sshrl.u32 s28, $0x1;
	s0 =	smax.u32 s0, $0x1  }
0xf: {  	s1 =	sshrl.u32 s28, $0x3;
	s3 =	sadd.s32 s6, s30;
	[dreg:$0xb] =	wrdreg s0  }
0x10: {  	s25 =	simm.s32 $0x1B000;
	s1 =	sadd.s32 s5, s1;
	[dreg:$0x9] =	wrdreg s3  }
0x11: {  	v0 =	vimm.s32 $0x0;
	s26 =	simm.s32 $0x1C000;
	[dreg:$0xa] =	wrdreg s1;
	s1 =	simm.s32 $0x0  }
.LBB2_1:
0x12: {  	[dreg:$0xc] =	wrdreg s1;
	s0 =	simm.s32 $0x40;
	s1 =	simm.s32 $0x0  }
.LBB2_2:
0x13: {  	p0 =	seq.s32 s0, $0x3FC0;
	[tilespmem:s1+$0xB000] =	vst v0;
	s3 =	smov.u32 s0;
	s0 =	sadd.s32 $0x40, s0  }
.Ltmp0:
0x14: {  	[tilespmem:s1+$0x15000] =	vst v0;
	(pc) =	sbr.rel @!p0 .LBB2_2-.Ltmp0, $2  }
0x15: {  	_ =	sdelay $0x2  }
0x16: {  	s1 =	sshra.s32 s3, $0x2  }
0x17: {  	[tilespmem:s1+$0xB000] =	vst v0  }
0x18: {  	[tilespmem:s1+$0x15000] =	vst v0;
	s4 =	simm.s32 $0x0;
	s30 =	simm.s32 $0x0  }
.LBB2_4:
0x19: {  	s11 =	sshll.u32 s30, $0xD;
	s0 =	rddreg [dreg:$0x6]  }
0x1a: {  	s0 =	sor.u32 s0, s11  }
0x1b: {  	[dreg:$0xd] =	wrdreg s0;
	s0 =	sshrl.u32 s0, $0x1  }
0x1c: {  	s6 =	simm.s32 $0x0;
	s1 =	sadd.s32 s31, s0  }
0x1d: {  	[tilespmem:s6], [sflag:$0x3] =	stream.linear.gather [hbm4b:s1+s6], $0x4000, $0x38;
	[tilespmem:$0x1D000] =	vst v63  }
0x1e: {  	_ =	swait.ge [sflag:s13], $0x4000  }
0x1f: {  	s20 =	sand.u32 $0x3E00, s6;
	s3 =	sand.u32 $0x60, s6;
	[sflag:s13] =	ssyncset.done $0x0  }
0x20: {  	s3 =	sor.u32 s3, s20;
	[sflag:s13] =	ssyncadd.s32 $0xFFFFC000  }
0x21: {  	v1 =	vld [tilespmem:s3+$0x80]  }
0x22: {  	v2 =	vld [tilespmem:s3+$0x100]  }
0x23: {  	v3 =	vld [tilespmem:s3+$0x0];
	_ =	sdelay $0x3  }
0x24: {  	v4 =	vand.u32 $0x7FFFFFFF, v1;
	v1 =	vmul.f32 $1.280000000e+02, v1;
	v5 =	vand.u32 $0x7FFFFFFF, v2  }
0x25: {  	v2 =	vmul.f32 $1.280000000e+02, v2;
	v6 =	vand.u32 $0x7FFFFFFF, v3;
	v3 =	vmul.f32 $1.280000000e+02, v3  }
0x26: {  	vm0 =	vlt.f32 v6, $5.000000000e-01;
	vm1 =	vlt.f32 v4, $5.000000000e-01;
	vm7 =	vlt.f32 v5, $5.000000000e-01  }
0x27: {  	v1 =	vadd.f32 $6.400000000e+01, v1;
	v2 =	vadd.f32 $6.400000000e+01, v2;
	vm0 =	vmand vm0, vm1  }
0x28: {  	v3 =	vadd.f32 $6.400000000e+01, v3;
	vm0 =	vmand vm0, vm7  }
0x29: {  	v1 =	vtrunc.f32 v1;
	v2 =	vtrunc.f32 v2;
	v4 =	vsel vm0, $0x1, v0  }
0x2a: {  	v3 =	vtrunc.f32 v3;
	v5 =	vmpcnt.ones.xlane vm0;
	(xrf0) =	vadd.scan.msk.s32 $0xffff, v4  }
0x2b: {  	v1 =	vcvt.f32.s32 v1;
	v3 =	vcvt.f32.s32 v3;
	v4 =	vmov s6  }
0x2c: {  	v62 =	vsel vm0, $0x3F800000, v0;
	v2 =	vcvt.f32.s32 v2;
	v4 =	vadd.s32 $0xFFFFFFFF, v4  }
0x2d: {  	(v2sf) =	vpush v5, $0x0;
	vm8 =	vgt.s32 v1, $0x0;
	vm2 =	vgt.s32 v3, $0x0  }
0x2e: {  	vm9 =	vgt.s32 v2, $0x0;
	v1 =	vnsel vm8, $0x0, v1;
	v3 =	vnsel vm2, $0x0, v3  }
0x2f: {  	v4 =	vbroadcast v4, $0x0;
	v1 =	vmin.u32 v1, $0x7F;
	v3 =	vmin.u32 v3, $0x7F  }
0x30: {  	s21 =	simm.s32 $0x0;
	v2 =	vnsel vm9, $0x0, v2;
	v3 =	vshll.u32 v3, $0x10;
	v1 =	vshll.u32 v1, $0x9;
	v5, _, _ =	vpop (xrf0)  }
0x31: {  	s5 =	simm.s32 $0x10;
	[tilespmem:s21+$0x9000] =	vst v62;
	v2 =	vmin.u32 v2, $0x7F;
	v1 =	vor.u32 v3, v1;
	v3 =	vadd.s32 v5, v4  }
0x32: {  	s5 =	sand.u32 $0x70, s5;
	v1 =	vor.u32 v2, v1;
	[tilespmem:s21+$0xA000] =	vst v3  }
0x33: {  	s1 =	sor.u32 s5, s20;
	[tilespmem:s6+$0xB000] =	vst.msk vm0, v1  }
0x34: {  	v1 =	vld [tilespmem:s1+$0x0]  }
0x35: {  	v2 =	vld [tilespmem:s1+$0x80]  }
0x36: {  	v3 =	vld [tilespmem:s1+$0x100];
	_ =	sdelay $0x2  }
0x37: {  	v4 =	vand.u32 $0x7FFFFFFF, v1  }
0x38: {  	v1 =	vmul.f32 $1.280000000e+02, v1;
	v5 =	vand.u32 $0x7FFFFFFF, v2;
	v2 =	vmul.f32 $1.280000000e+02, v2  }
0x39: {  	vm10 =	vlt.f32 v4, $5.000000000e-01;
	vm11 =	vlt.f32 v5, $5.000000000e-01;
	v4 =	vand.u32 $0x7FFFFFFF, v3  }
0x3a: {  	v3 =	vmul.f32 $1.280000000e+02, v3;
	vm0 =	vmand vm10, vm11;
	vm12 =	vlt.f32 v4, $5.000000000e-01  }
0x3b: {  	v1 =	vadd.f32 $6.400000000e+01, v1;
	v2 =	vadd.f32 $6.400000000e+01, v2;
	vm0 =	vmand vm0, vm12  }
0x3c: {  	s28 =	spop (v2sf);
	v4 =	vsel vm0, $0x1, v0  }
0x3d: {  	s20 =	sadd.s32 $0x0, s28;
	v3 =	vadd.f32 $6.400000000e+01, v3;
	v1 =	vtrunc.f32 v1;
	v2 =	vtrunc.f32 v2;
	(xrf0) =	vadd.scan.msk.s32 $0xffff, v4  }
0x3e: {  	v5 =	vmov s20;
	v1 =	vcvt.f32.s32 v1;
	v2 =	vcvt.f32.s32 v2  }
0x3f: {  	v5 =	vadd.s32 $0xFFFFFFFF, v5;
	v4 =	vsel vm0, $0x3F800000, v0;
	v3 =	vtrunc.f32 v3  }
0x40: {  	v3 =	vcvt.f32.s32 v3;
	vm13 =	vgt.s32 v1, $0x0;
	vm14 =	vgt.s32 v2, $0x0  }
0x41: {  	v5 =	vbroadcast v5, $0x0;
	v1 =	vnsel vm13, $0x0, v1;
	v2 =	vnsel vm14, $0x0, v2  }
0x42: {  	vm15 =	vgt.s32 v3, $0x0;
	v1 =	vmin.u32 v1, $0x7F;
	v2 =	vmin.u32 v2, $0x7F  }
0x43: {  	v3 =	vnsel vm15, $0x0, v3;
	v1 =	vshll.u32 v1, $0x10;
	v2 =	vshll.u32 v2, $0x9;
	v63, _, _ =	vpop (xrf0)  }
0x44: {  	[tilespmem:s21+$0x9010] =	vst v4;
	v1 =	vor.u32 v1, v2;
	v2 =	vmin.u32 v3, $0x7F;
	v3 =	vadd.s32 v63, v5  }
0x45: {  	v1 =	vor.u32 v2, v1;
	[tilespmem:s21+$0xA010] =	vst v3  }
0x46: {  	[tilespmem:s20+$0xB000] =	vst.msk vm0, v1;
	v1 =	vmpcnt.ones.xlane vm0;
	_ =	sdelay $0x1  }
0x47: {  	(v2sf) =	vpush v1, $0x0;
	_ =	sdelay $0x5  }
0x48: {  	s9 =	simm.s32 $0x20;
	s10 =	simm.s32 $0x80  }
0x49: {  	s12 =	sand.u32 $0x3E00, s10;
	s29 =	sand.u32 $0x60, s9  }
0x4a: {  	s1 =	sor.u32 s29, s12  }
0x4b: {  	v3 =	vld [tilespmem:s1+$0x80]  }
0x4c: {  	v2 =	vld [tilespmem:s1+$0x100]  }
0x4d: {  	s3 =	simm.s32 $0x40;
	v1 =	vld [tilespmem:s1+$0x0]  }
.LBB2_5:
0x4e: {  	p0 =	sne.s32 s3, $0xFE0;
	s28 =	smov.u32 s3;
	s3 =	sadd.s32 $0x20, s3  }
0x4f: {  	_ = 	snop  }
0x50: {  	v4 =	vand.u32 $0x7FFFFFFF, v3;
	v3 =	vmul.f32 $1.280000000e+02, v3  }
0x51: {  	v5 =	vand.u32 $0x7FFFFFFF, v2;
	v2 =	vmul.f32 $1.280000000e+02, v2;
	s1 =	spop (v2sf)  }
0x52: {  	v6 =	vand.u32 $0x7FFFFFFF, v1;
	v1 =	vmul.f32 $1.280000000e+02, v1;
	v3 =	vadd.f32 $6.400000000e+01, v3;
	s20 =	sadd.s32 s20, s1  }
0x53: {  	vm1 =	vlt.f32 v4, $5.000000000e-01;
	vm0 =	vlt.f32 v6, $5.000000000e-01;
	v2 =	vadd.f32 $6.400000000e+01, v2  }
0x54: {  	vm0 =	vmand vm0, vm1;
	vm1 =	vlt.f32 v5, $5.000000000e-01;
	v1 =	vadd.f32 $6.400000000e+01, v1  }
0x55: {  	v3 =	vtrunc.f32 v3;
	vm0 =	vmand vm0, vm1;
	v2 =	vtrunc.f32 v2  }
0x56: {  	v3 =	vcvt.f32.s32 v3;
	v4 =	vsel vm0, $0x1, v0;
	v1 =	vtrunc.f32 v1  }
0x57: {  	v5 =	vmov s20;
	v2 =	vcvt.f32.s32 v2;
	v1 =	vcvt.f32.s32 v1;
	(xrf0) =	vadd.scan.msk.s32 $0xffff, v4  }
0x58: {  	vm1 =	vgt.s32 v3, $0x0;
	v4 =	vadd.s32 $0xFFFFFFFF, v5;
	v5 =	vmpcnt.ones.xlane vm0  }
0x59: {  	v3 =	vnsel vm1, $0x0, v3;
	vm1 =	vgt.s32 v2, $0x0;
	vm2 =	vgt.s32 v1, $0x0  }
0x5a: {  	v3 =	vmin.u32 v3, $0x7F;
	v2 =	vnsel vm1, $0x0, v2;
	v1 =	vnsel vm2, $0x0, v1  }
0x5b: {  	v6 =	vsel vm0, $0x3F800000, v0;
	v1 =	vmin.u32 v1, $0x7F;
	(v2sf) =	vpush v5, $0x0  }
0x5c: {  	v4 =	vbroadcast v4, $0x0;
	v1 =	vshll.u32 v1, $0x10  }
0x5d: {  	s21 =	sshra.s32 s10, $0x2;
	v3 =	vshll.u32 v3, $0x9;
	v5, _, _ =	vpop (xrf0)  }
0x5e: {  	s1 =	sadd.s32 $0x10, s9;
	s9 =	smov.u32 s28;
	v2 =	vmin.u32 v2, $0x7F;
	v1 =	vor.u32 v1, v3;
	[tilespmem:s21+$0x9000] =	vst v6;
	v3 =	vadd.s32 v5, v4  }
0x5f: {  	s1 =	sand.u32 $0x70, s1;
	v1 =	vor.u32 v2, v1;
	[tilespmem:s21+$0xA000] =	vst v3  }
0x60: {  	s1 =	sor.u32 s1, s12;
	[tilespmem:s20+$0xB000] =	vst.msk vm0, v1  }
0x61: {  	v1 =	vld [tilespmem:s1+$0x0]  }
0x62: {  	v2 =	vld [tilespmem:s1+$0x80]  }
0x63: {  	v3 =	vld [tilespmem:s1+$0x100];
	_ =	sdelay $0x2  }
0x64: {  	v4 =	vand.u32 $0x7FFFFFFF, v1;
	v1 =	vmul.f32 $1.280000000e+02, v1  }
0x65: {  	v5 =	vand.u32 $0x7FFFFFFF, v2;
	v2 =	vmul.f32 $1.280000000e+02, v2  }
0x66: {  	vm0 =	vlt.f32 v4, $5.000000000e-01;
	vm1 =	vlt.f32 v5, $5.000000000e-01;
	v1 =	vadd.f32 $6.400000000e+01, v1  }
0x67: {  	v4 =	vand.u32 $0x7FFFFFFF, v3;
	vm0 =	vmand vm0, vm1;
	v2 =	vadd.f32 $6.400000000e+01, v2  }
0x68: {  	v3 =	vmul.f32 $1.280000000e+02, v3;
	vm1 =	vlt.f32 v4, $5.000000000e-01;
	v1 =	vtrunc.f32 v1;
	s1 =	spop (v2sf)  }
0x69: {  	vm0 =	vmand vm0, vm1;
	v1 =	vcvt.f32.s32 v1;
	v2 =	vtrunc.f32 v2  }
0x6a: {  	v4 =	vsel vm0, $0x1, v0;
	v5 =	vmpcnt.ones.xlane vm0;
	v2 =	vcvt.f32.s32 v2  }
0x6b: {  	v3 =	vadd.f32 $6.400000000e+01, v3;
	v6 =	vsel vm0, $0x3F800000, v0;
	vm1 =	vgt.s32 v1, $0x0;
	(xrf0) =	vadd.scan.msk.s32 $0xffff, v4  }
0x6c: {  	v1 =	vnsel vm1, $0x0, v1;
	vm1 =	vgt.s32 v2, $0x0;
	[tilespmem:s21+$0x9010] =	vst v6;
	(v2sf) =	vpush v5, $0x0  }
0x6d: {  	s20 =	sadd.s32 s20, s1;
	v3 =	vtrunc.f32 v3;
	v1 =	vmin.u32 v1, $0x7F;
	v2 =	vnsel vm1, $0x0, v2  }
0x6e: {  	v3 =	vcvt.f32.s32 v3;
	v4 =	vmov s20;
	v2 =	vmin.u32 v2, $0x7F  }
0x6f: {  	v5 =	vadd.s32 $0xFFFFFFFF, v4;
	v1 =	vshll.u32 v1, $0x10;
	v2 =	vshll.u32 v2, $0x9  }
0x70: {  	vm1 =	vgt.s32 v3, $0x0;
	v1 =	vor.u32 v1, v2;
	v2 =	vbroadcast v5, $0x0  }
0x71: {  	v3 =	vnsel vm1, $0x0, v3;
	v4, _, _ =	vpop (xrf0)  }
0x72: {  	s10 =	sadd.s32 $0x80, s10;
	v3 =	vmin.u32 v3, $0x7F;
	v2 =	vadd.s32 v4, v2  }
.Ltmp1:
0x73: {  	s12 =	sand.u32 $0x3E00, s10;
	s1 =	sand.u32 $0x60, s9;
	v1 =	vor.u32 v3, v1;
	[tilespmem:s21+$0xA010] =	vst v2;
	(pc) =	sbr.rel @p0 .LBB2_5-.Ltmp1, $4  }
0x74: {  	s1 =	sor.u32 s1, s12;
	[tilespmem:s20+$0xB000] =	vst.msk vm0, v1  }
0x75: {  	v3 =	vld [tilespmem:s1+$0x80]  }
0x76: {  	v2 =	vld [tilespmem:s1+$0x100]  }
0x77: {  	v1 =	vld [tilespmem:s1+$0x0]  }
0x78: {  	_ =	sdelay $0x2  }
0x79: {  	v4 =	vand.u32 $0x7FFFFFFF, v3  }
0x7a: {  	v3 =	vmul.f32 $1.280000000e+02, v3;
	v5 =	vand.u32 $0x7FFFFFFF, v2;
	v6 =	vand.u32 $0x7FFFFFFF, v1  }
0x7b: {  	vm1 =	vlt.f32 v4, $5.000000000e-01;
	v1 =	vmul.f32 $1.280000000e+02, v1;
	vm0 =	vlt.f32 v6, $5.000000000e-01  }
0x7c: {  	v2 =	vmul.f32 $1.280000000e+02, v2;
	vm7 =	vlt.f32 v5, $5.000000000e-01;
	vm0 =	vmand vm0, vm1  }
0x7d: {  	s1 =	spop (v2sf);
	v3 =	vadd.f32 $6.400000000e+01, v3;
	v1 =	vadd.f32 $6.400000000e+01, v1;
	vm0 =	vmand vm0, vm7  }
0x7e: {  	s1 =	sadd.s32 s20, s1;
	v2 =	vadd.f32 $6.400000000e+01, v2;
	v51 =	vsel vm0, $0x1, v0  }
0x7f: {  	v52 =	vmov s1;
	v3 =	vtrunc.f32 v3;
	v1 =	vtrunc.f32 v1;
	(xrf0) =	vadd.scan.msk.s32 $0xffff, v51  }
0x80: {  	v4 =	vadd.s32 $0xFFFFFFFF, v52;
	v3 =	vcvt.f32.s32 v3;
	v1 =	vcvt.f32.s32 v1  }
0x81: {  	v2 =	vtrunc.f32 v2;
	v4 =	vbroadcast v4, $0x0  }
0x82: {  	v2 =	vcvt.f32.s32 v2;
	vm8 =	vgt.s32 v3, $0x0;
	vm2 =	vgt.s32 v1, $0x0  }
0x83: {  	v53 =	vsel vm0, $0x3F800000, v0;
	v3 =	vnsel vm8, $0x0, v3;
	v1 =	vnsel vm2, $0x0, v1  }
0x84: {  	vm9 =	vgt.s32 v2, $0x0;
	v3 =	vmin.u32 v3, $0x7F;
	v1 =	vmin.u32 v1, $0x7F  }
0x85: {  	s3 =	sshra.s32 s10, $0x2;
	v2 =	vnsel vm9, $0x0, v2;
	v3 =	vshll.u32 v3, $0x9;
	v1 =	vshll.u32 v1, $0x10;
	v54, _, _ =	vpop (xrf0)  }
0x86: {  	s5 =	sadd.s32 $0x10, s9;
	[tilespmem:s3+$0x9000] =	vst v53;
	v2 =	vmin.u32 v2, $0x7F;
	v1 =	vor.u32 v1, v3;
	v3 =	vadd.s32 v54, v4  }
0x87: {  	s5 =	sand.u32 $0x70, s5;
	v1 =	vor.u32 v2, v1;
	[tilespmem:s3+$0xA000] =	vst v3  }
0x88: {  	s5 =	sor.u32 s5, s12;
	[tilespmem:s1+$0xB000] =	vst.msk vm0, v1  }
0x89: {  	v1 =	vld [tilespmem:s5+$0x0]  }
0x8a: {  	v2 =	vld [tilespmem:s5+$0x80]  }
0x8b: {  	v3 =	vld [tilespmem:s5+$0x100];
	_ =	sdelay $0x3  }
0x8c: {  	v56 =	vand.u32 $0x7FFFFFFF, v1;
	v57 =	vand.u32 $0x7FFFFFFF, v2  }
0x8d: {  	v58 =	vand.u32 $0x7FFFFFFF, v3;
	vm10 =	vlt.f32 v56, $5.000000000e-01;
	vm11 =	vlt.f32 v57, $5.000000000e-01  }
0x8e: {  	v55 =	vmpcnt.ones.xlane vm0;
	vm12 =	vlt.f32 v58, $5.000000000e-01;
	vm0 =	vmand vm10, vm11  }
0x8f: {  	vm0 =	vmand vm0, vm12  }
0x90: {  	v59 =	vmpcnt.ones.xlane vm0  }
0x91: {  	(v2sf) =	vpush v55, $0x0  }
0x92: {  	(v2sf) =	vpush v59, $0x0;
	_ =	sdelay $0xa  }
0x93: {  	v1 =	vmul.f32 $1.280000000e+02, v1;
	v2 =	vmul.f32 $1.280000000e+02, v2;
	_ =	sdelay $0x1  }
0x94: {  	v3 =	vmul.f32 $1.280000000e+02, v3;
	v1 =	vadd.f32 $6.400000000e+01, v1;
	v2 =	vadd.f32 $6.400000000e+01, v2  }
0x95: {  	s28 =	spop (v2sf);
	v60 =	vsel vm0, $0x1, v0  }
0x96: {  	v3 =	vadd.f32 $6.400000000e+01, v3;
	s1 =	sadd.s32 s1, s28;
	v1 =	vtrunc.f32 v1;
	v2 =	vtrunc.f32 v2;
	(xrf0) =	vadd.scan.msk.s32 $0xffff, v60;
	s29 =	spop (v2sf)  }
0x97: {  	v62 =	vmov s1;
	v1 =	vcvt.f32.s32 v1;
	v2 =	vcvt.f32.s32 v2;
	s5 =	sadd.s32 s1, s29  }
0x98: {  	v61 =	vsel vm0, $0x3F800000, v0;
	v3 =	vtrunc.f32 v3;
	v5 =	vadd.s32 $0xFFFFFFFF, v62;
	s5 =	sadd.s32 $0x7F, s5  }
0x99: {  	v3 =	vcvt.f32.s32 v3;
	vm13 =	vgt.s32 v1, $0x0;
	vm14 =	vgt.s32 v2, $0x0;
	s10 =	sshra.s32 s5, $0x7  }
0x9a: {  	v5 =	vbroadcast v5, $0x0;
	v1 =	vnsel vm13, $0x0, v1;
	v2 =	vnsel vm14, $0x0, v2;
	p0 =	slt.s32 s10, $0x1  }
.Ltmp2:
0x9b: {  	vm15 =	vgt.s32 v3, $0x0;
	v1 =	vmin.u32 v1, $0x7F;
	v2 =	vmin.u32 v2, $0x7F;
	(pc) =	sbr.rel @p0 .LBB2_15-.Ltmp2, $4  }
0x9c: {  	v3 =	vnsel vm15, $0x0, v3;
	v1 =	vshll.u32 v1, $0x10;
	v2 =	vshll.u32 v2, $0x9;
	v63, _, _ =	vpop (xrf0)  }
0x9d: {  	[tilespmem:s3+$0x9010] =	vst v61;
	v1 =	vor.u32 v1, v2;
	v2 =	vmin.u32 v3, $0x7F;
	v3 =	vadd.s32 v63, v5  }
0x9e: {  	v1 =	vor.u32 v2, v1;
	[tilespmem:s3+$0xA010] =	vst v3  }
0x9f: {  	[tilespmem:s1+$0xB000] =	vst.msk vm0, v1  }
0xa0: {  	s1 =	sshll.u32 s10, $0x3  }
0xa1: {  	p1 =	sne.s32 s1, $0x1  }
.Ltmp3:
0xa2: {  	_ = 	snop;
	(pc) =	sbr.rel @!p1 .LBB2_8-.Ltmp3, $3  }
0xa3: {  	_ =	sdelay $0x1  }
0xa4: {  	s20 =	simm.s32 $0xB000;
	s12 =	simm.s32 $0xC000;
	s9 =	simm.s32 $0xD000  }
0xa5: {  	s3 =	simm.s32 $0xE000;
	p0 =	por $0x0, $0x0;
	v1 =	vld [tilespmem:s20+$0x0];
	s1 =	sadd.s32 $0xFFFFFFFF, s1  }
0xa6: {  	_ =	sdelay $0x3  }
0xa7: {  	v2 =	vadd.s32 $0x80, v1  }
0xa8: {  	p1 =	sne.s32 s1, $0x1;
	[tilespmem:s12+$0x0] =	vst v2;
	v2 =	vadd.s32 $0x100, v1  }
.Ltmp4:
0xa9: {  	v1 =	vadd.s32 $0x180, v1;
	[tilespmem:s9+$0x0] =	vst v2;
	(pc) =	sbr.rel @!p1 .LBB2_10-.Ltmp4, $4  }
0xaa: {  	s6 =	simm.s32 $0xB010;
	[tilespmem:s3+$0x0] =	vst v1  }
0xab: {  	v1 =	vld [tilespmem:s6+$0x0]  }
0xac: {  	s5 =	sadd.s32 $0xFFFFFFFF, s1;
	p0 =	por $0x1, $0x1  }
0xad: {  	s1 =	simm.s32 $0xC000;
	s28 =	simm.s32 $0xD000;
	s21 =	simm.s32 $0xE000  }
.LBB2_11:
0xae: {  	p1 =	sne.s32 s5, $0x1;
	_ =	sdelay $0x1  }
0xaf: {  	s1 =	sadd.s32 $0x10, s1;
	v2 =	vadd.s32 $0x80, v1  }
0xb0: {  	s28 =	sadd.s32 $0x10, s28;
	[tilespmem:s1+$0x0] =	vst v2;
	v2 =	vadd.s32 $0x100, v1  }
.Ltmp5:
0xb1: {  	s21 =	sadd.s32 $0x10, s21;
	v1 =	vadd.s32 $0x180, v1;
	[tilespmem:s28+$0x0] =	vst v2;
	(pc) =	sbr.rel @p1 .LBB2_11-.Ltmp5, $3  }
0xb2: {  	s6 =	sadd.s32 $0x10, s6;
	[tilespmem:s21+$0x0] =	vst v1  }
0xb3: {  	v1 =	vld [tilespmem:s6+$0x0];
	_ =	sdelay $0x1  }
0xb4: {  	s5 =	sadd.s32 $0xFFFFFFFF, s5  }
.LBB2_12:
0xb5: {  	_ = 	snop  }
0xb6: {  	s1 =	sadd.s32 @p0 $0x10, s1;
	s5 =	simm.s32 $0xC000;
	s6 =	simm.s32 $0xD000  }
0xb7: {  	s29 =	simm.s32 $0x10000;
	s5 =	smov.u32 @p0 s1;
	s1 =	sadd.s32 @p0 $0x10, s28;
	v2 =	vadd.s32 $0x80, v1  }
0xb8: {  	s6 =	smov.u32 @p0 s1;
	s1 =	sadd.s32 @p0 $0x10, s21;
	[tilespmem:s5+$0x0] =	vst v2;
	v2 =	vadd.s32 $0x100, v1;
	s5 =	simm.s32 $0xE000  }
0xb9: {  	s31 =	simm.s32 $0x11000;
	s8 =	simm.s32 $0xD080;
	v1 =	vadd.s32 $0x180, v1;
	[tilespmem:s6+$0x0] =	vst v2;
	s5 =	smov.u32 @p0 s1  }
0xba: {  	s7 =	simm.s32 $0xF080;
	s21 =	simm.s32 $0xF000;
	p0 =	sne.s32 s10, $0x1;
	[tilespmem:s5+$0x0] =	vst v1  }
0xbb: {  	[tilespmem:s21], [sflag:$0x1] =	stream.indirect.gather [hbm4b:s2+s14], $0x1, s20, s14, $0xb8;
	[tilespmem:$0x1D000] =	vst v63  }
.Ltmp6:
0xbc: {  	s28 =	simm.s32 $0xE080;
	s1 =	simm.s32 $0xC080;
	(pc) =	sbr.rel @!p0 .LBB2_14-.Ltmp6, $4  }
0xbd: {  	[tilespmem:s29], [sflag:$0x1] =	stream.indirect.gather [hbm4b:s2+s14], $0x1, s12, s14, $0xb8;
	[tilespmem:$0x1D000] =	vst v63  }
0xbe: {  	s6 =	simm.s32 $0xB080;
	s5 =	simm.s32 $0x10080;
	s20 =	simm.s32 $0x12000  }
0xbf: {  	[tilespmem:s31], [sflag:$0x1] =	stream.indirect.gather [hbm4b:s2+s14], $0x1, s9, s14, $0xb8;
	[tilespmem:$0x1D000] =	vst v63  }
0xc0: {  	s21 =	simm.s32 $0x12080;
	s12 =	sadd.s32 $0xFFFFFFFF, s10;
	s9 =	simm.s32 $0x11080  }
.LBB2_13:
0xc1: {  	[tilespmem:s20], [sflag:$0x1] =	stream.indirect.gather [hbm4b:s2+s14], $0x1, s3, s14, $0xb8;
	[tilespmem:$0x1D000] =	vst v63  }
0xc2: {  	s20 =	smov.u32 s21;
	s3 =	smov.u32 s28;
	s29 =	smov.u32 s9  }
0xc3: {  	p0 =	sne.s32 s12, $0x1;
	s12 =	sadd.s32 $0xFFFFFFFF, s12;
	s31 =	smov.u32 s8  }
0xc4: {  	[tilespmem:s7], [sflag:$0x1] =	stream.indirect.gather [hbm4b:s2+s14], $0x1, s6, s14, $0xb8;
	[tilespmem:$0x1D000] =	vst v63  }
.Ltmp7:
0xc5: {  	s21 =	sadd.s32 $0x80, s21;
	s28 =	sadd.s32 $0x80, s28;
	(pc) =	sbr.rel @p0 .LBB2_13-.Ltmp7, $4  }
0xc6: {  	[tilespmem:s5], [sflag:$0x1] =	stream.indirect.gather [hbm4b:s2+s14], $0x1, s1, s14, $0xb8;
	[tilespmem:$0x1D000] =	vst v63  }
0xc7: {  	s9 =	sadd.s32 $0x80, s9;
	s8 =	sadd.s32 $0x80, s8;
	s1 =	sadd.s32 $0x80, s1  }
0xc8: {  	[tilespmem:s29], [sflag:$0x1] =	stream.indirect.gather [hbm4b:s2+s14], $0x1, s31, s14, $0xb8;
	[tilespmem:$0x1D000] =	vst v63  }
0xc9: {  	s7 =	sadd.s32 $0x80, s7;
	s6 =	sadd.s32 $0x80, s6;
	s5 =	sadd.s32 $0x80, s5  }
.LBB2_14:
0xca: {  	[tilespmem:s20], [sflag:$0x1] =	stream.indirect.gather [hbm4b:s2+s14], $0x1, s3, s14, $0xb8;
	[tilespmem:$0x1D000] =	vst v63  }
0xcb: {  	s31 =	rddreg [dreg:$0x0]  }
.LBB2_15:
0xcc: {  	p0 =	seq.s32 s30, $0x0  }
.Ltmp8:
0xcd: {  	_ = 	snop;
	(pc) =	sbr.rel @p0 .LBB2_23-.Ltmp8, $1  }
0xce: {  	_ =	sdelay $0x3  }
0xcf: {  	p0 =	slt.s32 s4, $0x1  }
.Ltmp9:
0xd0: {  	_ = 	snop;
	(pc) =	sbr.rel @p0 .LBB2_20-.Ltmp9, $1  }
0xd1: {  	_ =	sdelay $0x3  }
0xd2: {  	_ =	swait.ge [sflag:s22], $0x80  }
0xd3: {  	[sflag:s22] =	ssyncset.done $0x0  }
0xd4: {  	[sflag:s22] =	ssyncadd.s32 $0xFFFFFF80  }
0xd5: {  	_ =	swait.ge [sflag:s22], $0x80  }
0xd6: {  	[sflag:s22] =	ssyncset.done $0x0  }
0xd7: {  	p0 =	sne.s32 s4, $0x1;
	[sflag:s22] =	ssyncadd.s32 $0xFFFFFF80  }
.Ltmp10:
0xd8: {  	_ =	swait.ge [sflag:s22], $0x80;
	(pc) =	sbr.rel @!p0 .LBB2_19-.Ltmp10, $4  }
0xd9: {  	[sflag:s22] =	ssyncset.done $0x0  }
0xda: {  	[sflag:s22] =	ssyncadd.s32 $0xFFFFFF80  }
0xdb: {  	_ =	swait.ge [sflag:s22], $0x80  }
0xdc: {  	s1 =	sadd.s32 $0xFFFFFFFF, s4;
	[sflag:s22] =	ssyncset.done $0x0  }
.LBB2_18:
0xdd: {  	p0 =	sne.s32 s1, $0x1;
	s1 =	sadd.s32 $0xFFFFFFFF, s1;
	[sflag:s22] =	ssyncadd.s32 $0xFFFFFF80  }
0xde: {  	_ =	swait.ge [sflag:s22], $0x80  }
0xdf: {  	[sflag:s22] =	ssyncset.done $0x0  }
0xe0: {  	[sflag:s22] =	ssyncadd.s32 $0xFFFFFF80  }
0xe1: {  	_ =	swait.ge [sflag:s22], $0x80  }
0xe2: {  	[sflag:s22] =	ssyncset.done $0x0  }
0xe3: {  	[sflag:s22] =	ssyncadd.s32 $0xFFFFFF80  }
.Ltmp11:
0xe4: {  	_ =	swait.ge [sflag:s22], $0x80;
	(pc) =	sbr.rel @p0 .LBB2_18-.Ltmp11, $4  }
0xe5: {  	[sflag:s22] =	ssyncset.done $0x0  }
0xe6: {  	[sflag:s22] =	ssyncadd.s32 $0xFFFFFF80  }
0xe7: {  	_ =	swait.ge [sflag:s22], $0x80  }
0xe8: {  	[sflag:s22] =	ssyncset.done $0x0  }
.LBB2_19:
0xe9: {  	[sflag:s22] =	ssyncadd.s32 $0xFFFFFF80  }
.LBB2_20:
0xea: {  	s4 =	simm.s32 $0x0  }
0xeb: {  	v1 =	vld [tilespmem:s4+$0x13000];
	_ =	sdelay $0x2  }
0xec: {  	v2 =	vld [tilespmem:s4+$0x14000];
	_ =	sdelay $0x1  }
0xed: {  	vm1 =	vgt.f32 v1, $5.000000000e-01;
	_ =	sdelay $0x5  }
0xee: {  	v1 =	vld.idx.msk [tilespmem:v2+s23+$0x0], vm1;
	_ =	sdelay $0x4  }
0xef: {  	v1 =	vsub.f32 $0.0e+00, v1;
	_ =	sdelay $0x1  }
0xf0: {  	v1 =	vmul.f32 $1.442695020e+00, v1;
	_ =	sdelay $0x1  }
0xf1: {  	v1 =	vnsel vm1, $0x0, v1  }
0xf2: {  	(erf) = vpow2.f32 v1;
	_ =	sdelay $0x8  }
0xf3: {  	v1 =	vpop (erf)  }
0xf4: {  	v1 =	vadd.f32 $1.000000000e+00, v1;
	_ =	sdelay $0x1  }
0xf5: {  	(erf) = vrcp.f32 v1;
	_ =	sdelay $0x5  }
0xf6: {  	s1 =	simm.s32 $0x0  }
0xf7: {  	s3 =	sand.u32 $0x3E00, s1  }
0xf8: {  	s1 =	sand.u32 $0x60, s1;
	s3 =	sor.u32 $0x4000, s3  }
0xf9: {  	s1 =	sor.u32 s1, s3;
	v1 =	vpop (erf)  }
0xfa: {  	[tilespmem:s1+$0x0] =	vst v1  }
0xfb: {  	v1 =	vld.idx.msk [tilespmem:v2+s24+$0x0], vm1;
	_ =	sdelay $0x4  }
0xfc: {  	v1 =	vsub.f32 $0.0e+00, v1;
	_ =	sdelay $0x1  }
0xfd: {  	v1 =	vmul.f32 $1.442695020e+00, v1;
	_ =	sdelay $0x1  }
0xfe: {  	v1 =	vnsel vm1, $0x0, v1  }
0xff: {  	(erf) = vpow2.f32 v1;
	_ =	sdelay $0x8  }
0x100: {  	v1 =	vpop (erf)  }
0x101: {  	v1 =	vadd.f32 $1.000000000e+00, v1;
	_ =	sdelay $0x1  }
0x102: {  	(erf) = vrcp.f32 v1;
	_ =	sdelay $0x8  }
0x103: {  	v1 =	vpop (erf)  }
0x104: {  	[tilespmem:s1+$0x80] =	vst v1  }
0x105: {  	v1 =	vld.idx.msk [tilespmem:v2+s25+$0x0], vm1;
	_ =	sdelay $0x4  }
0x106: {  	v1 =	vsub.f32 $0.0e+00, v1;
	_ =	sdelay $0x1  }
0x107: {  	v1 =	vmul.f32 $1.442695020e+00, v1;
	_ =	sdelay $0x1  }
0x108: {  	v1 =	vnsel vm1, $0x0, v1  }
0x109: {  	(erf) = vpow2.f32 v1;
	_ =	sdelay $0x8  }
0x10a: {  	v1 =	vpop (erf)  }
0x10b: {  	v1 =	vadd.f32 $1.000000000e+00, v1;
	_ =	sdelay $0x1  }
0x10c: {  	(erf) = vrcp.f32 v1;
	_ =	sdelay $0x8  }
0x10d: {  	v1 =	vpop (erf)  }
0x10e: {  	[tilespmem:s1+$0x100] =	vst v1  }
0x10f: {  	v1 =	vld [tilespmem:s4+$0x13010];
	_ =	sdelay $0x1  }
0x110: {  	v2 =	vld.idx.msk [tilespmem:v2+s26+$0x0], vm1  }
0x111: {  	v3 =	vld [tilespmem:s4+$0x14010];
	_ =	sdelay $0x1  }
0x112: {  	vm0 =	vgt.f32 v1, $5.000000000e-01;
	_ =	sdelay $0x2  }
0x113: {  	v1 =	vmax.f32 v2, $0.0e+00  }
0x114: {  	v1 =	vnsel vm1, $0x0, v1  }
0x115: {  	[tilespmem:s4+$0x8000] =	vst v1  }
0x116: {  	v1 =	vld.idx.msk [tilespmem:v3+s23+$0x0], vm0;
	_ =	sdelay $0x4  }
0x117: {  	v1 =	vsub.f32 $0.0e+00, v1;
	_ =	sdelay $0x1  }
0x118: {  	v1 =	vmul.f32 $1.442695020e+00, v1;
	_ =	sdelay $0x1  }
0x119: {  	v1 =	vnsel vm0, $0x0, v1  }
0x11a: {  	(erf) = vpow2.f32 v1;
	_ =	sdelay $0x8  }
0x11b: {  	v1 =	vpop (erf)  }
0x11c: {  	v1 =	vadd.f32 $1.000000000e+00, v1;
	_ =	sdelay $0x1  }
0x11d: {  	(erf) = vrcp.f32 v1;
	_ =	sdelay $0x6  }
0x11e: {  	s29 =	simm.s32 $0x10  }
0x11f: {  	s1 =	sand.u32 $0x70, s29  }
0x120: {  	s1 =	sor.u32 s1, s3;
	v1 =	vpop (erf)  }
0x121: {  	[tilespmem:s1+$0x0] =	vst v1  }
0x122: {  	v1 =	vld.idx.msk [tilespmem:v3+s24+$0x0], vm0;
	_ =	sdelay $0x4  }
0x123: {  	v1 =	vsub.f32 $0.0e+00, v1;
	_ =	sdelay $0x1  }
0x124: {  	v1 =	vmul.f32 $1.442695020e+00, v1;
	_ =	sdelay $0x1  }
0x125: {  	v1 =	vnsel vm0, $0x0, v1  }
0x126: {  	(erf) = vpow2.f32 v1;
	_ =	sdelay $0x8  }
0x127: {  	v1 =	vpop (erf)  }
0x128: {  	v1 =	vadd.f32 $1.000000000e+00, v1;
	_ =	sdelay $0x1  }
0x129: {  	(erf) = vrcp.f32 v1;
	_ =	sdelay $0x8  }
0x12a: {  	v1 =	vpop (erf)  }
0x12b: {  	[tilespmem:s1+$0x80] =	vst v1  }
0x12c: {  	v1 =	vld.idx.msk [tilespmem:v3+s25+$0x0], vm0;
	_ =	sdelay $0x4  }
0x12d: {  	v1 =	vsub.f32 $0.0e+00, v1;
	_ =	sdelay $0x1  }
0x12e: {  	v1 =	vmul.f32 $1.442695020e+00, v1;
	_ =	sdelay $0x1  }
0x12f: {  	v1 =	vnsel vm0, $0x0, v1  }
0x130: {  	(erf) = vpow2.f32 v1;
	_ =	sdelay $0x8  }
0x131: {  	v1 =	vpop (erf)  }
0x132: {  	v1 =	vadd.f32 $1.000000000e+00, v1;
	_ =	sdelay $0x1  }
0x133: {  	(erf) = vrcp.f32 v1;
	_ =	sdelay $0x8  }
0x134: {  	v1 =	vpop (erf)  }
0x135: {  	s20 =	simm.s32 $0x20;
	[tilespmem:s1+$0x100] =	vst v1  }
0x136: {  	v2 =	vld [tilespmem:s20+$0x13000];
	_ =	sdelay $0x1  }
0x137: {  	v3 =	vld.idx.msk [tilespmem:v3+s26+$0x0], vm0  }
0x138: {  	v1 =	vld [tilespmem:s20+$0x14000];
	_ =	sdelay $0x1  }
0x139: {  	vm1 =	vgt.f32 v2, $5.000000000e-01;
	_ =	sdelay $0x1  }
0x13a: {  	s12 =	simm.s32 $0x20;
	s9 =	simm.s32 $0x40;
	s28 =	simm.s32 $0x80;
	v2 =	vmax.f32 v3, $0.0e+00  }
.LBB2_21:
0x13b: {  	p0 =	sne.s32 s9, $0xFE0;
	v2 =	vnsel vm0, $0x0, v2;
	s3 =	smov.u32 s9;
	s9 =	sadd.s32 $0x20, s9  }
0x13c: {  	[tilespmem:s4+$0x8010] =	vst v2;
	s4 =	smov.u32 s20;
	_ =	sdelay $0x1  }
0x13d: {  	v2 =	vld.idx.msk [tilespmem:v1+s23+$0x0], vm1;
	_ =	sdelay $0x5  }
0x13e: {  	v2 =	vsub.f32 $0.0e+00, v2;
	_ =	sdelay $0x1  }
0x13f: {  	v2 =	vmul.f32 $1.442695020e+00, v2;
	_ =	sdelay $0x1  }
0x140: {  	v2 =	vnsel vm1, $0x0, v2  }
0x141: {  	(erf) = vpow2.f32 v2;
	_ =	sdelay $0x8  }
0x142: {  	v2 =	vpop (erf)  }
0x143: {  	v2 =	vadd.f32 $1.000000000e+00, v2;
	_ =	sdelay $0x1  }
0x144: {  	(erf) = vrcp.f32 v2;
	_ =	sdelay $0x6  }
0x145: {  	s1 =	sand.u32 $0x3E00, s28  }
0x146: {  	s5 =	sand.u32 $0x60, s12;
	s20 =	sor.u32 $0x4000, s1  }
0x147: {  	s21 =	sor.u32 s5, s20;
	v2 =	vpop (erf)  }
0x148: {  	[tilespmem:s21+$0x0] =	vst v2  }
0x149: {  	v2 =	vld.idx.msk [tilespmem:v1+s24+$0x0], vm1;
	_ =	sdelay $0x5  }
0x14a: {  	v2 =	vsub.f32 $0.0e+00, v2;
	_ =	sdelay $0x1  }
0x14b: {  	v2 =	vmul.f32 $1.442695020e+00, v2;
	_ =	sdelay $0x1  }
0x14c: {  	v2 =	vnsel vm1, $0x0, v2  }
0x14d: {  	(erf) = vpow2.f32 v2;
	_ =	sdelay $0x8  }
0x14e: {  	v2 =	vpop (erf)  }
0x14f: {  	v2 =	vadd.f32 $1.000000000e+00, v2;
	_ =	sdelay $0x1  }
0x150: {  	(erf) = vrcp.f32 v2;
	_ =	sdelay $0x8  }
0x151: {  	v2 =	vpop (erf)  }
0x152: {  	[tilespmem:s21+$0x80] =	vst v2  }
0x153: {  	v2 =	vld.idx.msk [tilespmem:v1+s25+$0x0], vm1;
	_ =	sdelay $0x5  }
0x154: {  	v2 =	vsub.f32 $0.0e+00, v2;
	_ =	sdelay $0x1  }
0x155: {  	v2 =	vmul.f32 $1.442695020e+00, v2;
	_ =	sdelay $0x1  }
0x156: {  	v2 =	vnsel vm1, $0x0, v2  }
0x157: {  	(erf) = vpow2.f32 v2;
	_ =	sdelay $0x8  }
0x158: {  	v2 =	vpop (erf)  }
0x159: {  	v2 =	vadd.f32 $1.000000000e+00, v2;
	_ =	sdelay $0x1  }
0x15a: {  	(erf) = vrcp.f32 v2;
	_ =	sdelay $0x8  }
0x15b: {  	v2 =	vpop (erf)  }
0x15c: {  	[tilespmem:s21+$0x100] =	vst v2  }
0x15d: {  	v2 =	vld [tilespmem:s4+$0x13010];
	_ =	sdelay $0x1  }
0x15e: {  	v3 =	vld.idx.msk [tilespmem:v1+s26+$0x0], vm1  }
0x15f: {  	v1 =	vld [tilespmem:s4+$0x14010];
	_ =	sdelay $0x1  }
0x160: {  	vm0 =	vgt.f32 v2, $5.000000000e-01;
	_ =	sdelay $0x2  }
0x161: {  	v2 =	vmax.f32 v3, $0.0e+00  }
0x162: {  	v2 =	vnsel vm1, $0x0, v2  }
0x163: {  	[tilespmem:s4+$0x8000] =	vst v2  }
0x164: {  	v2 =	vld.idx.msk [tilespmem:v1+s23+$0x0], vm0;
	_ =	sdelay $0x5  }
0x165: {  	v2 =	vsub.f32 $0.0e+00, v2;
	_ =	sdelay $0x1  }
0x166: {  	v2 =	vmul.f32 $1.442695020e+00, v2;
	_ =	sdelay $0x1  }
0x167: {  	v2 =	vnsel vm0, $0x0, v2  }
0x168: {  	(erf) = vpow2.f32 v2;
	_ =	sdelay $0x8  }
0x169: {  	v2 =	vpop (erf)  }
0x16a: {  	v2 =	vadd.f32 $1.000000000e+00, v2;
	_ =	sdelay $0x1  }
0x16b: {  	(erf) = vrcp.f32 v2;
	_ =	sdelay $0x6  }
0x16c: {  	s1 =	sadd.s32 $0x10, s12;
	s12 =	smov.u32 s3  }
0x16d: {  	s1 =	sand.u32 $0x70, s1  }
0x16e: {  	s3 =	sor.u32 s1, s20;
	v2 =	vpop (erf)  }
0x16f: {  	[tilespmem:s3+$0x0] =	vst v2  }
0x170: {  	v2 =	vld.idx.msk [tilespmem:v1+s24+$0x0], vm0;
	_ =	sdelay $0x5  }
0x171: {  	v2 =	vsub.f32 $0.0e+00, v2;
	_ =	sdelay $0x1  }
0x172: {  	v2 =	vmul.f32 $1.442695020e+00, v2;
	_ =	sdelay $0x1  }
0x173: {  	v2 =	vnsel vm0, $0x0, v2  }
0x174: {  	(erf) = vpow2.f32 v2;
	_ =	sdelay $0x8  }
0x175: {  	v2 =	vpop (erf)  }
0x176: {  	v2 =	vadd.f32 $1.000000000e+00, v2;
	_ =	sdelay $0x1  }
0x177: {  	(erf) = vrcp.f32 v2;
	_ =	sdelay $0x8  }
0x178: {  	v2 =	vpop (erf)  }
0x179: {  	[tilespmem:s3+$0x80] =	vst v2  }
0x17a: {  	v2 =	vld.idx.msk [tilespmem:v1+s25+$0x0], vm0;
	_ =	sdelay $0x5  }
0x17b: {  	v2 =	vsub.f32 $0.0e+00, v2;
	_ =	sdelay $0x1  }
0x17c: {  	v2 =	vmul.f32 $1.442695020e+00, v2;
	_ =	sdelay $0x1  }
0x17d: {  	v2 =	vnsel vm0, $0x0, v2  }
0x17e: {  	(erf) = vpow2.f32 v2;
	_ =	sdelay $0x8  }
0x17f: {  	v2 =	vpop (erf)  }
0x180: {  	v2 =	vadd.f32 $1.000000000e+00, v2;
	_ =	sdelay $0x1  }
0x181: {  	(erf) = vrcp.f32 v2;
	_ =	sdelay $0x8  }
0x182: {  	s28 =	sadd.s32 $0x80, s28;
	v2 =	vpop (erf)  }
0x183: {  	s20 =	sshra.s32 s28, $0x2;
	[tilespmem:s3+$0x100] =	vst v2  }
0x184: {  	v2 =	vld [tilespmem:s20+$0x13000]  }
0x185: {  	v3 =	vld.idx.msk [tilespmem:v1+s26+$0x0], vm0;
	_ =	sdelay $0x1  }
.Ltmp12:
0x186: {  	v1 =	vld [tilespmem:s20+$0x14000];
	(pc) =	sbr.rel @p0 .LBB2_21-.Ltmp12, $3  }
0x187: {  	_ = 	snop  }
0x188: {  	vm1 =	vgt.f32 v2, $5.000000000e-01;
	_ =	sdelay $0x1  }
0x189: {  	v2 =	vmax.f32 v3, $0.0e+00  }
0x18a: {  	_ =	sdelay $0x2  }
0x18b: {  	v2 =	vnsel vm0, $0x0, v2  }
0x18c: {  	[tilespmem:s4+$0x8010] =	vst v2  }
0x18d: {  	v2 =	vld.idx.msk [tilespmem:v1+s23+$0x0], vm1;
	_ =	sdelay $0x4  }
0x18e: {  	v2 =	vsub.f32 $0.0e+00, v2;
	_ =	sdelay $0x1  }
0x18f: {  	v2 =	vmul.f32 $1.442695020e+00, v2;
	_ =	sdelay $0x1  }
0x190: {  	v2 =	vnsel vm1, $0x0, v2  }
0x191: {  	(erf) = vpow2.f32 v2;
	_ =	sdelay $0x8  }
0x192: {  	v2 =	vpop (erf)  }
0x193: {  	v2 =	vadd.f32 $1.000000000e+00, v2;
	_ =	sdelay $0x1  }
0x194: {  	(erf) = vrcp.f32 v2;
	_ =	sdelay $0x6  }
0x195: {  	s1 =	sand.u32 $0x3E00, s28  }
0x196: {  	s3 =	sand.u32 $0x60, s12;
	s1 =	sor.u32 $0x4000, s1  }
0x197: {  	s3 =	sor.u32 s3, s1;
	v2 =	vpop (erf)  }
0x198: {  	[tilespmem:s3+$0x0] =	vst v2  }
0x199: {  	v2 =	vld.idx.msk [tilespmem:v1+s24+$0x0], vm1;
	_ =	sdelay $0x4  }
0x19a: {  	v2 =	vsub.f32 $0.0e+00, v2;
	_ =	sdelay $0x1  }
0x19b: {  	v2 =	vmul.f32 $1.442695020e+00, v2;
	_ =	sdelay $0x1  }
0x19c: {  	v2 =	vnsel vm1, $0x0, v2  }
0x19d: {  	(erf) = vpow2.f32 v2;
	_ =	sdelay $0x8  }
0x19e: {  	v2 =	vpop (erf)  }
0x19f: {  	v2 =	vadd.f32 $1.000000000e+00, v2;
	_ =	sdelay $0x1  }
0x1a0: {  	(erf) = vrcp.f32 v2;
	_ =	sdelay $0x8  }
0x1a1: {  	v2 =	vpop (erf)  }
0x1a2: {  	[tilespmem:s3+$0x80] =	vst v2  }
0x1a3: {  	v2 =	vld.idx.msk [tilespmem:v1+s25+$0x0], vm1;
	_ =	sdelay $0x4  }
0x1a4: {  	v2 =	vsub.f32 $0.0e+00, v2;
	_ =	sdelay $0x1  }
0x1a5: {  	v2 =	vmul.f32 $1.442695020e+00, v2;
	_ =	sdelay $0x1  }
0x1a6: {  	v2 =	vnsel vm1, $0x0, v2  }
0x1a7: {  	(erf) = vpow2.f32 v2;
	_ =	sdelay $0x8  }
0x1a8: {  	v2 =	vpop (erf)  }
0x1a9: {  	v2 =	vadd.f32 $1.000000000e+00, v2;
	_ =	sdelay $0x1  }
0x1aa: {  	(erf) = vrcp.f32 v2;
	_ =	sdelay $0x8  }
0x1ab: {  	v2 =	vpop (erf)  }
0x1ac: {  	[tilespmem:s3+$0x100] =	vst v2  }
0x1ad: {  	v2 =	vld [tilespmem:s20+$0x13010];
	_ =	sdelay $0x1  }
0x1ae: {  	v1 =	vld.idx.msk [tilespmem:v1+s26+$0x0], vm1  }
0x1af: {  	v3 =	vld [tilespmem:s20+$0x14010];
	_ =	sdelay $0x1  }
0x1b0: {  	vm15 =	vgt.f32 v2, $5.000000000e-01;
	_ =	sdelay $0x2  }
0x1b1: {  	v1 =	vmax.f32 v1, $0.0e+00  }
0x1b2: {  	v1 =	vnsel vm1, $0x0, v1  }
0x1b3: {  	[tilespmem:s20+$0x8000] =	vst v1  }
0x1b4: {  	v1 =	vld.idx.msk [tilespmem:v3+s23+$0x0], vm15;
	_ =	sdelay $0x4  }
0x1b5: {  	v1 =	vsub.f32 $0.0e+00, v1;
	_ =	sdelay $0x1  }
0x1b6: {  	v1 =	vmul.f32 $1.442695020e+00, v1;
	_ =	sdelay $0x1  }
0x1b7: {  	v1 =	vnsel vm15, $0x0, v1  }
0x1b8: {  	(erf) = vpow2.f32 v1;
	_ =	sdelay $0x8  }
0x1b9: {  	v1 =	vpop (erf)  }
0x1ba: {  	v1 =	vadd.f32 $1.000000000e+00, v1;
	_ =	sdelay $0x1  }
0x1bb: {  	(erf) = vrcp.f32 v1;
	_ =	sdelay $0x6  }
0x1bc: {  	s8 =	sadd.s32 $0x10, s12  }
0x1bd: {  	s3 =	sand.u32 $0x70, s8  }
0x1be: {  	s1 =	sor.u32 s3, s1;
	v1 =	vpop (erf)  }
0x1bf: {  	[tilespmem:s1+$0x0] =	vst v1  }
0x1c0: {  	v1 =	vld.idx.msk [tilespmem:v3+s24+$0x0], vm15;
	_ =	sdelay $0x4  }
0x1c1: {  	v1 =	vsub.f32 $0.0e+00, v1;
	_ =	sdelay $0x1  }
0x1c2: {  	v1 =	vmul.f32 $1.442695020e+00, v1;
	_ =	sdelay $0x1  }
0x1c3: {  	v1 =	vnsel vm15, $0x0, v1  }
0x1c4: {  	(erf) = vpow2.f32 v1;
	_ =	sdelay $0x8  }
0x1c5: {  	v1 =	vpop (erf)  }
0x1c6: {  	v1 =	vadd.f32 $1.000000000e+00, v1;
	_ =	sdelay $0x1  }
0x1c7: {  	(erf) = vrcp.f32 v1;
	_ =	sdelay $0x8  }
0x1c8: {  	v1 =	vpop (erf)  }
0x1c9: {  	[tilespmem:s1+$0x80] =	vst v1  }
0x1ca: {  	v1 =	vld.idx.msk [tilespmem:v3+s25+$0x0], vm15;
	_ =	sdelay $0x4  }
0x1cb: {  	v1 =	vsub.f32 $0.0e+00, v1;
	_ =	sdelay $0x1  }
0x1cc: {  	v1 =	vmul.f32 $1.442695020e+00, v1;
	_ =	sdelay $0x1  }
0x1cd: {  	v1 =	vnsel vm15, $0x0, v1  }
0x1ce: {  	(erf) = vpow2.f32 v1;
	_ =	sdelay $0x8  }
0x1cf: {  	v1 =	vpop (erf)  }
0x1d0: {  	v1 =	vadd.f32 $1.000000000e+00, v1;
	_ =	sdelay $0x1  }
0x1d1: {  	(erf) = vrcp.f32 v1;
	_ =	sdelay $0x8  }
0x1d2: {  	v1 =	vpop (erf)  }
0x1d3: {  	[tilespmem:s1+$0x100] =	vst v1  }
0x1d4: {  	v1 =	vld.idx.msk [tilespmem:v3+s26+$0x0], vm15;
	_ =	sdelay $0x3  }
0x1d5: {  	s9 =	rddreg [dreg:$0x8]  }
0x1d6: {  	s1 =	sadd.s32 s11, s9;
	v1 =	vmax.f32 v1, $0.0e+00  }
0x1d7: {  	s12 =	sshrl.u32 s1, $0x1;
	v1 =	vnsel vm15, $0x0, v1  }
0x1d8: {  	s3 =	sand.u32 $0x1FFFF800, s12;
	[tilespmem:s20+$0x8010] =	vst v1;
	s20 =	rddreg [dreg:$0x5]  }
0x1d9: {  	s21 =	simm.s32 $0x0;
	s5 =	simm.s32 $0x4000;
	s3 =	sadd.s32 s20, s3  }
0x1da: {  	[hbm4b:s3+s21] =	stream.linear.scatter [tilespmem:s5], [sflag:$0x3], $0x4000, $0x38;
	[tilespmem:$0x1D000] =	vst v63  }
0x1db: {  	_ =	swait.ge [sflag:s13], $0x4000  }
0x1dc: {  	[sflag:s13] =	ssyncset.done $0x0  }
0x1dd: {  	[sflag:s13] =	ssyncadd.s32 $0xFFFFC000  }
0x1de: {  	s1 =	sshrl.u32 s1, $0x3;
	s28 =	rddreg [dreg:$0x3]  }
0x1df: {  	s29 =	simm.s32 $0x8000;
	s1 =	sadd.s32 s28, s1  }
0x1e0: {  	[hbm4b:s1+s21] =	stream.linear.scatter [tilespmem:s29], [sflag:$0x3], $0x1000, $0x38;
	[tilespmem:$0x1D000] =	vst v63  }
0x1e1: {  	_ =	swait.ge [sflag:s13], $0x1000  }
0x1e2: {  	[sflag:s13] =	ssyncset.done $0x0  }
0x1e3: {  	[sflag:s13] =	ssyncadd.s32 $0xFFFFF000  }
.LBB2_23:
0x1e4: {  	s1 =	rddreg [dreg:$0x7]  }
0x1e5: {  	s1 =	sor.u32 s1, s11  }
0x1e6: {  	s1 =	sshrl.u32 s1, $0x1  }
0x1e7: {  	s4 =	simm.s32 $0x0;
	s1 =	sadd.s32 s31, s1  }
0x1e8: {  	[tilespmem:s4], [sflag:$0x3] =	stream.linear.gather [hbm4b:s1+s4], $0x4000, $0x38;
	[tilespmem:$0x1D000] =	vst v63  }
0x1e9: {  	_ =	swait.ge [sflag:s13], $0x4000  }
0x1ea: {  	s20 =	sand.u32 $0x3E00, s4;
	s3 =	sand.u32 $0x60, s4;
	[sflag:s13] =	ssyncset.done $0x0  }
0x1eb: {  	s3 =	sor.u32 s3, s20;
	[sflag:s13] =	ssyncadd.s32 $0xFFFFC000  }
0x1ec: {  	v1 =	vld [tilespmem:s3+$0x80]  }
0x1ed: {  	v2 =	vld [tilespmem:s3+$0x100]  }
0x1ee: {  	v3 =	vld [tilespmem:s3+$0x0];
	_ =	sdelay $0x3  }
0x1ef: {  	v4 =	vand.u32 $0x7FFFFFFF, v1;
	v1 =	vmul.f32 $1.280000000e+02, v1;
	v5 =	vand.u32 $0x7FFFFFFF, v2  }
0x1f0: {  	v2 =	vmul.f32 $1.280000000e+02, v2;
	v6 =	vand.u32 $0x7FFFFFFF, v3;
	v3 =	vmul.f32 $1.280000000e+02, v3  }
0x1f1: {  	vm0 =	vlt.f32 v6, $5.000000000e-01;
	vm1 =	vlt.f32 v4, $5.000000000e-01;
	vm7 =	vlt.f32 v5, $5.000000000e-01  }
0x1f2: {  	v1 =	vadd.f32 $6.400000000e+01, v1;
	v2 =	vadd.f32 $6.400000000e+01, v2;
	vm0 =	vmand vm0, vm1  }
0x1f3: {  	v3 =	vadd.f32 $6.400000000e+01, v3;
	vm0 =	vmand vm0, vm7  }
0x1f4: {  	v1 =	vtrunc.f32 v1;
	v2 =	vtrunc.f32 v2;
	v4 =	vsel vm0, $0x1, v0  }
0x1f5: {  	v3 =	vtrunc.f32 v3;
	v5 =	vmpcnt.ones.xlane vm0;
	(xrf0) =	vadd.scan.msk.s32 $0xffff, v4  }
0x1f6: {  	v1 =	vcvt.f32.s32 v1;
	v3 =	vcvt.f32.s32 v3;
	v4 =	vmov s4  }
0x1f7: {  	v62 =	vsel vm0, $0x3F800000, v0;
	v2 =	vcvt.f32.s32 v2;
	v4 =	vadd.s32 $0xFFFFFFFF, v4  }
0x1f8: {  	(v2sf) =	vpush v5, $0x0;
	vm8 =	vgt.s32 v1, $0x0;
	vm2 =	vgt.s32 v3, $0x0  }
0x1f9: {  	vm9 =	vgt.s32 v2, $0x0;
	v1 =	vnsel vm8, $0x0, v1;
	v3 =	vnsel vm2, $0x0, v3  }
0x1fa: {  	v4 =	vbroadcast v4, $0x0;
	v1 =	vmin.u32 v1, $0x7F;
	v3 =	vmin.u32 v3, $0x7F  }
0x1fb: {  	s21 =	simm.s32 $0x0;
	v2 =	vnsel vm9, $0x0, v2;
	v3 =	vshll.u32 v3, $0x10;
	v1 =	vshll.u32 v1, $0x9;
	v5, _, _ =	vpop (xrf0)  }
0x1fc: {  	s5 =	simm.s32 $0x10;
	[tilespmem:s21+$0x13000] =	vst v62;
	v2 =	vmin.u32 v2, $0x7F;
	v1 =	vor.u32 v3, v1;
	v3 =	vadd.s32 v5, v4  }
0x1fd: {  	s5 =	sand.u32 $0x70, s5;
	v1 =	vor.u32 v2, v1;
	[tilespmem:s21+$0x14000] =	vst v3  }
0x1fe: {  	s1 =	sor.u32 s5, s20;
	[tilespmem:s4+$0x15000] =	vst.msk vm0, v1  }
0x1ff: {  	v1 =	vld [tilespmem:s1+$0x0]  }
0x200: {  	v2 =	vld [tilespmem:s1+$0x80]  }
0x201: {  	v3 =	vld [tilespmem:s1+$0x100];
	_ =	sdelay $0x2  }
0x202: {  	v4 =	vand.u32 $0x7FFFFFFF, v1  }
0x203: {  	v1 =	vmul.f32 $1.280000000e+02, v1;
	v5 =	vand.u32 $0x7FFFFFFF, v2;
	v2 =	vmul.f32 $1.280000000e+02, v2  }
0x204: {  	vm10 =	vlt.f32 v4, $5.000000000e-01;
	vm11 =	vlt.f32 v5, $5.000000000e-01;
	v4 =	vand.u32 $0x7FFFFFFF, v3  }
0x205: {  	v3 =	vmul.f32 $1.280000000e+02, v3;
	vm0 =	vmand vm10, vm11;
	vm12 =	vlt.f32 v4, $5.000000000e-01  }
0x206: {  	v1 =	vadd.f32 $6.400000000e+01, v1;
	v2 =	vadd.f32 $6.400000000e+01, v2;
	vm0 =	vmand vm0, vm12  }
0x207: {  	s28 =	spop (v2sf);
	v4 =	vsel vm0, $0x1, v0  }
0x208: {  	s12 =	sadd.s32 $0x0, s28;
	v3 =	vadd.f32 $6.400000000e+01, v3;
	v1 =	vtrunc.f32 v1;
	v2 =	vtrunc.f32 v2;
	(xrf0) =	vadd.scan.msk.s32 $0xffff, v4  }
0x209: {  	v5 =	vmov s12;
	v1 =	vcvt.f32.s32 v1;
	v2 =	vcvt.f32.s32 v2  }
0x20a: {  	v5 =	vadd.s32 $0xFFFFFFFF, v5;
	v4 =	vsel vm0, $0x3F800000, v0;
	v3 =	vtrunc.f32 v3  }
0x20b: {  	v3 =	vcvt.f32.s32 v3;
	vm13 =	vgt.s32 v1, $0x0;
	vm14 =	vgt.s32 v2, $0x0  }
0x20c: {  	v5 =	vbroadcast v5, $0x0;
	v1 =	vnsel vm13, $0x0, v1;
	v2 =	vnsel vm14, $0x0, v2  }
0x20d: {  	vm15 =	vgt.s32 v3, $0x0;
	v1 =	vmin.u32 v1, $0x7F;
	v2 =	vmin.u32 v2, $0x7F  }
0x20e: {  	v3 =	vnsel vm15, $0x0, v3;
	v1 =	vshll.u32 v1, $0x10;
	v2 =	vshll.u32 v2, $0x9;
	v63, _, _ =	vpop (xrf0)  }
0x20f: {  	[tilespmem:s21+$0x13010] =	vst v4;
	v1 =	vor.u32 v1, v2;
	v2 =	vmin.u32 v3, $0x7F;
	v3 =	vadd.s32 v63, v5  }
0x210: {  	v1 =	vor.u32 v2, v1;
	[tilespmem:s21+$0x14010] =	vst v3  }
0x211: {  	[tilespmem:s12+$0x15000] =	vst.msk vm0, v1;
	v1 =	vmpcnt.ones.xlane vm0;
	_ =	sdelay $0x1  }
0x212: {  	(v2sf) =	vpush v1, $0x0;
	_ =	sdelay $0x5  }
0x213: {  	s9 =	simm.s32 $0x80;
	s4 =	simm.s32 $0x20  }
0x214: {  	s11 =	sand.u32 $0x3E00, s9;
	s29 =	sand.u32 $0x60, s4  }
0x215: {  	s1 =	sor.u32 s29, s11  }
0x216: {  	v3 =	vld [tilespmem:s1+$0x80]  }
0x217: {  	v2 =	vld [tilespmem:s1+$0x100]  }
0x218: {  	s3 =	simm.s32 $0x40;
	v1 =	vld [tilespmem:s1+$0x0]  }
.LBB2_24:
0x219: {  	p0 =	sne.s32 s3, $0xFE0;
	s21 =	smov.u32 s3;
	s3 =	sadd.s32 $0x20, s3  }
0x21a: {  	_ = 	snop  }
0x21b: {  	v4 =	vand.u32 $0x7FFFFFFF, v3;
	v3 =	vmul.f32 $1.280000000e+02, v3  }
0x21c: {  	v5 =	vand.u32 $0x7FFFFFFF, v2;
	v2 =	vmul.f32 $1.280000000e+02, v2;
	s1 =	spop (v2sf)  }
0x21d: {  	v6 =	vand.u32 $0x7FFFFFFF, v1;
	v1 =	vmul.f32 $1.280000000e+02, v1;
	v3 =	vadd.f32 $6.400000000e+01, v3;
	s12 =	sadd.s32 s12, s1  }
0x21e: {  	vm1 =	vlt.f32 v4, $5.000000000e-01;
	vm0 =	vlt.f32 v6, $5.000000000e-01;
	v2 =	vadd.f32 $6.400000000e+01, v2  }
0x21f: {  	vm0 =	vmand vm0, vm1;
	vm1 =	vlt.f32 v5, $5.000000000e-01;
	v1 =	vadd.f32 $6.400000000e+01, v1  }
0x220: {  	v3 =	vtrunc.f32 v3;
	vm0 =	vmand vm0, vm1;
	v2 =	vtrunc.f32 v2  }
0x221: {  	v3 =	vcvt.f32.s32 v3;
	v4 =	vsel vm0, $0x1, v0;
	v1 =	vtrunc.f32 v1  }
0x222: {  	v5 =	vmov s12;
	v2 =	vcvt.f32.s32 v2;
	v1 =	vcvt.f32.s32 v1;
	(xrf0) =	vadd.scan.msk.s32 $0xffff, v4  }
0x223: {  	vm1 =	vgt.s32 v3, $0x0;
	v4 =	vadd.s32 $0xFFFFFFFF, v5;
	v5 =	vmpcnt.ones.xlane vm0  }
0x224: {  	v3 =	vnsel vm1, $0x0, v3;
	vm1 =	vgt.s32 v2, $0x0;
	vm2 =	vgt.s32 v1, $0x0  }
0x225: {  	v3 =	vmin.u32 v3, $0x7F;
	v2 =	vnsel vm1, $0x0, v2;
	v1 =	vnsel vm2, $0x0, v1  }
0x226: {  	v6 =	vsel vm0, $0x3F800000, v0;
	v1 =	vmin.u32 v1, $0x7F;
	(v2sf) =	vpush v5, $0x0  }
0x227: {  	v4 =	vbroadcast v4, $0x0;
	v1 =	vshll.u32 v1, $0x10  }
0x228: {  	s20 =	sshra.s32 s9, $0x2;
	v3 =	vshll.u32 v3, $0x9;
	v5, _, _ =	vpop (xrf0)  }
0x229: {  	s1 =	sadd.s32 $0x10, s4;
	s4 =	smov.u32 s21;
	v2 =	vmin.u32 v2, $0x7F;
	v1 =	vor.u32 v1, v3;
	[tilespmem:s20+$0x13000] =	vst v6;
	v3 =	vadd.s32 v5, v4  }
0x22a: {  	s1 =	sand.u32 $0x70, s1;
	v1 =	vor.u32 v2, v1;
	[tilespmem:s20+$0x14000] =	vst v3  }
0x22b: {  	s1 =	sor.u32 s1, s11;
	[tilespmem:s12+$0x15000] =	vst.msk vm0, v1  }
0x22c: {  	v1 =	vld [tilespmem:s1+$0x0]  }
0x22d: {  	v2 =	vld [tilespmem:s1+$0x80]  }
0x22e: {  	v3 =	vld [tilespmem:s1+$0x100];
	_ =	sdelay $0x2  }
0x22f: {  	v4 =	vand.u32 $0x7FFFFFFF, v1;
	v1 =	vmul.f32 $1.280000000e+02, v1  }
0x230: {  	v5 =	vand.u32 $0x7FFFFFFF, v2;
	v2 =	vmul.f32 $1.280000000e+02, v2  }
0x231: {  	vm0 =	vlt.f32 v4, $5.000000000e-01;
	vm1 =	vlt.f32 v5, $5.000000000e-01;
	v1 =	vadd.f32 $6.400000000e+01, v1  }
0x232: {  	v4 =	vand.u32 $0x7FFFFFFF, v3;
	vm0 =	vmand vm0, vm1;
	v2 =	vadd.f32 $6.400000000e+01, v2  }
0x233: {  	v3 =	vmul.f32 $1.280000000e+02, v3;
	vm1 =	vlt.f32 v4, $5.000000000e-01;
	v1 =	vtrunc.f32 v1;
	s1 =	spop (v2sf)  }
0x234: {  	vm0 =	vmand vm0, vm1;
	v1 =	vcvt.f32.s32 v1;
	v2 =	vtrunc.f32 v2  }
0x235: {  	v4 =	vsel vm0, $0x1, v0;
	v5 =	vmpcnt.ones.xlane vm0;
	v2 =	vcvt.f32.s32 v2  }
0x236: {  	v3 =	vadd.f32 $6.400000000e+01, v3;
	v6 =	vsel vm0, $0x3F800000, v0;
	vm1 =	vgt.s32 v1, $0x0;
	(xrf0) =	vadd.scan.msk.s32 $0xffff, v4  }
0x237: {  	v1 =	vnsel vm1, $0x0, v1;
	vm1 =	vgt.s32 v2, $0x0;
	[tilespmem:s20+$0x13010] =	vst v6;
	(v2sf) =	vpush v5, $0x0  }
0x238: {  	s12 =	sadd.s32 s12, s1;
	v3 =	vtrunc.f32 v3;
	v1 =	vmin.u32 v1, $0x7F;
	v2 =	vnsel vm1, $0x0, v2  }
0x239: {  	v3 =	vcvt.f32.s32 v3;
	v4 =	vmov s12;
	v2 =	vmin.u32 v2, $0x7F  }
0x23a: {  	v5 =	vadd.s32 $0xFFFFFFFF, v4;
	v1 =	vshll.u32 v1, $0x10;
	v2 =	vshll.u32 v2, $0x9  }
0x23b: {  	vm1 =	vgt.s32 v3, $0x0;
	v1 =	vor.u32 v1, v2;
	v2 =	vbroadcast v5, $0x0  }
0x23c: {  	v3 =	vnsel vm1, $0x0, v3;
	v4, _, _ =	vpop (xrf0)  }
0x23d: {  	s9 =	sadd.s32 $0x80, s9;
	v3 =	vmin.u32 v3, $0x7F;
	v2 =	vadd.s32 v4, v2  }
.Ltmp13:
0x23e: {  	s11 =	sand.u32 $0x3E00, s9;
	s1 =	sand.u32 $0x60, s4;
	v1 =	vor.u32 v3, v1;
	[tilespmem:s20+$0x14010] =	vst v2;
	(pc) =	sbr.rel @p0 .LBB2_24-.Ltmp13, $4  }
0x23f: {  	s1 =	sor.u32 s1, s11;
	[tilespmem:s12+$0x15000] =	vst.msk vm0, v1  }
0x240: {  	v3 =	vld [tilespmem:s1+$0x80]  }
0x241: {  	v2 =	vld [tilespmem:s1+$0x100]  }
0x242: {  	v1 =	vld [tilespmem:s1+$0x0]  }
0x243: {  	_ =	sdelay $0x2  }
0x244: {  	v4 =	vand.u32 $0x7FFFFFFF, v3  }
0x245: {  	v3 =	vmul.f32 $1.280000000e+02, v3;
	v5 =	vand.u32 $0x7FFFFFFF, v2;
	v6 =	vand.u32 $0x7FFFFFFF, v1  }
0x246: {  	vm1 =	vlt.f32 v4, $5.000000000e-01;
	v1 =	vmul.f32 $1.280000000e+02, v1;
	vm0 =	vlt.f32 v6, $5.000000000e-01  }
0x247: {  	v2 =	vmul.f32 $1.280000000e+02, v2;
	vm7 =	vlt.f32 v5, $5.000000000e-01;
	vm0 =	vmand vm0, vm1  }
0x248: {  	s1 =	spop (v2sf);
	v3 =	vadd.f32 $6.400000000e+01, v3;
	v1 =	vadd.f32 $6.400000000e+01, v1;
	vm0 =	vmand vm0, vm7  }
0x249: {  	s1 =	sadd.s32 s12, s1;
	v2 =	vadd.f32 $6.400000000e+01, v2;
	v51 =	vsel vm0, $0x1, v0  }
0x24a: {  	v52 =	vmov s1;
	v3 =	vtrunc.f32 v3;
	v1 =	vtrunc.f32 v1;
	(xrf0) =	vadd.scan.msk.s32 $0xffff, v51  }
0x24b: {  	v4 =	vadd.s32 $0xFFFFFFFF, v52;
	v3 =	vcvt.f32.s32 v3;
	v1 =	vcvt.f32.s32 v1  }
0x24c: {  	v2 =	vtrunc.f32 v2;
	v4 =	vbroadcast v4, $0x0  }
0x24d: {  	v2 =	vcvt.f32.s32 v2;
	vm8 =	vgt.s32 v3, $0x0;
	vm2 =	vgt.s32 v1, $0x0  }
0x24e: {  	v53 =	vsel vm0, $0x3F800000, v0;
	v3 =	vnsel vm8, $0x0, v3;
	v1 =	vnsel vm2, $0x0, v1  }
0x24f: {  	vm9 =	vgt.s32 v2, $0x0;
	v3 =	vmin.u32 v3, $0x7F;
	v1 =	vmin.u32 v1, $0x7F  }
0x250: {  	s3 =	sshra.s32 s9, $0x2;
	v2 =	vnsel vm9, $0x0, v2;
	v3 =	vshll.u32 v3, $0x9;
	v1 =	vshll.u32 v1, $0x10;
	v54, _, _ =	vpop (xrf0)  }
0x251: {  	s4 =	sadd.s32 $0x10, s4;
	[tilespmem:s3+$0x13000] =	vst v53;
	v2 =	vmin.u32 v2, $0x7F;
	v1 =	vor.u32 v1, v3;
	v3 =	vadd.s32 v54, v4  }
0x252: {  	s4 =	sand.u32 $0x70, s4;
	v1 =	vor.u32 v2, v1;
	[tilespmem:s3+$0x14000] =	vst v3  }
0x253: {  	s4 =	sor.u32 s4, s11;
	[tilespmem:s1+$0x15000] =	vst.msk vm0, v1  }
0x254: {  	v1 =	vld [tilespmem:s4+$0x0]  }
0x255: {  	v2 =	vld [tilespmem:s4+$0x80]  }
0x256: {  	v3 =	vld [tilespmem:s4+$0x100];
	_ =	sdelay $0x3  }
0x257: {  	v56 =	vand.u32 $0x7FFFFFFF, v1;
	v57 =	vand.u32 $0x7FFFFFFF, v2  }
0x258: {  	v58 =	vand.u32 $0x7FFFFFFF, v3;
	vm10 =	vlt.f32 v56, $5.000000000e-01;
	vm11 =	vlt.f32 v57, $5.000000000e-01  }
0x259: {  	v55 =	vmpcnt.ones.xlane vm0;
	vm12 =	vlt.f32 v58, $5.000000000e-01;
	vm0 =	vmand vm10, vm11  }
0x25a: {  	vm0 =	vmand vm0, vm12  }
0x25b: {  	v59 =	vmpcnt.ones.xlane vm0  }
0x25c: {  	(v2sf) =	vpush v55, $0x0  }
0x25d: {  	(v2sf) =	vpush v59, $0x0;
	_ =	sdelay $0xa  }
0x25e: {  	v1 =	vmul.f32 $1.280000000e+02, v1;
	v2 =	vmul.f32 $1.280000000e+02, v2;
	_ =	sdelay $0x1  }
0x25f: {  	v3 =	vmul.f32 $1.280000000e+02, v3;
	v1 =	vadd.f32 $6.400000000e+01, v1;
	v2 =	vadd.f32 $6.400000000e+01, v2  }
0x260: {  	s28 =	spop (v2sf);
	v60 =	vsel vm0, $0x1, v0  }
0x261: {  	v3 =	vadd.f32 $6.400000000e+01, v3;
	s1 =	sadd.s32 s1, s28;
	v1 =	vtrunc.f32 v1;
	v2 =	vtrunc.f32 v2;
	(xrf0) =	vadd.scan.msk.s32 $0xffff, v60;
	s29 =	spop (v2sf)  }
0x262: {  	v62 =	vmov s1;
	v1 =	vcvt.f32.s32 v1;
	v2 =	vcvt.f32.s32 v2;
	s4 =	sadd.s32 s1, s29  }
0x263: {  	v61 =	vsel vm0, $0x3F800000, v0;
	v3 =	vtrunc.f32 v3;
	v5 =	vadd.s32 $0xFFFFFFFF, v62;
	s4 =	sadd.s32 $0x7F, s4  }
0x264: {  	v3 =	vcvt.f32.s32 v3;
	vm13 =	vgt.s32 v1, $0x0;
	vm14 =	vgt.s32 v2, $0x0;
	s4 =	sshra.s32 s4, $0x7  }
0x265: {  	v5 =	vbroadcast v5, $0x0;
	v1 =	vnsel vm13, $0x0, v1;
	v2 =	vnsel vm14, $0x0, v2;
	p0 =	slt.s32 s4, $0x1  }
.Ltmp14:
0x266: {  	vm15 =	vgt.s32 v3, $0x0;
	v1 =	vmin.u32 v1, $0x7F;
	v2 =	vmin.u32 v2, $0x7F;
	(pc) =	sbr.rel @p0 .LBB2_34-.Ltmp14, $4  }
0x267: {  	v3 =	vnsel vm15, $0x0, v3;
	v1 =	vshll.u32 v1, $0x10;
	v2 =	vshll.u32 v2, $0x9;
	v63, _, _ =	vpop (xrf0)  }
0x268: {  	[tilespmem:s3+$0x13010] =	vst v61;
	v1 =	vor.u32 v1, v2;
	v2 =	vmin.u32 v3, $0x7F;
	v3 =	vadd.s32 v63, v5  }
0x269: {  	v1 =	vor.u32 v2, v1;
	[tilespmem:s3+$0x14010] =	vst v3  }
0x26a: {  	[tilespmem:s1+$0x15000] =	vst.msk vm0, v1  }
0x26b: {  	s1 =	sshll.u32 s4, $0x3  }
0x26c: {  	p1 =	seq.s32 s1, $0x1  }
.Ltmp15:
0x26d: {  	_ = 	snop;
	(pc) =	sbr.rel @p1 .LBB2_27-.Ltmp15, $3  }
0x26e: {  	_ =	sdelay $0x1  }
0x26f: {  	s12 =	simm.s32 $0x15000;
	s11 =	simm.s32 $0x16000;
	s9 =	simm.s32 $0x17000  }
0x270: {  	s3 =	simm.s32 $0x18000;
	p0 =	por $0x0, $0x0;
	v1 =	vld [tilespmem:s12+$0x0];
	s1 =	sadd.s32 $0xFFFFFFFF, s1  }
0x271: {  	_ =	sdelay $0x3  }
0x272: {  	v2 =	vadd.s32 $0x80, v1  }
0x273: {  	p1 =	seq.s32 s1, $0x1;
	[tilespmem:s11+$0x0] =	vst v2;
	v2 =	vadd.s32 $0x100, v1  }
.Ltmp16:
0x274: {  	v1 =	vadd.s32 $0x180, v1;
	[tilespmem:s9+$0x0] =	vst v2;
	(pc) =	sbr.rel @p1 .LBB2_29-.Ltmp16, $4  }
0x275: {  	s5 =	simm.s32 $0x15010;
	[tilespmem:s3+$0x0] =	vst v1  }
0x276: {  	v1 =	vld [tilespmem:s5+$0x0]  }
0x277: {  	s6 =	sadd.s32 $0xFFFFFFFF, s1;
	p0 =	por $0x1, $0x1  }
0x278: {  	s1 =	simm.s32 $0x16000;
	s21 =	simm.s32 $0x17000;
	s20 =	simm.s32 $0x18000  }
.LBB2_30:
0x279: {  	p1 =	seq.s32 s6, $0x1;
	_ =	sdelay $0x1  }
0x27a: {  	s1 =	sadd.s32 $0x10, s1;
	v2 =	vadd.s32 $0x80, v1  }
0x27b: {  	s21 =	sadd.s32 $0x10, s21;
	[tilespmem:s1+$0x0] =	vst v2;
	v2 =	vadd.s32 $0x100, v1  }
.Ltmp17:
0x27c: {  	s20 =	sadd.s32 $0x10, s20;
	v1 =	vadd.s32 $0x180, v1;
	[tilespmem:s21+$0x0] =	vst v2;
	(pc) =	sbr.rel @!p1 .LBB2_30-.Ltmp17, $3  }
0x27d: {  	s5 =	sadd.s32 $0x10, s5;
	[tilespmem:s20+$0x0] =	vst v1  }
0x27e: {  	v1 =	vld [tilespmem:s5+$0x0];
	_ =	sdelay $0x1  }
0x27f: {  	s6 =	sadd.s32 $0xFFFFFFFF, s6  }
.LBB2_31:
0x280: {  	_ = 	snop  }
0x281: {  	s1 =	sadd.s32 @p0 $0x10, s1;
	s5 =	simm.s32 $0x16000;
	s6 =	simm.s32 $0x17000  }
0x282: {  	s28 =	simm.s32 $0x1A000;
	s5 =	smov.u32 @p0 s1;
	s1 =	sadd.s32 @p0 $0x10, s21;
	v2 =	vadd.s32 $0x80, v1  }
0x283: {  	s6 =	smov.u32 @p0 s1;
	s1 =	sadd.s32 @p0 $0x10, s20;
	[tilespmem:s5+$0x0] =	vst v2;
	v2 =	vadd.s32 $0x100, v1;
	s5 =	simm.s32 $0x18000  }
0x284: {  	s29 =	simm.s32 $0x1B000;
	s8 =	simm.s32 $0x17080;
	v1 =	vadd.s32 $0x180, v1;
	[tilespmem:s6+$0x0] =	vst v2;
	s5 =	smov.u32 @p0 s1  }
0x285: {  	s7 =	simm.s32 $0x19080;
	s21 =	simm.s32 $0x19000;
	p0 =	seq.s32 s4, $0x1;
	[tilespmem:s5+$0x0] =	vst v1  }
0x286: {  	[tilespmem:s21], [sflag:$0x2] =	stream.indirect.gather [hbm4b:s2+s14], $0x1, s12, s14, $0xb8;
	[tilespmem:$0x1D000] =	vst v63  }
.Ltmp18:
0x287: {  	s20 =	simm.s32 $0x1C000;
	s1 =	simm.s32 $0x16080;
	(pc) =	sbr.rel @p0 .LBB2_33-.Ltmp18, $4  }
0x288: {  	[tilespmem:s28], [sflag:$0x2] =	stream.indirect.gather [hbm4b:s2+s14], $0x1, s11, s14, $0xb8;
	[tilespmem:$0x1D000] =	vst v63  }
0x289: {  	s6 =	simm.s32 $0x15080;
	s5 =	simm.s32 $0x1A080;
	s12 =	simm.s32 $0x1C080  }
0x28a: {  	[tilespmem:s29], [sflag:$0x2] =	stream.indirect.gather [hbm4b:s2+s14], $0x1, s9, s14, $0xb8;
	[tilespmem:$0x1D000] =	vst v63  }
0x28b: {  	s21 =	simm.s32 $0x18080;
	s11 =	sadd.s32 $0xFFFFFFFF, s4;
	s9 =	simm.s32 $0x1B080  }
.LBB2_32:
0x28c: {  	[tilespmem:s20], [sflag:$0x2] =	stream.indirect.gather [hbm4b:s2+s14], $0x1, s3, s14, $0xb8;
	[tilespmem:$0x1D000] =	vst v63  }
0x28d: {  	s20 =	smov.u32 s12;
	s3 =	smov.u32 s21;
	s28 =	smov.u32 s9  }
0x28e: {  	p0 =	seq.s32 s11, $0x1;
	s11 =	sadd.s32 $0xFFFFFFFF, s11;
	s29 =	smov.u32 s8  }
0x28f: {  	[tilespmem:s7], [sflag:$0x2] =	stream.indirect.gather [hbm4b:s2+s14], $0x1, s6, s14, $0xb8;
	[tilespmem:$0x1D000] =	vst v63  }
.Ltmp19:
0x290: {  	s12 =	sadd.s32 $0x80, s12;
	s21 =	sadd.s32 $0x80, s21;
	(pc) =	sbr.rel @!p0 .LBB2_32-.Ltmp19, $4  }
0x291: {  	[tilespmem:s5], [sflag:$0x2] =	stream.indirect.gather [hbm4b:s2+s14], $0x1, s1, s14, $0xb8;
	[tilespmem:$0x1D000] =	vst v63  }
0x292: {  	s9 =	sadd.s32 $0x80, s9;
	s8 =	sadd.s32 $0x80, s8;
	s1 =	sadd.s32 $0x80, s1  }
0x293: {  	[tilespmem:s28], [sflag:$0x2] =	stream.indirect.gather [hbm4b:s2+s14], $0x1, s29, s14, $0xb8;
	[tilespmem:$0x1D000] =	vst v63  }
0x294: {  	s7 =	sadd.s32 $0x80, s7;
	s6 =	sadd.s32 $0x80, s6;
	s5 =	sadd.s32 $0x80, s5  }
.LBB2_33:
0x295: {  	[tilespmem:s20], [sflag:$0x2] =	stream.indirect.gather [hbm4b:s2+s14], $0x1, s3, s14, $0xb8;
	[tilespmem:$0x1D000] =	vst v63  }
.LBB2_34:
0x296: {  	p0 =	sgt.s32 s10, $0x0  }
.Ltmp20:
0x297: {  	_ = 	snop;
	(pc) =	sbr.rel @!p0 .LBB2_38-.Ltmp20, $1  }
0x298: {  	_ =	sdelay $0x3  }
0x299: {  	_ =	swait.ge [sflag:s15], $0x80  }
0x29a: {  	[sflag:s15] =	ssyncset.done $0x0  }
0x29b: {  	[sflag:s15] =	ssyncadd.s32 $0xFFFFFF80  }
0x29c: {  	_ =	swait.ge [sflag:s15], $0x80  }
0x29d: {  	[sflag:s15] =	ssyncset.done $0x0  }
0x29e: {  	p0 =	sne.s32 s10, $0x1;
	[sflag:s15] =	ssyncadd.s32 $0xFFFFFF80  }
.Ltmp21:
0x29f: {  	_ =	swait.ge [sflag:s15], $0x80;
	(pc) =	sbr.rel @!p0 .LBB2_37-.Ltmp21, $4  }
0x2a0: {  	[sflag:s15] =	ssyncset.done $0x0  }
0x2a1: {  	[sflag:s15] =	ssyncadd.s32 $0xFFFFFF80  }
0x2a2: {  	_ =	swait.ge [sflag:s15], $0x80  }
0x2a3: {  	s1 =	sadd.s32 $0xFFFFFFFF, s10;
	[sflag:s15] =	ssyncset.done $0x0  }
.LBB2_36:
0x2a4: {  	p0 =	sne.s32 s1, $0x1;
	s1 =	sadd.s32 $0xFFFFFFFF, s1;
	[sflag:s15] =	ssyncadd.s32 $0xFFFFFF80  }
0x2a5: {  	_ =	swait.ge [sflag:s15], $0x80  }
0x2a6: {  	[sflag:s15] =	ssyncset.done $0x0  }
0x2a7: {  	[sflag:s15] =	ssyncadd.s32 $0xFFFFFF80  }
0x2a8: {  	_ =	swait.ge [sflag:s15], $0x80  }
0x2a9: {  	[sflag:s15] =	ssyncset.done $0x0  }
0x2aa: {  	[sflag:s15] =	ssyncadd.s32 $0xFFFFFF80  }
.Ltmp22:
0x2ab: {  	_ =	swait.ge [sflag:s15], $0x80;
	(pc) =	sbr.rel @p0 .LBB2_36-.Ltmp22, $4  }
0x2ac: {  	[sflag:s15] =	ssyncset.done $0x0  }
0x2ad: {  	[sflag:s15] =	ssyncadd.s32 $0xFFFFFF80  }
0x2ae: {  	_ =	swait.ge [sflag:s15], $0x80  }
0x2af: {  	[sflag:s15] =	ssyncset.done $0x0  }
.LBB2_37:
0x2b0: {  	[sflag:s15] =	ssyncadd.s32 $0xFFFFFF80  }
.LBB2_38:
0x2b1: {  	s10 =	simm.s32 $0x0  }
0x2b2: {  	v1 =	vld [tilespmem:s10+$0x9000];
	_ =	sdelay $0x2  }
0x2b3: {  	v2 =	vld [tilespmem:s10+$0xA000];
	_ =	sdelay $0x1  }
0x2b4: {  	vm1 =	vgt.f32 v1, $5.000000000e-01;
	_ =	sdelay $0x5  }
0x2b5: {  	v1 =	vld.idx.msk [tilespmem:v2+s16+$0x0], vm1;
	_ =	sdelay $0x4  }
0x2b6: {  	v1 =	vsub.f32 $0.0e+00, v1;
	_ =	sdelay $0x1  }
0x2b7: {  	v1 =	vmul.f32 $1.442695020e+00, v1;
	_ =	sdelay $0x1  }
0x2b8: {  	v1 =	vnsel vm1, $0x0, v1  }
0x2b9: {  	(erf) = vpow2.f32 v1;
	_ =	sdelay $0x8  }
0x2ba: {  	v1 =	vpop (erf)  }
0x2bb: {  	v1 =	vadd.f32 $1.000000000e+00, v1;
	_ =	sdelay $0x1  }
0x2bc: {  	(erf) = vrcp.f32 v1;
	_ =	sdelay $0x5  }
0x2bd: {  	s1 =	simm.s32 $0x0  }
0x2be: {  	s3 =	sand.u32 $0x3E00, s1  }
0x2bf: {  	s1 =	sand.u32 $0x60, s1;
	s3 =	sor.u32 $0x4000, s3  }
0x2c0: {  	s1 =	sor.u32 s1, s3;
	v1 =	vpop (erf)  }
0x2c1: {  	[tilespmem:s1+$0x0] =	vst v1  }
0x2c2: {  	v1 =	vld.idx.msk [tilespmem:v2+s17+$0x0], vm1;
	_ =	sdelay $0x4  }
0x2c3: {  	v1 =	vsub.f32 $0.0e+00, v1;
	_ =	sdelay $0x1  }
0x2c4: {  	v1 =	vmul.f32 $1.442695020e+00, v1;
	_ =	sdelay $0x1  }
0x2c5: {  	v1 =	vnsel vm1, $0x0, v1  }
0x2c6: {  	(erf) = vpow2.f32 v1;
	_ =	sdelay $0x8  }
0x2c7: {  	v1 =	vpop (erf)  }
0x2c8: {  	v1 =	vadd.f32 $1.000000000e+00, v1;
	_ =	sdelay $0x1  }
0x2c9: {  	(erf) = vrcp.f32 v1;
	_ =	sdelay $0x8  }
0x2ca: {  	v1 =	vpop (erf)  }
0x2cb: {  	[tilespmem:s1+$0x80] =	vst v1  }
0x2cc: {  	v1 =	vld.idx.msk [tilespmem:v2+s18+$0x0], vm1;
	_ =	sdelay $0x4  }
0x2cd: {  	v1 =	vsub.f32 $0.0e+00, v1;
	_ =	sdelay $0x1  }
0x2ce: {  	v1 =	vmul.f32 $1.442695020e+00, v1;
	_ =	sdelay $0x1  }
0x2cf: {  	v1 =	vnsel vm1, $0x0, v1  }
0x2d0: {  	(erf) = vpow2.f32 v1;
	_ =	sdelay $0x8  }
0x2d1: {  	v1 =	vpop (erf)  }
0x2d2: {  	v1 =	vadd.f32 $1.000000000e+00, v1;
	_ =	sdelay $0x1  }
0x2d3: {  	(erf) = vrcp.f32 v1;
	_ =	sdelay $0x8  }
0x2d4: {  	v1 =	vpop (erf)  }
0x2d5: {  	[tilespmem:s1+$0x100] =	vst v1  }
0x2d6: {  	v1 =	vld [tilespmem:s10+$0x9010];
	_ =	sdelay $0x1  }
0x2d7: {  	v2 =	vld.idx.msk [tilespmem:v2+s19+$0x0], vm1  }
0x2d8: {  	v3 =	vld [tilespmem:s10+$0xA010];
	_ =	sdelay $0x1  }
0x2d9: {  	vm0 =	vgt.f32 v1, $5.000000000e-01;
	_ =	sdelay $0x2  }
0x2da: {  	v1 =	vmax.f32 v2, $0.0e+00  }
0x2db: {  	v1 =	vnsel vm1, $0x0, v1  }
0x2dc: {  	[tilespmem:s10+$0x8000] =	vst v1  }
0x2dd: {  	v1 =	vld.idx.msk [tilespmem:v3+s16+$0x0], vm0;
	_ =	sdelay $0x4  }
0x2de: {  	v1 =	vsub.f32 $0.0e+00, v1;
	_ =	sdelay $0x1  }
0x2df: {  	v1 =	vmul.f32 $1.442695020e+00, v1;
	_ =	sdelay $0x1  }
0x2e0: {  	v1 =	vnsel vm0, $0x0, v1  }
0x2e1: {  	(erf) = vpow2.f32 v1;
	_ =	sdelay $0x8  }
0x2e2: {  	v1 =	vpop (erf)  }
0x2e3: {  	v1 =	vadd.f32 $1.000000000e+00, v1;
	_ =	sdelay $0x1  }
0x2e4: {  	(erf) = vrcp.f32 v1;
	_ =	sdelay $0x6  }
0x2e5: {  	s29 =	simm.s32 $0x10  }
0x2e6: {  	s1 =	sand.u32 $0x70, s29  }
0x2e7: {  	s1 =	sor.u32 s1, s3;
	v1 =	vpop (erf)  }
0x2e8: {  	[tilespmem:s1+$0x0] =	vst v1  }
0x2e9: {  	v1 =	vld.idx.msk [tilespmem:v3+s17+$0x0], vm0;
	_ =	sdelay $0x4  }
0x2ea: {  	v1 =	vsub.f32 $0.0e+00, v1;
	_ =	sdelay $0x1  }
0x2eb: {  	v1 =	vmul.f32 $1.442695020e+00, v1;
	_ =	sdelay $0x1  }
0x2ec: {  	v1 =	vnsel vm0, $0x0, v1  }
0x2ed: {  	(erf) = vpow2.f32 v1;
	_ =	sdelay $0x8  }
0x2ee: {  	v1 =	vpop (erf)  }
0x2ef: {  	v1 =	vadd.f32 $1.000000000e+00, v1;
	_ =	sdelay $0x1  }
0x2f0: {  	(erf) = vrcp.f32 v1;
	_ =	sdelay $0x8  }
0x2f1: {  	v1 =	vpop (erf)  }
0x2f2: {  	[tilespmem:s1+$0x80] =	vst v1  }
0x2f3: {  	v1 =	vld.idx.msk [tilespmem:v3+s18+$0x0], vm0;
	_ =	sdelay $0x4  }
0x2f4: {  	v1 =	vsub.f32 $0.0e+00, v1;
	_ =	sdelay $0x1  }
0x2f5: {  	v1 =	vmul.f32 $1.442695020e+00, v1;
	_ =	sdelay $0x1  }
0x2f6: {  	v1 =	vnsel vm0, $0x0, v1  }
0x2f7: {  	(erf) = vpow2.f32 v1;
	_ =	sdelay $0x8  }
0x2f8: {  	v1 =	vpop (erf)  }
0x2f9: {  	v1 =	vadd.f32 $1.000000000e+00, v1;
	_ =	sdelay $0x1  }
0x2fa: {  	(erf) = vrcp.f32 v1;
	_ =	sdelay $0x8  }
0x2fb: {  	v1 =	vpop (erf)  }
0x2fc: {  	s20 =	simm.s32 $0x20;
	[tilespmem:s1+$0x100] =	vst v1  }
0x2fd: {  	v2 =	vld [tilespmem:s20+$0x9000];
	_ =	sdelay $0x1  }
0x2fe: {  	v3 =	vld.idx.msk [tilespmem:v3+s19+$0x0], vm0  }
0x2ff: {  	v1 =	vld [tilespmem:s20+$0xA000];
	_ =	sdelay $0x1  }
0x300: {  	vm1 =	vgt.f32 v2, $5.000000000e-01;
	_ =	sdelay $0x1  }
0x301: {  	s11 =	simm.s32 $0x20;
	s9 =	simm.s32 $0x40;
	s12 =	simm.s32 $0x80;
	v2 =	vmax.f32 v3, $0.0e+00  }
.LBB2_39:
0x302: {  	p0 =	sne.s32 s9, $0xFE0;
	v2 =	vnsel vm0, $0x0, v2;
	s3 =	smov.u32 s9;
	s9 =	sadd.s32 $0x20, s9  }
0x303: {  	[tilespmem:s10+$0x8010] =	vst v2;
	s10 =	smov.u32 s20;
	_ =	sdelay $0x1  }
0x304: {  	v2 =	vld.idx.msk [tilespmem:v1+s16+$0x0], vm1;
	_ =	sdelay $0x5  }
0x305: {  	v2 =	vsub.f32 $0.0e+00, v2;
	_ =	sdelay $0x1  }
0x306: {  	v2 =	vmul.f32 $1.442695020e+00, v2;
	_ =	sdelay $0x1  }
0x307: {  	v2 =	vnsel vm1, $0x0, v2  }
0x308: {  	(erf) = vpow2.f32 v2;
	_ =	sdelay $0x8  }
0x309: {  	v2 =	vpop (erf)  }
0x30a: {  	v2 =	vadd.f32 $1.000000000e+00, v2;
	_ =	sdelay $0x1  }
0x30b: {  	(erf) = vrcp.f32 v2;
	_ =	sdelay $0x6  }
0x30c: {  	s1 =	sand.u32 $0x3E00, s12  }
0x30d: {  	s5 =	sand.u32 $0x60, s11;
	s20 =	sor.u32 $0x4000, s1  }
0x30e: {  	s21 =	sor.u32 s5, s20;
	v2 =	vpop (erf)  }
0x30f: {  	[tilespmem:s21+$0x0] =	vst v2  }
0x310: {  	v2 =	vld.idx.msk [tilespmem:v1+s17+$0x0], vm1;
	_ =	sdelay $0x5  }
0x311: {  	v2 =	vsub.f32 $0.0e+00, v2;
	_ =	sdelay $0x1  }
0x312: {  	v2 =	vmul.f32 $1.442695020e+00, v2;
	_ =	sdelay $0x1  }
0x313: {  	v2 =	vnsel vm1, $0x0, v2  }
0x314: {  	(erf) = vpow2.f32 v2;
	_ =	sdelay $0x8  }
0x315: {  	v2 =	vpop (erf)  }
0x316: {  	v2 =	vadd.f32 $1.000000000e+00, v2;
	_ =	sdelay $0x1  }
0x317: {  	(erf) = vrcp.f32 v2;
	_ =	sdelay $0x8  }
0x318: {  	v2 =	vpop (erf)  }
0x319: {  	[tilespmem:s21+$0x80] =	vst v2  }
0x31a: {  	v2 =	vld.idx.msk [tilespmem:v1+s18+$0x0], vm1;
	_ =	sdelay $0x5  }
0x31b: {  	v2 =	vsub.f32 $0.0e+00, v2;
	_ =	sdelay $0x1  }
0x31c: {  	v2 =	vmul.f32 $1.442695020e+00, v2;
	_ =	sdelay $0x1  }
0x31d: {  	v2 =	vnsel vm1, $0x0, v2  }
0x31e: {  	(erf) = vpow2.f32 v2;
	_ =	sdelay $0x8  }
0x31f: {  	v2 =	vpop (erf)  }
0x320: {  	v2 =	vadd.f32 $1.000000000e+00, v2;
	_ =	sdelay $0x1  }
0x321: {  	(erf) = vrcp.f32 v2;
	_ =	sdelay $0x8  }
0x322: {  	v2 =	vpop (erf)  }
0x323: {  	[tilespmem:s21+$0x100] =	vst v2  }
0x324: {  	v2 =	vld [tilespmem:s10+$0x9010];
	_ =	sdelay $0x1  }
0x325: {  	v3 =	vld.idx.msk [tilespmem:v1+s19+$0x0], vm1  }
0x326: {  	v1 =	vld [tilespmem:s10+$0xA010];
	_ =	sdelay $0x1  }
0x327: {  	vm0 =	vgt.f32 v2, $5.000000000e-01;
	_ =	sdelay $0x2  }
0x328: {  	v2 =	vmax.f32 v3, $0.0e+00  }
0x329: {  	v2 =	vnsel vm1, $0x0, v2  }
0x32a: {  	[tilespmem:s10+$0x8000] =	vst v2  }
0x32b: {  	v2 =	vld.idx.msk [tilespmem:v1+s16+$0x0], vm0;
	_ =	sdelay $0x5  }
0x32c: {  	v2 =	vsub.f32 $0.0e+00, v2;
	_ =	sdelay $0x1  }
0x32d: {  	v2 =	vmul.f32 $1.442695020e+00, v2;
	_ =	sdelay $0x1  }
0x32e: {  	v2 =	vnsel vm0, $0x0, v2  }
0x32f: {  	(erf) = vpow2.f32 v2;
	_ =	sdelay $0x8  }
0x330: {  	v2 =	vpop (erf)  }
0x331: {  	v2 =	vadd.f32 $1.000000000e+00, v2;
	_ =	sdelay $0x1  }
0x332: {  	(erf) = vrcp.f32 v2;
	_ =	sdelay $0x6  }
0x333: {  	s1 =	sadd.s32 $0x10, s11;
	s11 =	smov.u32 s3  }
0x334: {  	s1 =	sand.u32 $0x70, s1  }
0x335: {  	s3 =	sor.u32 s1, s20;
	v2 =	vpop (erf)  }
0x336: {  	[tilespmem:s3+$0x0] =	vst v2  }
0x337: {  	v2 =	vld.idx.msk [tilespmem:v1+s17+$0x0], vm0;
	_ =	sdelay $0x5  }
0x338: {  	v2 =	vsub.f32 $0.0e+00, v2;
	_ =	sdelay $0x1  }
0x339: {  	v2 =	vmul.f32 $1.442695020e+00, v2;
	_ =	sdelay $0x1  }
0x33a: {  	v2 =	vnsel vm0, $0x0, v2  }
0x33b: {  	(erf) = vpow2.f32 v2;
	_ =	sdelay $0x8  }
0x33c: {  	v2 =	vpop (erf)  }
0x33d: {  	v2 =	vadd.f32 $1.000000000e+00, v2;
	_ =	sdelay $0x1  }
0x33e: {  	(erf) = vrcp.f32 v2;
	_ =	sdelay $0x8  }
0x33f: {  	v2 =	vpop (erf)  }
0x340: {  	[tilespmem:s3+$0x80] =	vst v2  }
0x341: {  	v2 =	vld.idx.msk [tilespmem:v1+s18+$0x0], vm0;
	_ =	sdelay $0x5  }
0x342: {  	v2 =	vsub.f32 $0.0e+00, v2;
	_ =	sdelay $0x1  }
0x343: {  	v2 =	vmul.f32 $1.442695020e+00, v2;
	_ =	sdelay $0x1  }
0x344: {  	v2 =	vnsel vm0, $0x0, v2  }
0x345: {  	(erf) = vpow2.f32 v2;
	_ =	sdelay $0x8  }
0x346: {  	v2 =	vpop (erf)  }
0x347: {  	v2 =	vadd.f32 $1.000000000e+00, v2;
	_ =	sdelay $0x1  }
0x348: {  	(erf) = vrcp.f32 v2;
	_ =	sdelay $0x8  }
0x349: {  	s12 =	sadd.s32 $0x80, s12;
	v2 =	vpop (erf)  }
0x34a: {  	s20 =	sshra.s32 s12, $0x2;
	[tilespmem:s3+$0x100] =	vst v2  }
0x34b: {  	v2 =	vld [tilespmem:s20+$0x9000]  }
0x34c: {  	v3 =	vld.idx.msk [tilespmem:v1+s19+$0x0], vm0;
	_ =	sdelay $0x1  }
.Ltmp23:
0x34d: {  	v1 =	vld [tilespmem:s20+$0xA000];
	(pc) =	sbr.rel @p0 .LBB2_39-.Ltmp23, $3  }
0x34e: {  	_ = 	snop  }
0x34f: {  	vm1 =	vgt.f32 v2, $5.000000000e-01;
	_ =	sdelay $0x1  }
0x350: {  	v2 =	vmax.f32 v3, $0.0e+00  }
0x351: {  	_ =	sdelay $0x2  }
0x352: {  	v2 =	vnsel vm0, $0x0, v2  }
0x353: {  	[tilespmem:s10+$0x8010] =	vst v2  }
0x354: {  	v2 =	vld.idx.msk [tilespmem:v1+s16+$0x0], vm1;
	_ =	sdelay $0x4  }
0x355: {  	v2 =	vsub.f32 $0.0e+00, v2;
	_ =	sdelay $0x1  }
0x356: {  	v2 =	vmul.f32 $1.442695020e+00, v2;
	_ =	sdelay $0x1  }
0x357: {  	v2 =	vnsel vm1, $0x0, v2  }
0x358: {  	(erf) = vpow2.f32 v2;
	_ =	sdelay $0x8  }
0x359: {  	v2 =	vpop (erf)  }
0x35a: {  	v2 =	vadd.f32 $1.000000000e+00, v2;
	_ =	sdelay $0x1  }
0x35b: {  	(erf) = vrcp.f32 v2;
	_ =	sdelay $0x6  }
0x35c: {  	s1 =	sand.u32 $0x3E00, s12  }
0x35d: {  	s3 =	sand.u32 $0x60, s11;
	s1 =	sor.u32 $0x4000, s1  }
0x35e: {  	s3 =	sor.u32 s3, s1;
	v2 =	vpop (erf)  }
0x35f: {  	[tilespmem:s3+$0x0] =	vst v2  }
0x360: {  	v2 =	vld.idx.msk [tilespmem:v1+s17+$0x0], vm1;
	_ =	sdelay $0x4  }
0x361: {  	v2 =	vsub.f32 $0.0e+00, v2;
	_ =	sdelay $0x1  }
0x362: {  	v2 =	vmul.f32 $1.442695020e+00, v2;
	_ =	sdelay $0x1  }
0x363: {  	v2 =	vnsel vm1, $0x0, v2  }
0x364: {  	(erf) = vpow2.f32 v2;
	_ =	sdelay $0x8  }
0x365: {  	v2 =	vpop (erf)  }
0x366: {  	v2 =	vadd.f32 $1.000000000e+00, v2;
	_ =	sdelay $0x1  }
0x367: {  	(erf) = vrcp.f32 v2;
	_ =	sdelay $0x8  }
0x368: {  	v2 =	vpop (erf)  }
0x369: {  	[tilespmem:s3+$0x80] =	vst v2  }
0x36a: {  	v2 =	vld.idx.msk [tilespmem:v1+s18+$0x0], vm1;
	_ =	sdelay $0x4  }
0x36b: {  	v2 =	vsub.f32 $0.0e+00, v2;
	_ =	sdelay $0x1  }
0x36c: {  	v2 =	vmul.f32 $1.442695020e+00, v2;
	_ =	sdelay $0x1  }
0x36d: {  	v2 =	vnsel vm1, $0x0, v2  }
0x36e: {  	(erf) = vpow2.f32 v2;
	_ =	sdelay $0x8  }
0x36f: {  	v2 =	vpop (erf)  }
0x370: {  	v2 =	vadd.f32 $1.000000000e+00, v2;
	_ =	sdelay $0x1  }
0x371: {  	(erf) = vrcp.f32 v2;
	_ =	sdelay $0x8  }
0x372: {  	v2 =	vpop (erf)  }
0x373: {  	[tilespmem:s3+$0x100] =	vst v2  }
0x374: {  	v2 =	vld [tilespmem:s20+$0x9010];
	_ =	sdelay $0x1  }
0x375: {  	v1 =	vld.idx.msk [tilespmem:v1+s19+$0x0], vm1  }
0x376: {  	v3 =	vld [tilespmem:s20+$0xA010];
	_ =	sdelay $0x1  }
0x377: {  	vm15 =	vgt.f32 v2, $5.000000000e-01;
	_ =	sdelay $0x2  }
0x378: {  	v1 =	vmax.f32 v1, $0.0e+00  }
0x379: {  	v1 =	vnsel vm1, $0x0, v1  }
0x37a: {  	[tilespmem:s20+$0x8000] =	vst v1  }
0x37b: {  	v1 =	vld.idx.msk [tilespmem:v3+s16+$0x0], vm15;
	_ =	sdelay $0x4  }
0x37c: {  	v1 =	vsub.f32 $0.0e+00, v1;
	_ =	sdelay $0x1  }
0x37d: {  	v1 =	vmul.f32 $1.442695020e+00, v1;
	_ =	sdelay $0x1  }
0x37e: {  	v1 =	vnsel vm15, $0x0, v1  }
0x37f: {  	(erf) = vpow2.f32 v1;
	_ =	sdelay $0x8  }
0x380: {  	v1 =	vpop (erf)  }
0x381: {  	v1 =	vadd.f32 $1.000000000e+00, v1;
	_ =	sdelay $0x1  }
0x382: {  	(erf) = vrcp.f32 v1;
	_ =	sdelay $0x6  }
0x383: {  	s10 =	sadd.s32 $0x10, s11  }
0x384: {  	s3 =	sand.u32 $0x70, s10  }
0x385: {  	s1 =	sor.u32 s3, s1;
	v1 =	vpop (erf)  }
0x386: {  	[tilespmem:s1+$0x0] =	vst v1  }
0x387: {  	v1 =	vld.idx.msk [tilespmem:v3+s17+$0x0], vm15;
	_ =	sdelay $0x4  }
0x388: {  	v1 =	vsub.f32 $0.0e+00, v1;
	_ =	sdelay $0x1  }
0x389: {  	v1 =	vmul.f32 $1.442695020e+00, v1;
	_ =	sdelay $0x1  }
0x38a: {  	v1 =	vnsel vm15, $0x0, v1  }
0x38b: {  	(erf) = vpow2.f32 v1;
	_ =	sdelay $0x8  }
0x38c: {  	v1 =	vpop (erf)  }
0x38d: {  	v1 =	vadd.f32 $1.000000000e+00, v1;
	_ =	sdelay $0x1  }
0x38e: {  	(erf) = vrcp.f32 v1;
	_ =	sdelay $0x8  }
0x38f: {  	v1 =	vpop (erf)  }
0x390: {  	[tilespmem:s1+$0x80] =	vst v1  }
0x391: {  	v1 =	vld.idx.msk [tilespmem:v3+s18+$0x0], vm15;
	_ =	sdelay $0x4  }
0x392: {  	v1 =	vsub.f32 $0.0e+00, v1;
	_ =	sdelay $0x1  }
0x393: {  	v1 =	vmul.f32 $1.442695020e+00, v1;
	_ =	sdelay $0x1  }
0x394: {  	v1 =	vnsel vm15, $0x0, v1  }
0x395: {  	(erf) = vpow2.f32 v1;
	_ =	sdelay $0x8  }
0x396: {  	v1 =	vpop (erf)  }
0x397: {  	v1 =	vadd.f32 $1.000000000e+00, v1;
	_ =	sdelay $0x1  }
0x398: {  	(erf) = vrcp.f32 v1;
	_ =	sdelay $0x8  }
0x399: {  	v1 =	vpop (erf)  }
0x39a: {  	[tilespmem:s1+$0x100] =	vst v1  }
0x39b: {  	v1 =	vld.idx.msk [tilespmem:v3+s19+$0x0], vm15;
	_ =	sdelay $0x4  }
0x39c: {  	v1 =	vmax.f32 v1, $0.0e+00  }
0x39d: {  	s11 =	rddreg [dreg:$0x5];
	v1 =	vnsel vm15, $0x0, v1  }
0x39e: {  	s12 =	simm.s32 $0x0;
	s0 =	sadd.s32 s11, s0;
	[tilespmem:s20+$0x8010] =	vst v1;
	s20 =	simm.s32 $0x4000  }
0x39f: {  	[hbm4b:s0+s12] =	stream.linear.scatter [tilespmem:s20], [sflag:$0x3], $0x4000, $0x38;
	[tilespmem:$0x1D000] =	vst v63  }
0x3a0: {  	_ =	swait.ge [sflag:s13], $0x4000  }
0x3a1: {  	[sflag:s13] =	ssyncset.done $0x0  }
0x3a2: {  	s21 =	rddreg [dreg:$0xd];
	[sflag:s13] =	ssyncadd.s32 $0xFFFFC000  }
0x3a3: {  	s30 =	sadd.s32 $0x1, s30;
	s0 =	sshrl.u32 s21, $0x3;
	s28 =	rddreg [dreg:$0x3]  }
0x3a4: {  	s29 =	simm.s32 $0x8000;
	p0 =	seq.s32 s30, $0x4;
	s0 =	sadd.s32 s28, s0  }
0x3a5: {  	[hbm4b:s0+s12] =	stream.linear.scatter [tilespmem:s29], [sflag:$0x3], $0x1000, $0x38;
	[tilespmem:$0x1D000] =	vst v63  }
.Ltmp24:
0x3a6: {  	_ = 	snop;
	(pc) =	sbr.rel @!p0 .LBB2_4-.Ltmp24, $4  }
.Ltmp25:
0x3a7: {  	_ = 	snop;
	(pc) =	sbr.rel @p0 .LBB2_41-.Ltmp25, $4  }
0x3a8: {  	_ =	swait.ge [sflag:s13], $0x1000  }
0x3a9: {  	[sflag:s13] =	ssyncset.done $0x0  }
0x3aa: {  	[sflag:s13] =	ssyncadd.s32 $0xFFFFF000  }
0x3ab: {  	_ = 	snop  }
.LBB2_8:
.Ltmp26:
0x3ac: {  	(pc) =	sbr.rel .LBB2_12-.Ltmp26, $2  }
0x3ad: {  	_ =	sdelay $0x2  }
0x3ae: {  	s1 =	simm.s32 $0xC000;
	s28 =	simm.s32 $0xD000;
	s21 =	simm.s32 $0xE000  }
.LBB2_27:
.Ltmp27:
0x3af: {  	(pc) =	sbr.rel .LBB2_31-.Ltmp27, $2  }
0x3b0: {  	_ =	sdelay $0x2  }
0x3b1: {  	s1 =	simm.s32 $0x16000;
	s21 =	simm.s32 $0x17000;
	s20 =	simm.s32 $0x18000  }
.LBB2_10:
.Ltmp28:
0x3b2: {  	(pc) =	sbr.rel .LBB2_12-.Ltmp28, $2  }
0x3b3: {  	_ =	sdelay $0x2  }
0x3b4: {  	s1 =	simm.s32 $0xC000;
	s28 =	simm.s32 $0xD000;
	s21 =	simm.s32 $0xE000  }
.LBB2_29:
.Ltmp29:
0x3b5: {  	(pc) =	sbr.rel .LBB2_31-.Ltmp29, $2  }
0x3b6: {  	_ =	sdelay $0x2  }
0x3b7: {  	s1 =	simm.s32 $0x16000;
	s21 =	simm.s32 $0x17000;
	s20 =	simm.s32 $0x18000  }
.LBB2_41:
0x3b8: {  	p0 =	sgt.s32 s4, $0x0  }
.Ltmp30:
0x3b9: {  	_ = 	snop;
	(pc) =	sbr.rel @!p0 .LBB2_45-.Ltmp30, $1  }
0x3ba: {  	_ =	sdelay $0x3  }
0x3bb: {  	_ =	swait.ge [sflag:s22], $0x80  }
0x3bc: {  	[sflag:s22] =	ssyncset.done $0x0  }
0x3bd: {  	[sflag:s22] =	ssyncadd.s32 $0xFFFFFF80  }
0x3be: {  	_ =	swait.ge [sflag:s22], $0x80  }
0x3bf: {  	[sflag:s22] =	ssyncset.done $0x0  }
0x3c0: {  	p0 =	sne.s32 s4, $0x1;
	[sflag:s22] =	ssyncadd.s32 $0xFFFFFF80  }
.Ltmp31:
0x3c1: {  	_ =	swait.ge [sflag:s22], $0x80;
	(pc) =	sbr.rel @!p0 .LBB2_44-.Ltmp31, $4  }
0x3c2: {  	[sflag:s22] =	ssyncset.done $0x0  }
0x3c3: {  	[sflag:s22] =	ssyncadd.s32 $0xFFFFFF80  }
0x3c4: {  	_ =	swait.ge [sflag:s22], $0x80  }
0x3c5: {  	s0 =	sadd.s32 $0xFFFFFFFF, s4;
	[sflag:s22] =	ssyncset.done $0x0  }
.LBB2_43:
0x3c6: {  	p0 =	sne.s32 s0, $0x1;
	s0 =	sadd.s32 $0xFFFFFFFF, s0;
	[sflag:s22] =	ssyncadd.s32 $0xFFFFFF80  }
0x3c7: {  	_ =	swait.ge [sflag:s22], $0x80  }
0x3c8: {  	[sflag:s22] =	ssyncset.done $0x0  }
0x3c9: {  	[sflag:s22] =	ssyncadd.s32 $0xFFFFFF80  }
0x3ca: {  	_ =	swait.ge [sflag:s22], $0x80  }
0x3cb: {  	[sflag:s22] =	ssyncset.done $0x0  }
0x3cc: {  	[sflag:s22] =	ssyncadd.s32 $0xFFFFFF80  }
.Ltmp32:
0x3cd: {  	_ =	swait.ge [sflag:s22], $0x80;
	(pc) =	sbr.rel @p0 .LBB2_43-.Ltmp32, $4  }
0x3ce: {  	[sflag:s22] =	ssyncset.done $0x0  }
0x3cf: {  	[sflag:s22] =	ssyncadd.s32 $0xFFFFFF80  }
0x3d0: {  	_ =	swait.ge [sflag:s22], $0x80  }
0x3d1: {  	[sflag:s22] =	ssyncset.done $0x0  }
.LBB2_44:
0x3d2: {  	[sflag:s22] =	ssyncadd.s32 $0xFFFFFF80  }
.LBB2_45:
0x3d3: {  	s0 =	simm.s32 $0x0  }
0x3d4: {  	v1 =	vld [tilespmem:s0+$0x13000];
	_ =	sdelay $0x2  }
0x3d5: {  	v2 =	vld [tilespmem:s0+$0x14000];
	_ =	sdelay $0x1  }
0x3d6: {  	vm1 =	vgt.f32 v1, $5.000000000e-01;
	_ =	sdelay $0x5  }
0x3d7: {  	v1 =	vld.idx.msk [tilespmem:v2+s23+$0x0], vm1;
	_ =	sdelay $0x4  }
0x3d8: {  	v1 =	vsub.f32 $0.0e+00, v1;
	_ =	sdelay $0x1  }
0x3d9: {  	v1 =	vmul.f32 $1.442695020e+00, v1;
	_ =	sdelay $0x1  }
0x3da: {  	v1 =	vnsel vm1, $0x0, v1  }
0x3db: {  	(erf) = vpow2.f32 v1;
	_ =	sdelay $0x8  }
0x3dc: {  	v1 =	vpop (erf)  }
0x3dd: {  	v1 =	vadd.f32 $1.000000000e+00, v1;
	_ =	sdelay $0x1  }
0x3de: {  	(erf) = vrcp.f32 v1;
	_ =	sdelay $0x5  }
0x3df: {  	s1 =	simm.s32 $0x0  }
0x3e0: {  	s3 =	sand.u32 $0x3E00, s1  }
0x3e1: {  	s1 =	sand.u32 $0x60, s1;
	s3 =	sor.u32 $0x4000, s3  }
0x3e2: {  	s1 =	sor.u32 s1, s3;
	v1 =	vpop (erf)  }
0x3e3: {  	[tilespmem:s1+$0x0] =	vst v1  }
0x3e4: {  	v1 =	vld.idx.msk [tilespmem:v2+s24+$0x0], vm1;
	_ =	sdelay $0x4  }
0x3e5: {  	v1 =	vsub.f32 $0.0e+00, v1;
	_ =	sdelay $0x1  }
0x3e6: {  	v1 =	vmul.f32 $1.442695020e+00, v1;
	_ =	sdelay $0x1  }
0x3e7: {  	v1 =	vnsel vm1, $0x0, v1  }
0x3e8: {  	(erf) = vpow2.f32 v1;
	_ =	sdelay $0x8  }
0x3e9: {  	v1 =	vpop (erf)  }
0x3ea: {  	v1 =	vadd.f32 $1.000000000e+00, v1;
	_ =	sdelay $0x1  }
0x3eb: {  	(erf) = vrcp.f32 v1;
	_ =	sdelay $0x8  }
0x3ec: {  	v1 =	vpop (erf)  }
0x3ed: {  	[tilespmem:s1+$0x80] =	vst v1  }
0x3ee: {  	v1 =	vld.idx.msk [tilespmem:v2+s25+$0x0], vm1;
	_ =	sdelay $0x4  }
0x3ef: {  	v1 =	vsub.f32 $0.0e+00, v1;
	_ =	sdelay $0x1  }
0x3f0: {  	v1 =	vmul.f32 $1.442695020e+00, v1;
	_ =	sdelay $0x1  }
0x3f1: {  	v1 =	vnsel vm1, $0x0, v1  }
0x3f2: {  	(erf) = vpow2.f32 v1;
	_ =	sdelay $0x8  }
0x3f3: {  	v1 =	vpop (erf)  }
0x3f4: {  	v1 =	vadd.f32 $1.000000000e+00, v1;
	_ =	sdelay $0x1  }
0x3f5: {  	(erf) = vrcp.f32 v1;
	_ =	sdelay $0x8  }
0x3f6: {  	v1 =	vpop (erf)  }
0x3f7: {  	[tilespmem:s1+$0x100] =	vst v1  }
0x3f8: {  	v1 =	vld [tilespmem:s0+$0x13010];
	_ =	sdelay $0x1  }
0x3f9: {  	v2 =	vld.idx.msk [tilespmem:v2+s26+$0x0], vm1  }
0x3fa: {  	v3 =	vld [tilespmem:s0+$0x14010];
	_ =	sdelay $0x1  }
0x3fb: {  	vm0 =	vgt.f32 v1, $5.000000000e-01;
	_ =	sdelay $0x2  }
0x3fc: {  	v1 =	vmax.f32 v2, $0.0e+00  }
0x3fd: {  	v1 =	vnsel vm1, $0x0, v1  }
0x3fe: {  	[tilespmem:s0+$0x8000] =	vst v1  }
0x3ff: {  	v1 =	vld.idx.msk [tilespmem:v3+s23+$0x0], vm0;
	_ =	sdelay $0x4  }
0x400: {  	v1 =	vsub.f32 $0.0e+00, v1;
	_ =	sdelay $0x1  }
0x401: {  	v1 =	vmul.f32 $1.442695020e+00, v1;
	_ =	sdelay $0x1  }
0x402: {  	v1 =	vnsel vm0, $0x0, v1  }
0x403: {  	(erf) = vpow2.f32 v1;
	_ =	sdelay $0x8  }
0x404: {  	v1 =	vpop (erf)  }
0x405: {  	v1 =	vadd.f32 $1.000000000e+00, v1;
	_ =	sdelay $0x1  }
0x406: {  	(erf) = vrcp.f32 v1;
	_ =	sdelay $0x6  }
0x407: {  	s30 =	simm.s32 $0x10  }
0x408: {  	s1 =	sand.u32 $0x70, s30  }
0x409: {  	s1 =	sor.u32 s1, s3;
	v1 =	vpop (erf)  }
0x40a: {  	[tilespmem:s1+$0x0] =	vst v1  }
0x40b: {  	v1 =	vld.idx.msk [tilespmem:v3+s24+$0x0], vm0;
	_ =	sdelay $0x4  }
0x40c: {  	v1 =	vsub.f32 $0.0e+00, v1;
	_ =	sdelay $0x1  }
0x40d: {  	v1 =	vmul.f32 $1.442695020e+00, v1;
	_ =	sdelay $0x1  }
0x40e: {  	v1 =	vnsel vm0, $0x0, v1  }
0x40f: {  	(erf) = vpow2.f32 v1;
	_ =	sdelay $0x8  }
0x410: {  	v1 =	vpop (erf)  }
0x411: {  	v1 =	vadd.f32 $1.000000000e+00, v1;
	_ =	sdelay $0x1  }
0x412: {  	(erf) = vrcp.f32 v1;
	_ =	sdelay $0x8  }
0x413: {  	v1 =	vpop (erf)  }
0x414: {  	[tilespmem:s1+$0x80] =	vst v1  }
0x415: {  	v1 =	vld.idx.msk [tilespmem:v3+s25+$0x0], vm0;
	_ =	sdelay $0x4  }
0x416: {  	v1 =	vsub.f32 $0.0e+00, v1;
	_ =	sdelay $0x1  }
0x417: {  	v1 =	vmul.f32 $1.442695020e+00, v1;
	_ =	sdelay $0x1  }
0x418: {  	v1 =	vnsel vm0, $0x0, v1  }
0x419: {  	(erf) = vpow2.f32 v1;
	_ =	sdelay $0x8  }
0x41a: {  	v1 =	vpop (erf)  }
0x41b: {  	v1 =	vadd.f32 $1.000000000e+00, v1;
	_ =	sdelay $0x1  }
0x41c: {  	(erf) = vrcp.f32 v1;
	_ =	sdelay $0x8  }
0x41d: {  	v1 =	vpop (erf)  }
0x41e: {  	s11 =	simm.s32 $0x20;
	[tilespmem:s1+$0x100] =	vst v1  }
0x41f: {  	v2 =	vld [tilespmem:s11+$0x13000];
	_ =	sdelay $0x1  }
0x420: {  	v3 =	vld.idx.msk [tilespmem:v3+s26+$0x0], vm0  }
0x421: {  	v1 =	vld [tilespmem:s11+$0x14000];
	_ =	sdelay $0x1  }
0x422: {  	vm1 =	vgt.f32 v2, $5.000000000e-01;
	_ =	sdelay $0x1  }
0x423: {  	s4 =	simm.s32 $0x20;
	s9 =	simm.s32 $0x40;
	s10 =	simm.s32 $0x80;
	v2 =	vmax.f32 v3, $0.0e+00  }
.LBB2_46:
0x424: {  	p0 =	sne.s32 s9, $0xFE0;
	v2 =	vnsel vm0, $0x0, v2;
	s3 =	smov.u32 s9;
	s9 =	sadd.s32 $0x20, s9  }
0x425: {  	[tilespmem:s0+$0x8010] =	vst v2;
	s0 =	smov.u32 s11;
	_ =	sdelay $0x1  }
0x426: {  	v2 =	vld.idx.msk [tilespmem:v1+s23+$0x0], vm1;
	_ =	sdelay $0x5  }
0x427: {  	v2 =	vsub.f32 $0.0e+00, v2;
	_ =	sdelay $0x1  }
0x428: {  	v2 =	vmul.f32 $1.442695020e+00, v2;
	_ =	sdelay $0x1  }
0x429: {  	v2 =	vnsel vm1, $0x0, v2  }
0x42a: {  	(erf) = vpow2.f32 v2;
	_ =	sdelay $0x8  }
0x42b: {  	v2 =	vpop (erf)  }
0x42c: {  	v2 =	vadd.f32 $1.000000000e+00, v2;
	_ =	sdelay $0x1  }
0x42d: {  	(erf) = vrcp.f32 v2;
	_ =	sdelay $0x6  }
0x42e: {  	s1 =	sand.u32 $0x3E00, s10  }
0x42f: {  	s5 =	sand.u32 $0x60, s4;
	s11 =	sor.u32 $0x4000, s1  }
0x430: {  	s12 =	sor.u32 s5, s11;
	v2 =	vpop (erf)  }
0x431: {  	[tilespmem:s12+$0x0] =	vst v2  }
0x432: {  	v2 =	vld.idx.msk [tilespmem:v1+s24+$0x0], vm1;
	_ =	sdelay $0x5  }
0x433: {  	v2 =	vsub.f32 $0.0e+00, v2;
	_ =	sdelay $0x1  }
0x434: {  	v2 =	vmul.f32 $1.442695020e+00, v2;
	_ =	sdelay $0x1  }
0x435: {  	v2 =	vnsel vm1, $0x0, v2  }
0x436: {  	(erf) = vpow2.f32 v2;
	_ =	sdelay $0x8  }
0x437: {  	v2 =	vpop (erf)  }
0x438: {  	v2 =	vadd.f32 $1.000000000e+00, v2;
	_ =	sdelay $0x1  }
0x439: {  	(erf) = vrcp.f32 v2;
	_ =	sdelay $0x8  }
0x43a: {  	v2 =	vpop (erf)  }
0x43b: {  	[tilespmem:s12+$0x80] =	vst v2  }
0x43c: {  	v2 =	vld.idx.msk [tilespmem:v1+s25+$0x0], vm1;
	_ =	sdelay $0x5  }
0x43d: {  	v2 =	vsub.f32 $0.0e+00, v2;
	_ =	sdelay $0x1  }
0x43e: {  	v2 =	vmul.f32 $1.442695020e+00, v2;
	_ =	sdelay $0x1  }
0x43f: {  	v2 =	vnsel vm1, $0x0, v2  }
0x440: {  	(erf) = vpow2.f32 v2;
	_ =	sdelay $0x8  }
0x441: {  	v2 =	vpop (erf)  }
0x442: {  	v2 =	vadd.f32 $1.000000000e+00, v2;
	_ =	sdelay $0x1  }
0x443: {  	(erf) = vrcp.f32 v2;
	_ =	sdelay $0x8  }
0x444: {  	v2 =	vpop (erf)  }
0x445: {  	[tilespmem:s12+$0x100] =	vst v2  }
0x446: {  	v2 =	vld [tilespmem:s0+$0x13010];
	_ =	sdelay $0x1  }
0x447: {  	v3 =	vld.idx.msk [tilespmem:v1+s26+$0x0], vm1  }
0x448: {  	v1 =	vld [tilespmem:s0+$0x14010];
	_ =	sdelay $0x1  }
0x449: {  	vm0 =	vgt.f32 v2, $5.000000000e-01;
	_ =	sdelay $0x2  }
0x44a: {  	v2 =	vmax.f32 v3, $0.0e+00  }
0x44b: {  	v2 =	vnsel vm1, $0x0, v2  }
0x44c: {  	[tilespmem:s0+$0x8000] =	vst v2  }
0x44d: {  	v2 =	vld.idx.msk [tilespmem:v1+s23+$0x0], vm0;
	_ =	sdelay $0x5  }
0x44e: {  	v2 =	vsub.f32 $0.0e+00, v2;
	_ =	sdelay $0x1  }
0x44f: {  	v2 =	vmul.f32 $1.442695020e+00, v2;
	_ =	sdelay $0x1  }
0x450: {  	v2 =	vnsel vm0, $0x0, v2  }
0x451: {  	(erf) = vpow2.f32 v2;
	_ =	sdelay $0x8  }
0x452: {  	v2 =	vpop (erf)  }
0x453: {  	v2 =	vadd.f32 $1.000000000e+00, v2;
	_ =	sdelay $0x1  }
0x454: {  	(erf) = vrcp.f32 v2;
	_ =	sdelay $0x6  }
0x455: {  	s1 =	sadd.s32 $0x10, s4;
	s4 =	smov.u32 s3  }
0x456: {  	s1 =	sand.u32 $0x70, s1  }
0x457: {  	s3 =	sor.u32 s1, s11;
	v2 =	vpop (erf)  }
0x458: {  	[tilespmem:s3+$0x0] =	vst v2  }
0x459: {  	v2 =	vld.idx.msk [tilespmem:v1+s24+$0x0], vm0;
	_ =	sdelay $0x5  }
0x45a: {  	v2 =	vsub.f32 $0.0e+00, v2;
	_ =	sdelay $0x1  }
0x45b: {  	v2 =	vmul.f32 $1.442695020e+00, v2;
	_ =	sdelay $0x1  }
0x45c: {  	v2 =	vnsel vm0, $0x0, v2  }
0x45d: {  	(erf) = vpow2.f32 v2;
	_ =	sdelay $0x8  }
0x45e: {  	v2 =	vpop (erf)  }
0x45f: {  	v2 =	vadd.f32 $1.000000000e+00, v2;
	_ =	sdelay $0x1  }
0x460: {  	(erf) = vrcp.f32 v2;
	_ =	sdelay $0x8  }
0x461: {  	v2 =	vpop (erf)  }
0x462: {  	[tilespmem:s3+$0x80] =	vst v2  }
0x463: {  	v2 =	vld.idx.msk [tilespmem:v1+s25+$0x0], vm0;
	_ =	sdelay $0x5  }
0x464: {  	v2 =	vsub.f32 $0.0e+00, v2;
	_ =	sdelay $0x1  }
0x465: {  	v2 =	vmul.f32 $1.442695020e+00, v2;
	_ =	sdelay $0x1  }
0x466: {  	v2 =	vnsel vm0, $0x0, v2  }
0x467: {  	(erf) = vpow2.f32 v2;
	_ =	sdelay $0x8  }
0x468: {  	v2 =	vpop (erf)  }
0x469: {  	v2 =	vadd.f32 $1.000000000e+00, v2;
	_ =	sdelay $0x1  }
0x46a: {  	(erf) = vrcp.f32 v2;
	_ =	sdelay $0x8  }
0x46b: {  	s10 =	sadd.s32 $0x80, s10;
	v2 =	vpop (erf)  }
0x46c: {  	s11 =	sshra.s32 s10, $0x2;
	[tilespmem:s3+$0x100] =	vst v2  }
0x46d: {  	v2 =	vld [tilespmem:s11+$0x13000]  }
0x46e: {  	v3 =	vld.idx.msk [tilespmem:v1+s26+$0x0], vm0;
	_ =	sdelay $0x1  }
.Ltmp33:
0x46f: {  	v1 =	vld [tilespmem:s11+$0x14000];
	(pc) =	sbr.rel @p0 .LBB2_46-.Ltmp33, $3  }
0x470: {  	_ = 	snop  }
0x471: {  	vm1 =	vgt.f32 v2, $5.000000000e-01;
	_ =	sdelay $0x1  }
0x472: {  	v2 =	vmax.f32 v3, $0.0e+00  }
0x473: {  	_ =	sdelay $0x2  }
0x474: {  	v2 =	vnsel vm0, $0x0, v2  }
0x475: {  	[tilespmem:s0+$0x8010] =	vst v2  }
0x476: {  	v2 =	vld.idx.msk [tilespmem:v1+s23+$0x0], vm1;
	_ =	sdelay $0x4  }
0x477: {  	v2 =	vsub.f32 $0.0e+00, v2;
	_ =	sdelay $0x1  }
0x478: {  	v2 =	vmul.f32 $1.442695020e+00, v2;
	_ =	sdelay $0x1  }
0x479: {  	v2 =	vnsel vm1, $0x0, v2  }
0x47a: {  	(erf) = vpow2.f32 v2;
	_ =	sdelay $0x8  }
0x47b: {  	v2 =	vpop (erf)  }
0x47c: {  	v2 =	vadd.f32 $1.000000000e+00, v2;
	_ =	sdelay $0x1  }
0x47d: {  	(erf) = vrcp.f32 v2;
	_ =	sdelay $0x6  }
0x47e: {  	s9 =	sand.u32 $0x3E00, s10  }
0x47f: {  	s1 =	sand.u32 $0x60, s4;
	s0 =	sor.u32 $0x4000, s9  }
0x480: {  	s1 =	sor.u32 s1, s0;
	v2 =	vpop (erf)  }
0x481: {  	[tilespmem:s1+$0x0] =	vst v2  }
0x482: {  	v2 =	vld.idx.msk [tilespmem:v1+s24+$0x0], vm1;
	_ =	sdelay $0x4  }
0x483: {  	v2 =	vsub.f32 $0.0e+00, v2;
	_ =	sdelay $0x1  }
0x484: {  	v2 =	vmul.f32 $1.442695020e+00, v2;
	_ =	sdelay $0x1  }
0x485: {  	v2 =	vnsel vm1, $0x0, v2  }
0x486: {  	(erf) = vpow2.f32 v2;
	_ =	sdelay $0x8  }
0x487: {  	v2 =	vpop (erf)  }
0x488: {  	v2 =	vadd.f32 $1.000000000e+00, v2;
	_ =	sdelay $0x1  }
0x489: {  	(erf) = vrcp.f32 v2;
	_ =	sdelay $0x8  }
0x48a: {  	v2 =	vpop (erf)  }
0x48b: {  	[tilespmem:s1+$0x80] =	vst v2  }
0x48c: {  	v2 =	vld.idx.msk [tilespmem:v1+s25+$0x0], vm1;
	_ =	sdelay $0x4  }
0x48d: {  	v2 =	vsub.f32 $0.0e+00, v2;
	_ =	sdelay $0x1  }
0x48e: {  	v2 =	vmul.f32 $1.442695020e+00, v2;
	_ =	sdelay $0x1  }
0x48f: {  	v2 =	vnsel vm1, $0x0, v2  }
0x490: {  	(erf) = vpow2.f32 v2;
	_ =	sdelay $0x8  }
0x491: {  	v2 =	vpop (erf)  }
0x492: {  	v2 =	vadd.f32 $1.000000000e+00, v2;
	_ =	sdelay $0x1  }
0x493: {  	(erf) = vrcp.f32 v2;
	_ =	sdelay $0x8  }
0x494: {  	v2 =	vpop (erf)  }
0x495: {  	[tilespmem:s1+$0x100] =	vst v2  }
0x496: {  	v2 =	vld [tilespmem:s11+$0x13010];
	_ =	sdelay $0x1  }
0x497: {  	v1 =	vld.idx.msk [tilespmem:v1+s26+$0x0], vm1  }
0x498: {  	v3 =	vld [tilespmem:s11+$0x14010];
	_ =	sdelay $0x1  }
0x499: {  	vm15 =	vgt.f32 v2, $5.000000000e-01;
	_ =	sdelay $0x2  }
0x49a: {  	v1 =	vmax.f32 v1, $0.0e+00  }
0x49b: {  	v1 =	vnsel vm1, $0x0, v1  }
0x49c: {  	[tilespmem:s11+$0x8000] =	vst v1  }
0x49d: {  	v1 =	vld.idx.msk [tilespmem:v3+s23+$0x0], vm15;
	_ =	sdelay $0x4  }
0x49e: {  	v1 =	vsub.f32 $0.0e+00, v1;
	_ =	sdelay $0x1  }
0x49f: {  	v1 =	vmul.f32 $1.442695020e+00, v1;
	_ =	sdelay $0x1  }
0x4a0: {  	v1 =	vnsel vm15, $0x0, v1  }
0x4a1: {  	(erf) = vpow2.f32 v1;
	_ =	sdelay $0x8  }
0x4a2: {  	v1 =	vpop (erf)  }
0x4a3: {  	v1 =	vadd.f32 $1.000000000e+00, v1;
	_ =	sdelay $0x1  }
0x4a4: {  	(erf) = vrcp.f32 v1;
	_ =	sdelay $0x6  }
0x4a5: {  	s10 =	sadd.s32 $0x10, s4  }
0x4a6: {  	s1 =	sand.u32 $0x70, s10  }
0x4a7: {  	s0 =	sor.u32 s1, s0;
	v1 =	vpop (erf)  }
0x4a8: {  	[tilespmem:s0+$0x0] =	vst v1  }
0x4a9: {  	v1 =	vld.idx.msk [tilespmem:v3+s24+$0x0], vm15;
	_ =	sdelay $0x4  }
0x4aa: {  	v1 =	vsub.f32 $0.0e+00, v1;
	_ =	sdelay $0x1  }
0x4ab: {  	v1 =	vmul.f32 $1.442695020e+00, v1;
	_ =	sdelay $0x1  }
0x4ac: {  	v1 =	vnsel vm15, $0x0, v1  }
0x4ad: {  	(erf) = vpow2.f32 v1;
	_ =	sdelay $0x8  }
0x4ae: {  	v1 =	vpop (erf)  }
0x4af: {  	v1 =	vadd.f32 $1.000000000e+00, v1;
	_ =	sdelay $0x1  }
0x4b0: {  	(erf) = vrcp.f32 v1;
	_ =	sdelay $0x8  }
0x4b1: {  	v1 =	vpop (erf)  }
0x4b2: {  	[tilespmem:s0+$0x80] =	vst v1  }
0x4b3: {  	v1 =	vld.idx.msk [tilespmem:v3+s25+$0x0], vm15;
	_ =	sdelay $0x4  }
0x4b4: {  	v1 =	vsub.f32 $0.0e+00, v1;
	_ =	sdelay $0x1  }
0x4b5: {  	v1 =	vmul.f32 $1.442695020e+00, v1;
	_ =	sdelay $0x1  }
0x4b6: {  	v1 =	vnsel vm15, $0x0, v1  }
0x4b7: {  	(erf) = vpow2.f32 v1;
	_ =	sdelay $0x8  }
0x4b8: {  	v1 =	vpop (erf)  }
0x4b9: {  	v1 =	vadd.f32 $1.000000000e+00, v1;
	_ =	sdelay $0x1  }
0x4ba: {  	(erf) = vrcp.f32 v1;
	_ =	sdelay $0x8  }
0x4bb: {  	v1 =	vpop (erf)  }
0x4bc: {  	[tilespmem:s0+$0x100] =	vst v1  }
0x4bd: {  	v1 =	vld.idx.msk [tilespmem:v3+s26+$0x0], vm15;
	_ =	sdelay $0x4  }
0x4be: {  	v1 =	vmax.f32 v1, $0.0e+00  }
0x4bf: {  	v1 =	vnsel vm15, $0x0, v1  }
0x4c0: {  	s12 =	simm.s32 $0x0;
	s20 =	rddreg [dreg:$0x9];
	s3 =	simm.s32 $0x4000;
	[tilespmem:s11+$0x8010] =	vst v1  }
0x4c1: {  	[hbm4b:s20+s12] =	stream.linear.scatter [tilespmem:s3], [sflag:$0x3], $0x4000, $0x38;
	[tilespmem:$0x1D000] =	vst v63  }
0x4c2: {  	_ =	swait.ge [sflag:s13], $0x4000  }
0x4c3: {  	[sflag:s13] =	ssyncset.done $0x0  }
0x4c4: {  	s28 =	simm.s32 $0x8000;
	s21 =	rddreg [dreg:$0xa];
	[sflag:s13] =	ssyncadd.s32 $0xFFFFC000  }
0x4c5: {  	[hbm4b:s21+s12] =	stream.linear.scatter [tilespmem:s28], [sflag:$0x3], $0x1000, $0x38;
	[tilespmem:$0x1D000] =	vst v63  }
0x4c6: {  	_ =	swait.ge [sflag:s13], $0x1000  }
0x4c7: {  	s29 =	rddreg [dreg:$0xc]  }
0x4c8: {  	s30 =	rddreg [dreg:$0xb];
	s1 =	sadd.s32 $0x1, s29  }
0x4c9: {  	p0 =	sne.s32 s1, s30  }
.Ltmp34:
0x4ca: {  	_ = 	snop;
	(pc) =	sbr.rel @p0 .LBB2_1-.Ltmp34, $3  }
0x4cb: {  	_ =	sdelay $0x1  }
0x4cc: {  	[sflag:s13] =	ssyncset.done $0x0  }
0x4cd: {  	[sflag:s13] =	ssyncadd.s32 $0xFFFFF000  }
0x4ce: {  	_ =	sfence.sel $0x180000  }
0x4cf: {  	[bflag:$0x0] =	sbarrier.arrive $0xFFFF  }
0x4d0: {  	_ =	strace $0x90000047  }
0x4d1: {  	s0 =	stileid.u32;
	[bflag:$0x2] =	sbarrier.arrive $0xFFFF  }
0x4d2: {  	p0 =	sne.s32 s0, $0x0;
	s0 =	rddreg [dreg:$0x4]  }
0x4d3: {  	s0 =	sadd.s32 @!p0 $0x100000, s0  }
0x4d4: {  	[sflag:s0] =	ssyncadd.tile.s32 @!p0 $0x1;
	_ =	shalt  }
.Lfunc_end2:
_tile_overlayer_lowered:
.L_overlay_start_2:
0x4d5: {  	(tag) =	ssettag $0x2  }
0x4d6: {  	s0 =	rddreg [dreg:$0x0];
	s2 =	stileid.u32  }
0x4d7: {  	s1 =	rddreg [dreg:$0x1];
	p0 =	sne.s32 s2, $0x0  }
0x4d8: {  	s3 =	rddreg [dreg:$0x2];
	[bflag:$0x3] =	sbarrier.arrive $0xFFFF;
	s2 =	simm.s32 @!p0 $0x1C03  }
0x4d9: {  	[timem:s3], [sflag:s2] =	dma.local @!p0 [hbm:s0], s1  }
0x4da: {  	s0 =	simm.s32 @!p0 $0x3  }
0x4db: {  	_ =	swait.ge @!p0 [sflag:s0], s1  }
0x4dc: {  	s1 =	ssub.s32 @!p0 $0x0, s1;
	[sflag:s0] =	ssyncset.done @!p0 $0x0  }
0x4dd: {  	[sflag:s0] =	ssyncadd.s32 @!p0 s1  }
0x4de: {  	[bflag:$0x3] =	sbarrier.arrive $0xFFFF  }
0x4df: {  	_ =	shalt  }

</sc_bundles>
